<compile_context>
chip_gen: v7x
topology: tpu7x:2x2x1
jax: 0.10.2.dev20260603
libtpu: 0.0.44.dev20260713+nightly
codegen_flags: <defaults>
</compile_context>

<pallas_src>
import jax
import jax.numpy as jnp
from jax import lax
from jax.experimental import pallas as pl
from jax.experimental.pallas import tpu as pltpu
from jax.experimental.pallas import tpu_sc as plsc

BATCH = 16384
D = 128
NC = 2
NS = 16
NW = NC * NS
BPW = BATCH // NW
C = 64
NCHUNK = BPW // C
NBUF = 4
LANES = 16


def _gmf_body(uid_hbm, iid_hbm, ut_hbm, it_hbm, out_hbm,
              idx_u, idx_i, u_rows, i_rows, o_rows,
              sg0, sg1, sg2, sg3, so0, so1, so2, so3, sem_idx):
    sem_g = [sg0, sg1, sg2, sg3]
    sem_o = [so0, so1, so2, so3]
    wid = lax.axis_index("s") * NC + lax.axis_index("c")
    base = wid * BPW

    ci_u = pltpu.async_copy(uid_hbm.at[pl.ds(base, BPW)], idx_u, sem_idx)
    ci_i = pltpu.async_copy(iid_hbm.at[pl.ds(base, BPW)], idx_i, sem_idx)
    ci_u.wait()
    ci_i.wait()

    def issue_gather(k):
        b = k % NBUF
        sl = pl.ds(k * C, C)
        cu = pltpu.async_copy(ut_hbm.at[idx_u.at[sl]], u_rows.at[b], sem_g[b])
        ci = pltpu.async_copy(it_hbm.at[idx_i.at[sl]], i_rows.at[b], sem_g[b])
        return (cu, ci)

    pend_g = [None] * NCHUNK
    pend_o = [None] * NCHUNK
    for k in range(NBUF):
        pend_g[k] = issue_gather(k)
    for k in range(NCHUNK):
        b = k % NBUF
        cu, ci = pend_g[k]
        cu.wait()
        ci.wait()
        if k >= NBUF:
            pend_o[k - NBUF].wait()

        @plsc.parallel_loop(0, C, step=1, unroll=1)
        def _(r):
            for c in range(D // LANES):
                sl = pl.ds(c * LANES, LANES)
                o_rows[b, r, sl] = u_rows[b, r, sl] * i_rows[b, r, sl]

        if k + NBUF < NCHUNK:
            pend_g[k + NBUF] = issue_gather(k + NBUF)
        off = base + k * C
        pend_o[k] = pltpu.async_copy(
            o_rows.at[b], out_hbm.at[pl.ds(off, C)], sem_o[b])
    for k in range(max(0, NCHUNK - NBUF), NCHUNK):
        pend_o[k].wait()


def kernel(user_ids, item_ids, user_table, item_table):
    mesh = plsc.VectorSubcoreMesh(core_axis_name="c", subcore_axis_name="s")
    f = pl.kernel(
        _gmf_body,
        out_type=jax.ShapeDtypeStruct((BATCH, D), jnp.float32),
        mesh=mesh,
        scratch_types=[
            pltpu.VMEM((BPW,), jnp.int32),
            pltpu.VMEM((BPW,), jnp.int32),
            pltpu.VMEM((NBUF, C, D), jnp.float32),
            pltpu.VMEM((NBUF, C, D), jnp.float32),
            pltpu.VMEM((NBUF, C, D), jnp.float32),
            pltpu.SemaphoreType.DMA,
            pltpu.SemaphoreType.DMA,
            pltpu.SemaphoreType.DMA,
            pltpu.SemaphoreType.DMA,
            pltpu.SemaphoreType.DMA,
            pltpu.SemaphoreType.DMA,
            pltpu.SemaphoreType.DMA,
            pltpu.SemaphoreType.DMA,
            pltpu.SemaphoreType.DMA,
        ],
    )
    return f(user_ids.astype(jnp.int32), item_ids.astype(jnp.int32),
             user_table, item_table)

# --- scband reference (transcript-rebuilt; emitter-appended) ---
"""Pipeline reference for scband-gmf-20693152432514 (READ-ONLY COPY).

The authoritative reference and input builder live on the scoring server;
editing this copy changes nothing except your own understanding.
"""

import jax, jax.numpy as jnp
import numpy as np

N_USERS = 100000
N_ITEMS = 1000000
EMBED_DIM = 128
BATCH = 16384


def setup_inputs(seed: int = 0) -> dict:
    key = jax.random.key(seed)
    k1, k2, k3, k4 = jax.random.split(key, 4)
    user_ids = jax.random.randint(k1, (BATCH,), 0, N_USERS, dtype=jnp.int64 if jax.config.jax_enable_x64 else jnp.int32)
    item_ids = jax.random.randint(k2, (BATCH,), 0, N_ITEMS, dtype=jnp.int64 if jax.config.jax_enable_x64 else jnp.int32)
    user_table = jax.random.normal(k3, (N_USERS, EMBED_DIM), dtype=jnp.float32) * 0.01
    item_table = jax.random.normal(k4, (N_ITEMS, EMBED_DIM), dtype=jnp.float32) * 0.01
    return {
        "user_ids": user_ids,
        "item_ids": item_ids,
        "user_table": user_table,
        "item_table": item_table,
    }


def reference(user_ids, item_ids, user_table, item_table):
    # GMF forward: gather embeddings then elementwise product
    user_embed = jnp.take(user_table, user_ids, axis=0)
    item_embed = jnp.take(item_table, item_ids, axis=0)
    return user_embed * item_embed

if __name__ == "__main__":
    import jax
    _d = setup_inputs()
    print(jax.jit(kernel)(*tuple(_d.values())))

</pallas_src>

<mosaic_0001>
#map = affine_map<(d0, d1) -> (0)>
#map1 = affine_map<(d0, d1) -> (0, 0)>
module attributes {stable_mosaic.version = 14 : i64} {
  func.func @_gmf_body(%arg0: i32, %arg1: i32, %arg2: memref<16384xi32, #tpu.memory_space<hbm>>, %arg3: memref<16384xi32, #tpu.memory_space<hbm>>, %arg4: memref<100000x128xf32, #tpu.memory_space<hbm>>, %arg5: memref<1000000x128xf32, #tpu.memory_space<hbm>>, %arg6: memref<16384x128xf32, #tpu.memory_space<hbm>>, %arg7: memref<512xi32, #tpu.memory_space<vmem>>, %arg8: memref<512xi32, #tpu.memory_space<vmem>>, %arg9: memref<4x64x128xf32, #tpu.memory_space<vmem>>, %arg10: memref<4x64x128xf32, #tpu.memory_space<vmem>>, %arg11: memref<4x64x128xf32, #tpu.memory_space<vmem>>, %arg12: memref<!tpu.dma_semaphore, #tpu.memory_space<semaphore_mem>>, %arg13: memref<!tpu.dma_semaphore, #tpu.memory_space<semaphore_mem>>, %arg14: memref<!tpu.dma_semaphore, #tpu.memory_space<semaphore_mem>>, %arg15: memref<!tpu.dma_semaphore, #tpu.memory_space<semaphore_mem>>, %arg16: memref<!tpu.dma_semaphore, #tpu.memory_space<semaphore_mem>>, %arg17: memref<!tpu.dma_semaphore, #tpu.memory_space<semaphore_mem>>, %arg18: memref<!tpu.dma_semaphore, #tpu.memory_space<semaphore_mem>>, %arg19: memref<!tpu.dma_semaphore, #tpu.memory_space<semaphore_mem>>, %arg20: memref<!tpu.dma_semaphore, #tpu.memory_space<semaphore_mem>>) attributes {dimension_semantics = [#tpu.dimension_semantics<core_parallel>, #tpu.dimension_semantics<subcore_parallel>], iteration_bounds = array<i64: 2, 16>, scalar_prefetch = 0 : i64, scratch_operands = 14 : i64, tpu.core_type = #tpu.core_type<sc_vector_subcore>, window_params = [{transform_indices = #map}, {transform_indices = #map}, {transform_indices = #map1}, {transform_indices = #map1}, {transform_indices = #map1}]} {
    %mul3A = arith.constant 2 : i32
    %mul3A_0 = arith.muli %arg1, %mul3A : i32
    %add3A = arith.addi %mul3A_0, %arg0 : i32
    %mul3A_1 = arith.constant 512 : i32
    %mul3A_2 = arith.muli %add3A, %mul3A_1 : i32
    %dma_start3A = tpu.memref_slice %arg2[%mul3A_2] : memref<16384xi32, #tpu.memory_space<hbm>> -> memref<512xi32, #tpu.memory_space<hbm>>
    %dma_start3A_3 = tpu.memref_slice %arg2[%mul3A_2] : memref<16384xi32, #tpu.memory_space<hbm>> -> memref<512xi32, #tpu.memory_space<hbm>>
    tpu.enqueue_dma source(%dma_start3A_3 : memref<512xi32, #tpu.memory_space<hbm>>) target(%arg7 : memref<512xi32, #tpu.memory_space<vmem>>) target_semaphore(%arg20 : memref<!tpu.dma_semaphore, #tpu.memory_space<semaphore_mem>>)
    %dma_start3A_4 = tpu.memref_slice %arg3[%mul3A_2] : memref<16384xi32, #tpu.memory_space<hbm>> -> memref<512xi32, #tpu.memory_space<hbm>>
    %dma_start3A_5 = tpu.memref_slice %arg3[%mul3A_2] : memref<16384xi32, #tpu.memory_space<hbm>> -> memref<512xi32, #tpu.memory_space<hbm>>
    tpu.enqueue_dma source(%dma_start3A_5 : memref<512xi32, #tpu.memory_space<hbm>>) target(%arg8 : memref<512xi32, #tpu.memory_space<vmem>>) target_semaphore(%arg20 : memref<!tpu.dma_semaphore, #tpu.memory_space<semaphore_mem>>)
    %dma_wait3A = tpu.memref_slice %arg2[%mul3A_2] : memref<16384xi32, #tpu.memory_space<hbm>> -> memref<512xi32, #tpu.memory_space<hbm>>
    %dma_wait3A_6 = tpu.memref_slice %arg2[%mul3A_2] : memref<16384xi32, #tpu.memory_space<hbm>> -> memref<512xi32, #tpu.memory_space<hbm>>
    tpu.wait_dma2 semaphore(%arg20 : memref<!tpu.dma_semaphore, #tpu.memory_space<semaphore_mem>>) src(%dma_wait3A_6 : memref<512xi32, #tpu.memory_space<hbm>>) dst(%arg7 : memref<512xi32, #tpu.memory_space<vmem>>)
    %dma_wait3A_7 = tpu.memref_slice %arg3[%mul3A_2] : memref<16384xi32, #tpu.memory_space<hbm>> -> memref<512xi32, #tpu.memory_space<hbm>>
    %dma_wait3A_8 = tpu.memref_slice %arg3[%mul3A_2] : memref<16384xi32, #tpu.memory_space<hbm>> -> memref<512xi32, #tpu.memory_space<hbm>>
    tpu.wait_dma2 semaphore(%arg20 : memref<!tpu.dma_semaphore, #tpu.memory_space<semaphore_mem>>) src(%dma_wait3A_8 : memref<512xi32, #tpu.memory_space<hbm>>) dst(%arg8 : memref<512xi32, #tpu.memory_space<vmem>>)
    %dma_start3A_9 = arith.constant 0 : i32
    %dma_start3A_10 = arith.constant 0 : i32
    %dma_start3A_11 = arith.constant 0 : i32
    %dma_start3A_12 = tpu.memref_slice %arg9[%dma_start3A_9, %dma_start3A_10, %dma_start3A_11] : memref<4x64x128xf32, #tpu.memory_space<vmem>> -> memref<1x64x128xf32, #tpu.memory_space<vmem>>
    %dma_start3A_13 = tpu.memref_squeeze %dma_start3A_12 : memref<1x64x128xf32, #tpu.memory_space<vmem>> -> memref<64x128xf32, #tpu.memory_space<vmem>>
    %dma_start3A_14 = arith.constant 0 : i32
    %dma_start3A_15 = tpu.memref_slice %arg7[%dma_start3A_14] : memref<512xi32, #tpu.memory_space<vmem>> -> memref<64xi32, #tpu.memory_space<vmem>>
    %dma_start3A_16 = arith.constant 0 : i32
    %dma_start3A_17 = arith.constant 0 : i32
    %dma_start3A_18 = tpu.memref_slice %arg4[%dma_start3A_16, %dma_start3A_17] : memref<100000x128xf32, #tpu.memory_space<hbm>> -> memref<100000x128xf32, #tpu.memory_space<hbm>>
    tpu.enqueue_indirect_dma source(%dma_start3A_18 : memref<100000x128xf32, #tpu.memory_space<hbm>>) target(%dma_start3A_13 : memref<64x128xf32, #tpu.memory_space<vmem>>) offsets(%dma_start3A_15 : memref<64xi32, #tpu.memory_space<vmem>>) semaphore(%arg12 : memref<!tpu.dma_semaphore, #tpu.memory_space<semaphore_mem>>)
    %dma_start3A_19 = arith.constant 0 : i32
    %dma_start3A_20 = arith.constant 0 : i32
    %dma_start3A_21 = arith.constant 0 : i32
    %dma_start3A_22 = tpu.memref_slice %arg10[%dma_start3A_19, %dma_start3A_20, %dma_start3A_21] : memref<4x64x128xf32, #tpu.memory_space<vmem>> -> memref<1x64x128xf32, #tpu.memory_space<vmem>>
    %dma_start3A_23 = tpu.memref_squeeze %dma_start3A_22 : memref<1x64x128xf32, #tpu.memory_space<vmem>> -> memref<64x128xf32, #tpu.memory_space<vmem>>
    %dma_start3A_24 = arith.constant 0 : i32
    %dma_start3A_25 = tpu.memref_slice %arg8[%dma_start3A_24] : memref<512xi32, #tpu.memory_space<vmem>> -> memref<64xi32, #tpu.memory_space<vmem>>
    %dma_start3A_26 = arith.constant 0 : i32
    %dma_start3A_27 = arith.constant 0 : i32
    %dma_start3A_28 = tpu.memref_slice %arg5[%dma_start3A_26, %dma_start3A_27] : memref<1000000x128xf32, #tpu.memory_space<hbm>> -> memref<1000000x128xf32, #tpu.memory_space<hbm>>
    tpu.enqueue_indirect_dma source(%dma_start3A_28 : memref<1000000x128xf32, #tpu.memory_space<hbm>>) target(%dma_start3A_23 : memref<64x128xf32, #tpu.memory_space<vmem>>) offsets(%dma_start3A_25 : memref<64xi32, #tpu.memory_space<vmem>>) semaphore(%arg12 : memref<!tpu.dma_semaphore, #tpu.memory_space<semaphore_mem>>)
    %dma_start3A_29 = arith.constant 1 : i32
    %dma_start3A_30 = arith.constant 0 : i32
    %dma_start3A_31 = arith.constant 0 : i32
    %dma_start3A_32 = tpu.memref_slice %arg9[%dma_start3A_29, %dma_start3A_30, %dma_start3A_31] : memref<4x64x128xf32, #tpu.memory_space<vmem>> -> memref<1x64x128xf32, #tpu.memory_space<vmem>>
    %dma_start3A_33 = tpu.memref_squeeze %dma_start3A_32 : memref<1x64x128xf32, #tpu.memory_space<vmem>> -> memref<64x128xf32, #tpu.memory_space<vmem>>
    %dma_start3A_34 = arith.constant 64 : i32
    %dma_start3A_35 = tpu.memref_slice %arg7[%dma_start3A_34] : memref<512xi32, #tpu.memory_space<vmem>> -> memref<64xi32, #tpu.memory_space<vmem>>
    %dma_start3A_36 = arith.constant 0 : i32
    %dma_start3A_37 = arith.constant 0 : i32
    %dma_start3A_38 = tpu.memref_slice %arg4[%dma_start3A_36, %dma_start3A_37] : memref<100000x128xf32, #tpu.memory_space<hbm>> -> memref<100000x128xf32, #tpu.memory_space<hbm>>
    tpu.enqueue_indirect_dma source(%dma_start3A_38 : memref<100000x128xf32, #tpu.memory_space<hbm>>) target(%dma_start3A_33 : memref<64x128xf32, #tpu.memory_space<vmem>>) offsets(%dma_start3A_35 : memref<64xi32, #tpu.memory_space<vmem>>) semaphore(%arg13 : memref<!tpu.dma_semaphore, #tpu.memory_space<semaphore_mem>>)
    %dma_start3A_39 = arith.constant 1 : i32
    %dma_start3A_40 = arith.constant 0 : i32
    %dma_start3A_41 = arith.constant 0 : i32
    %dma_start3A_42 = tpu.memref_slice %arg10[%dma_start3A_39, %dma_start3A_40, %dma_start3A_41] : memref<4x64x128xf32, #tpu.memory_space<vmem>> -> memref<1x64x128xf32, #tpu.memory_space<vmem>>
    %dma_start3A_43 = tpu.memref_squeeze %dma_start3A_42 : memref<1x64x128xf32, #tpu.memory_space<vmem>> -> memref<64x128xf32, #tpu.memory_space<vmem>>
    %dma_start3A_44 = arith.constant 64 : i32
    %dma_start3A_45 = tpu.memref_slice %arg8[%dma_start3A_44] : memref<512xi32, #tpu.memory_space<vmem>> -> memref<64xi32, #tpu.memory_space<vmem>>
    %dma_start3A_46 = arith.constant 0 : i32
    %dma_start3A_47 = arith.constant 0 : i32
    %dma_start3A_48 = tpu.memref_slice %arg5[%dma_start3A_46, %dma_start3A_47] : memref<1000000x128xf32, #tpu.memory_space<hbm>> -> memref<1000000x128xf32, #tpu.memory_space<hbm>>
    tpu.enqueue_indirect_dma source(%dma_start3A_48 : memref<1000000x128xf32, #tpu.memory_space<hbm>>) target(%dma_start3A_43 : memref<64x128xf32, #tpu.memory_space<vmem>>) offsets(%dma_start3A_45 : memref<64xi32, #tpu.memory_space<vmem>>) semaphore(%arg13 : memref<!tpu.dma_semaphore, #tpu.memory_space<semaphore_mem>>)
    %dma_start3A_49 = arith.constant 2 : i32
    %dma_start3A_50 = arith.constant 0 : i32
    %dma_start3A_51 = arith.constant 0 : i32
    %dma_start3A_52 = tpu.memref_slice %arg9[%dma_start3A_49, %dma_start3A_50, %dma_start3A_51] : memref<4x64x128xf32, #tpu.memory_space<vmem>> -> memref<1x64x128xf32, #tpu.memory_space<vmem>>
    %dma_start3A_53 = tpu.memref_squeeze %dma_start3A_52 : memref<1x64x128xf32, #tpu.memory_space<vmem>> -> memref<64x128xf32, #tpu.memory_space<vmem>>
    %dma_start3A_54 = arith.constant 128 : i32
    %dma_start3A_55 = tpu.memref_slice %arg7[%dma_start3A_54] : memref<512xi32, #tpu.memory_space<vmem>> -> memref<64xi32, #tpu.memory_space<vmem>>
    %dma_start3A_56 = arith.constant 0 : i32
    %dma_start3A_57 = arith.constant 0 : i32
    %dma_start3A_58 = tpu.memref_slice %arg4[%dma_start3A_56, %dma_start3A_57] : memref<100000x128xf32, #tpu.memory_space<hbm>> -> memref<100000x128xf32, #tpu.memory_space<hbm>>
    tpu.enqueue_indirect_dma source(%dma_start3A_58 : memref<100000x128xf32, #tpu.memory_space<hbm>>) target(%dma_start3A_53 : memref<64x128xf32, #tpu.memory_space<vmem>>) offsets(%dma_start3A_55 : memref<64xi32, #tpu.memory_space<vmem>>) semaphore(%arg14 : memref<!tpu.dma_semaphore, #tpu.memory_space<semaphore_mem>>)
    %dma_start3A_59 = arith.constant 2 : i32
    %dma_start3A_60 = arith.constant 0 : i32
    %dma_start3A_61 = arith.constant 0 : i32
    %dma_start3A_62 = tpu.memref_slice %arg10[%dma_start3A_59, %dma_start3A_60, %dma_start3A_61] : memref<4x64x128xf32, #tpu.memory_space<vmem>> -> memref<1x64x128xf32, #tpu.memory_space<vmem>>
    %dma_start3A_63 = tpu.memref_squeeze %dma_start3A_62 : memref<1x64x128xf32, #tpu.memory_space<vmem>> -> memref<64x128xf32, #tpu.memory_space<vmem>>
    %dma_start3A_64 = arith.constant 128 : i32
    %dma_start3A_65 = tpu.memref_slice %arg8[%dma_start3A_64] : memref<512xi32, #tpu.memory_space<vmem>> -> memref<64xi32, #tpu.memory_space<vmem>>
    %dma_start3A_66 = arith.constant 0 : i32
    %dma_start3A_67 = arith.constant 0 : i32
    %dma_start3A_68 = tpu.memref_slice %arg5[%dma_start3A_66, %dma_start3A_67] : memref<1000000x128xf32, #tpu.memory_space<hbm>> -> memref<1000000x128xf32, #tpu.memory_space<hbm>>
    tpu.enqueue_indirect_dma source(%dma_start3A_68 : memref<1000000x128xf32, #tpu.memory_space<hbm>>) target(%dma_start3A_63 : memref<64x128xf32, #tpu.memory_space<vmem>>) offsets(%dma_start3A_65 : memref<64xi32, #tpu.memory_space<vmem>>) semaphore(%arg14 : memref<!tpu.dma_semaphore, #tpu.memory_space<semaphore_mem>>)
    %dma_start3A_69 = arith.constant 3 : i32
    %dma_start3A_70 = arith.constant 0 : i32
    %dma_start3A_71 = arith.constant 0 : i32
    %dma_start3A_72 = tpu.memref_slice %arg9[%dma_start3A_69, %dma_start3A_70, %dma_start3A_71] : memref<4x64x128xf32, #tpu.memory_space<vmem>> -> memref<1x64x128xf32, #tpu.memory_space<vmem>>
    %dma_start3A_73 = tpu.memref_squeeze %dma_start3A_72 : memref<1x64x128xf32, #tpu.memory_space<vmem>> -> memref<64x128xf32, #tpu.memory_space<vmem>>
    %dma_start3A_74 = arith.constant 192 : i32
    %dma_start3A_75 = tpu.memref_slice %arg7[%dma_start3A_74] : memref<512xi32, #tpu.memory_space<vmem>> -> memref<64xi32, #tpu.memory_space<vmem>>
    %dma_start3A_76 = arith.constant 0 : i32
    %dma_start3A_77 = arith.constant 0 : i32
    %dma_start3A_78 = tpu.memref_slice %arg4[%dma_start3A_76, %dma_start3A_77] : memref<100000x128xf32, #tpu.memory_space<hbm>> -> memref<100000x128xf32, #tpu.memory_space<hbm>>
    tpu.enqueue_indirect_dma source(%dma_start3A_78 : memref<100000x128xf32, #tpu.memory_space<hbm>>) target(%dma_start3A_73 : memref<64x128xf32, #tpu.memory_space<vmem>>) offsets(%dma_start3A_75 : memref<64xi32, #tpu.memory_space<vmem>>) semaphore(%arg15 : memref<!tpu.dma_semaphore, #tpu.memory_space<semaphore_mem>>)
    %dma_start3A_79 = arith.constant 3 : i32
    %dma_start3A_80 = arith.constant 0 : i32
    %dma_start3A_81 = arith.constant 0 : i32
    %dma_start3A_82 = tpu.memref_slice %arg10[%dma_start3A_79, %dma_start3A_80, %dma_start3A_81] : memref<4x64x128xf32, #tpu.memory_space<vmem>> -> memref<1x64x128xf32, #tpu.memory_space<vmem>>
    %dma_start3A_83 = tpu.memref_squeeze %dma_start3A_82 : memref<1x64x128xf32, #tpu.memory_space<vmem>> -> memref<64x128xf32, #tpu.memory_space<vmem>>
    %dma_start3A_84 = arith.constant 192 : i32
    %dma_start3A_85 = tpu.memref_slice %arg8[%dma_start3A_84] : memref<512xi32, #tpu.memory_space<vmem>> -> memref<64xi32, #tpu.memory_space<vmem>>
    %dma_start3A_86 = arith.constant 0 : i32
    %dma_start3A_87 = arith.constant 0 : i32
    %dma_start3A_88 = tpu.memref_slice %arg5[%dma_start3A_86, %dma_start3A_87] : memref<1000000x128xf32, #tpu.memory_space<hbm>> -> memref<1000000x128xf32, #tpu.memory_space<hbm>>
    tpu.enqueue_indirect_dma source(%dma_start3A_88 : memref<1000000x128xf32, #tpu.memory_space<hbm>>) target(%dma_start3A_83 : memref<64x128xf32, #tpu.memory_space<vmem>>) offsets(%dma_start3A_85 : memref<64xi32, #tpu.memory_space<vmem>>) semaphore(%arg15 : memref<!tpu.dma_semaphore, #tpu.memory_space<semaphore_mem>>)
    %dma_wait3A_89 = arith.constant 0 : i32
    %dma_wait3A_90 = arith.constant 0 : i32
    %dma_wait3A_91 = arith.constant 0 : i32
    %dma_wait3A_92 = tpu.memref_slice %arg9[%dma_wait3A_89, %dma_wait3A_90, %dma_wait3A_91] : memref<4x64x128xf32, #tpu.memory_space<vmem>> -> memref<1x64x128xf32, #tpu.memory_space<vmem>>
    %dma_wait3A_93 = tpu.memref_squeeze %dma_wait3A_92 : memref<1x64x128xf32, #tpu.memory_space<vmem>> -> memref<64x128xf32, #tpu.memory_space<vmem>>
    %dma_wait3A_94 = arith.constant 0 : i32
    %dma_wait3A_95 = tpu.memref_slice %arg7[%dma_wait3A_94] : memref<512xi32, #tpu.memory_space<vmem>> -> memref<64xi32, #tpu.memory_space<vmem>>
    %dma_wait3A_96 = arith.constant 0 : i32
    %dma_wait3A_97 = arith.constant 0 : i32
    %dma_wait3A_98 = tpu.memref_slice %arg4[%dma_wait3A_96, %dma_wait3A_97] : memref<100000x128xf32, #tpu.memory_space<hbm>> -> memref<100000x128xf32, #tpu.memory_space<hbm>>
    tpu.wait_indirect_dma semaphore(%arg12 : memref<!tpu.dma_semaphore, #tpu.memory_space<semaphore_mem>>) src(%dma_wait3A_98 : memref<100000x128xf32, #tpu.memory_space<hbm>>) dst(%dma_wait3A_93 : memref<64x128xf32, #tpu.memory_space<vmem>>)
    %dma_wait3A_99 = arith.constant 0 : i32
    %dma_wait3A_100 = arith.constant 0 : i32
    %dma_wait3A_101 = arith.constant 0 : i32
    %dma_wait3A_102 = tpu.memref_slice %arg10[%dma_wait3A_99, %dma_wait3A_100, %dma_wait3A_101] : memref<4x64x128xf32, #tpu.memory_space<vmem>> -> memref<1x64x128xf32, #tpu.memory_space<vmem>>
    %dma_wait3A_103 = tpu.memref_squeeze %dma_wait3A_102 : memref<1x64x128xf32, #tpu.memory_space<vmem>> -> memref<64x128xf32, #tpu.memory_space<vmem>>
    %dma_wait3A_104 = arith.constant 0 : i32
    %dma_wait3A_105 = tpu.memref_slice %arg8[%dma_wait3A_104] : memref<512xi32, #tpu.memory_space<vmem>> -> memref<64xi32, #tpu.memory_space<vmem>>
    %dma_wait3A_106 = arith.constant 0 : i32
    %dma_wait3A_107 = arith.constant 0 : i32
    %dma_wait3A_108 = tpu.memref_slice %arg5[%dma_wait3A_106, %dma_wait3A_107] : memref<1000000x128xf32, #tpu.memory_space<hbm>> -> memref<1000000x128xf32, #tpu.memory_space<hbm>>
    tpu.wait_indirect_dma semaphore(%arg12 : memref<!tpu.dma_semaphore, #tpu.memory_space<semaphore_mem>>) src(%dma_wait3A_108 : memref<1000000x128xf32, #tpu.memory_space<hbm>>) dst(%dma_wait3A_103 : memref<64x128xf32, #tpu.memory_space<vmem>>)
    %parallel_loop3A = arith.constant 0 : i32
    %parallel_loop3A_109 = arith.constant 64 : i32
    %parallel_loop3A_110 = arith.constant 1 : i32
    scf.for %parallel_loop3A_576 = %parallel_loop3A to %parallel_loop3A_109 step %parallel_loop3A_110  : i32 {
      %parallel_loop3A_577 = arith.constant 0 : i32
      %parallel_loop3A_578 = arith.index_cast %parallel_loop3A_577 : i32 to index
      %parallel_loop3A_579 = arith.index_cast %parallel_loop3A_576 : i32 to index
      %parallel_loop3A_580 = arith.constant 0 : index
      %parallel_loop3A_581 = tpu.vector_load %arg9[%parallel_loop3A_578, %parallel_loop3A_579, %parallel_loop3A_580] {strides = array<i32>} : memref<4x64x128xf32, #tpu.memory_space<vmem>>, vector<1x1x16xf32>,
      %parallel_loop3A_582 = vector.shape_cast %parallel_loop3A_581 : vector<1x1x16xf32> to vector<16xf32>
      %parallel_loop3A_583 = arith.constant 0 : i32
      %parallel_loop3A_584 = arith.index_cast %parallel_loop3A_583 : i32 to index
      %parallel_loop3A_585 = arith.index_cast %parallel_loop3A_576 : i32 to index
      %parallel_loop3A_586 = arith.constant 0 : index
      %parallel_loop3A_587 = tpu.vector_load %arg10[%parallel_loop3A_584, %parallel_loop3A_585, %parallel_loop3A_586] {strides = array<i32>} : memref<4x64x128xf32, #tpu.memory_space<vmem>>, vector<1x1x16xf32>,
      %parallel_loop3A_588 = vector.shape_cast %parallel_loop3A_587 : vector<1x1x16xf32> to vector<16xf32>
      %parallel_loop3A_589 = arith.mulf %parallel_loop3A_582, %parallel_loop3A_588 : vector<16xf32>
      %parallel_loop3A_590 = arith.constant 0 : i32
      %parallel_loop3A_591 = arith.index_cast %parallel_loop3A_590 : i32 to index
      %parallel_loop3A_592 = arith.index_cast %parallel_loop3A_576 : i32 to index
      %parallel_loop3A_593 = arith.constant 0 : index
      %parallel_loop3A_594 = tpu.vector_load %arg11[%parallel_loop3A_591, %parallel_loop3A_592, %parallel_loop3A_593] {strides = array<i32>} : memref<4x64x128xf32, #tpu.memory_space<vmem>>, vector<1x1x16xf32>,
      %parallel_loop3A_595 = vector.shape_cast %parallel_loop3A_594 : vector<1x1x16xf32> to vector<16xf32>
      %parallel_loop3A_596 = vector.shape_cast %parallel_loop3A_589 : vector<16xf32> to vector<1x1x16xf32>
      tpu.vector_store %arg11[%parallel_loop3A_591, %parallel_loop3A_592, %parallel_loop3A_593], %parallel_loop3A_596 {strides = array<i32>} : memref<4x64x128xf32, #tpu.memory_space<vmem>>, vector<1x1x16xf32>,
      %parallel_loop3A_597 = arith.constant 0 : i32
      %parallel_loop3A_598 = arith.index_cast %parallel_loop3A_597 : i32 to index
      %parallel_loop3A_599 = arith.index_cast %parallel_loop3A_576 : i32 to index
      %parallel_loop3A_600 = arith.constant 16 : index
      %parallel_loop3A_601 = tpu.vector_load %arg9[%parallel_loop3A_598, %parallel_loop3A_599, %parallel_loop3A_600] {strides = array<i32>} : memref<4x64x128xf32, #tpu.memory_space<vmem>>, vector<1x1x16xf32>,
      %parallel_loop3A_602 = vector.shape_cast %parallel_loop3A_601 : vector<1x1x16xf32> to vector<16xf32>
      %parallel_loop3A_603 = arith.constant 0 : i32
      %parallel_loop3A_604 = arith.index_cast %parallel_loop3A_603 : i32 to index
      %parallel_loop3A_605 = arith.index_cast %parallel_loop3A_576 : i32 to index
      %parallel_loop3A_606 = arith.constant 16 : index
      %parallel_loop3A_607 = tpu.vector_load %arg10[%parallel_loop3A_604, %parallel_loop3A_605, %parallel_loop3A_606] {strides = array<i32>} : memref<4x64x128xf32, #tpu.memory_space<vmem>>, vector<1x1x16xf32>,
      %parallel_loop3A_608 = vector.shape_cast %parallel_loop3A_607 : vector<1x1x16xf32> to vector<16xf32>
      %parallel_loop3A_609 = arith.mulf %parallel_loop3A_602, %parallel_loop3A_608 : vector<16xf32>
      %parallel_loop3A_610 = arith.constant 0 : i32
      %parallel_loop3A_611 = arith.index_cast %parallel_loop3A_610 : i32 to index
      %parallel_loop3A_612 = arith.index_cast %parallel_loop3A_576 : i32 to index
      %parallel_loop3A_613 = arith.constant 16 : index
      %parallel_loop3A_614 = tpu.vector_load %arg11[%parallel_loop3A_611, %parallel_loop3A_612, %parallel_loop3A_613] {strides = array<i32>} : memref<4x64x128xf32, #tpu.memory_space<vmem>>, vector<1x1x16xf32>,
      %parallel_loop3A_615 = vector.shape_cast %parallel_loop3A_614 : vector<1x1x16xf32> to vector<16xf32>
      %parallel_loop3A_616 = vector.shape_cast %parallel_loop3A_609 : vector<16xf32> to vector<1x1x16xf32>
      tpu.vector_store %arg11[%parallel_loop3A_611, %parallel_loop3A_612, %parallel_loop3A_613], %parallel_loop3A_616 {strides = array<i32>} : memref<4x64x128xf32, #tpu.memory_space<vmem>>, vector<1x1x16xf32>,
      %parallel_loop3A_617 = arith.constant 0 : i32
      %parallel_loop3A_618 = arith.index_cast %parallel_loop3A_617 : i32 to index
      %parallel_loop3A_619 = arith.index_cast %parallel_loop3A_576 : i32 to index
      %parallel_loop3A_620 = arith.constant 32 : index
      %parallel_loop3A_621 = tpu.vector_load %arg9[%parallel_loop3A_618, %parallel_loop3A_619, %parallel_loop3A_620] {strides = array<i32>} : memref<4x64x128xf32, #tpu.memory_space<vmem>>, vector<1x1x16xf32>,
      %parallel_loop3A_622 = vector.shape_cast %parallel_loop3A_621 : vector<1x1x16xf32> to vector<16xf32>
      %parallel_loop3A_623 = arith.constant 0 : i32
      %parallel_loop3A_624 = arith.index_cast %parallel_loop3A_623 : i32 to index
      %parallel_loop3A_625 = arith.index_cast %parallel_loop3A_576 : i32 to index
      %parallel_loop3A_626 = arith.constant 32 : index
      %parallel_loop3A_627 = tpu.vector_load %arg10[%parallel_loop3A_624, %parallel_loop3A_625, %parallel_loop3A_626] {strides = array<i32>} : memref<4x64x128xf32, #tpu.memory_space<vmem>>, vector<1x1x16xf32>,
      %parallel_loop3A_628 = vector.shape_cast %parallel_loop3A_627 : vector<1x1x16xf32> to vector<16xf32>
      %parallel_loop3A_629 = arith.mulf %parallel_loop3A_622, %parallel_loop3A_628 : vector<16xf32>
      %parallel_loop3A_630 = arith.constant 0 : i32
      %parallel_loop3A_631 = arith.index_cast %parallel_loop3A_630 : i32 to index
      %parallel_loop3A_632 = arith.index_cast %parallel_loop3A_576 : i32 to index
      %parallel_loop3A_633 = arith.constant 32 : index
      %parallel_loop3A_634 = tpu.vector_load %arg11[%parallel_loop3A_631, %parallel_loop3A_632, %parallel_loop3A_633] {strides = array<i32>} : memref<4x64x128xf32, #tpu.memory_space<vmem>>, vector<1x1x16xf32>,
      %parallel_loop3A_635 = vector.shape_cast %parallel_loop3A_634 : vector<1x1x16xf32> to vector<16xf32>
      %parallel_loop3A_636 = vector.shape_cast %parallel_loop3A_629 : vector<16xf32> to vector<1x1x16xf32>
      tpu.vector_store %arg11[%parallel_loop3A_631, %parallel_loop3A_632, %parallel_loop3A_633], %parallel_loop3A_636 {strides = array<i32>} : memref<4x64x128xf32, #tpu.memory_space<vmem>>, vector<1x1x16xf32>,
      %parallel_loop3A_637 = arith.constant 0 : i32
      %parallel_loop3A_638 = arith.index_cast %parallel_loop3A_637 : i32 to index
      %parallel_loop3A_639 = arith.index_cast %parallel_loop3A_576 : i32 to index
      %parallel_loop3A_640 = arith.constant 48 : index
      %parallel_loop3A_641 = tpu.vector_load %arg9[%parallel_loop3A_638, %parallel_loop3A_639, %parallel_loop3A_640] {strides = array<i32>} : memref<4x64x128xf32, #tpu.memory_space<vmem>>, vector<1x1x16xf32>,
      %parallel_loop3A_642 = vector.shape_cast %parallel_loop3A_641 : vector<1x1x16xf32> to vector<16xf32>
      %parallel_loop3A_643 = arith.constant 0 : i32
      %parallel_loop3A_644 = arith.index_cast %parallel_loop3A_643 : i32 to index
      %parallel_loop3A_645 = arith.index_cast %parallel_loop3A_576 : i32 to index
      %parallel_loop3A_646 = arith.constant 48 : index
      %parallel_loop3A_647 = tpu.vector_load %arg10[%parallel_loop3A_644, %parallel_loop3A_645, %parallel_loop3A_646] {strides = array<i32>} : memref<4x64x128xf32, #tpu.memory_space<vmem>>, vector<1x1x16xf32>,
      %parallel_loop3A_648 = vector.shape_cast %parallel_loop3A_647 : vector<1x1x16xf32> to vector<16xf32>
      %parallel_loop3A_649 = arith.mulf %parallel_loop3A_642, %parallel_loop3A_648 : vector<16xf32>
      %parallel_loop3A_650 = arith.constant 0 : i32
      %parallel_loop3A_651 = arith.index_cast %parallel_loop3A_650 : i32 to index
      %parallel_loop3A_652 = arith.index_cast %parallel_loop3A_576 : i32 to index
      %parallel_loop3A_653 = arith.constant 48 : index
      %parallel_loop3A_654 = tpu.vector_load %arg11[%parallel_loop3A_651, %parallel_loop3A_652, %parallel_loop3A_653] {strides = array<i32>} : memref<4x64x128xf32, #tpu.memory_space<vmem>>, vector<1x1x16xf32>,
      %parallel_loop3A_655 = vector.shape_cast %parallel_loop3A_654 : vector<1x1x16xf32> to vector<16xf32>
      %parallel_loop3A_656 = vector.shape_cast %parallel_loop3A_649 : vector<16xf32> to vector<1x1x16xf32>
      tpu.vector_store %arg11[%parallel_loop3A_651, %parallel_loop3A_652, %parallel_loop3A_653], %parallel_loop3A_656 {strides = array<i32>} : memref<4x64x128xf32, #tpu.memory_space<vmem>>, vector<1x1x16xf32>,
      %parallel_loop3A_657 = arith.constant 0 : i32
      %parallel_loop3A_658 = arith.index_cast %parallel_loop3A_657 : i32 to index
      %parallel_loop3A_659 = arith.index_cast %parallel_loop3A_576 : i32 to index
      %parallel_loop3A_660 = arith.constant 64 : index
      %parallel_loop3A_661 = tpu.vector_load %arg9[%parallel_loop3A_658, %parallel_loop3A_659, %parallel_loop3A_660] {strides = array<i32>} : memref<4x64x128xf32, #tpu.memory_space<vmem>>, vector<1x1x16xf32>,
      %parallel_loop3A_662 = vector.shape_cast %parallel_loop3A_661 : vector<1x1x16xf32> to vector<16xf32>
      %parallel_loop3A_663 = arith.constant 0 : i32
      %parallel_loop3A_664 = arith.index_cast %parallel_loop3A_663 : i32 to index
      %parallel_loop3A_665 = arith.index_cast %parallel_loop3A_576 : i32 to index
      %parallel_loop3A_666 = arith.constant 64 : index
      %parallel_loop3A_667 = tpu.vector_load %arg10[%parallel_loop3A_664, %parallel_loop3A_665, %parallel_loop3A_666] {strides = array<i32>} : memref<4x64x128xf32, #tpu.memory_space<vmem>>, vector<1x1x16xf32>,
      %parallel_loop3A_668 = vector.shape_cast %parallel_loop3A_667 : vector<1x1x16xf32> to vector<16xf32>
      %parallel_loop3A_669 = arith.mulf %parallel_loop3A_662, %parallel_loop3A_668 : vector<16xf32>
      %parallel_loop3A_670 = arith.constant 0 : i32
      %parallel_loop3A_671 = arith.index_cast %parallel_loop3A_670 : i32 to index
      %parallel_loop3A_672 = arith.index_cast %parallel_loop3A_576 : i32 to index
      %parallel_loop3A_673 = arith.constant 64 : index
      %parallel_loop3A_674 = tpu.vector_load %arg11[%parallel_loop3A_671, %parallel_loop3A_672, %parallel_loop3A_673] {strides = array<i32>} : memref<4x64x128xf32, #tpu.memory_space<vmem>>, vector<1x1x16xf32>,
      %parallel_loop3A_675 = vector.shape_cast %parallel_loop3A_674 : vector<1x1x16xf32> to vector<16xf32>
      %parallel_loop3A_676 = vector.shape_cast %parallel_loop3A_669 : vector<16xf32> to vector<1x1x16xf32>
      tpu.vector_store %arg11[%parallel_loop3A_671, %parallel_loop3A_672, %parallel_loop3A_673], %parallel_loop3A_676 {strides = array<i32>} : memref<4x64x128xf32, #tpu.memory_space<vmem>>, vector<1x1x16xf32>,
      %parallel_loop3A_677 = arith.constant 0 : i32
      %parallel_loop3A_678 = arith.index_cast %parallel_loop3A_677 : i32 to index
      %parallel_loop3A_679 = arith.index_cast %parallel_loop3A_576 : i32 to index
      %parallel_loop3A_680 = arith.constant 80 : index
      %parallel_loop3A_681 = tpu.vector_load %arg9[%parallel_loop3A_678, %parallel_loop3A_679, %parallel_loop3A_680] {strides = array<i32>} : memref<4x64x128xf32, #tpu.memory_space<vmem>>, vector<1x1x16xf32>,
      %parallel_loop3A_682 = vector.shape_cast %parallel_loop3A_681 : vector<1x1x16xf32> to vector<16xf32>
      %parallel_loop3A_683 = arith.constant 0 : i32
      %parallel_loop3A_684 = arith.index_cast %parallel_loop3A_683 : i32 to index
      %parallel_loop3A_685 = arith.index_cast %parallel_loop3A_576 : i32 to index
      %parallel_loop3A_686 = arith.constant 80 : index
      %parallel_loop3A_687 = tpu.vector_load %arg10[%parallel_loop3A_684, %parallel_loop3A_685, %parallel_loop3A_686] {strides = array<i32>} : memref<4x64x128xf32, #tpu.memory_space<vmem>>, vector<1x1x16xf32>,
      %parallel_loop3A_688 = vector.shape_cast %parallel_loop3A_687 : vector<1x1x16xf32> to vector<16xf32>
      %parallel_loop3A_689 = arith.mulf %parallel_loop3A_682, %parallel_loop3A_688 : vector<16xf32>
      %parallel_loop3A_690 = arith.constant 0 : i32
      %parallel_loop3A_691 = arith.index_cast %parallel_loop3A_690 : i32 to index
      %parallel_loop3A_692 = arith.index_cast %parallel_loop3A_576 : i32 to index
      %parallel_loop3A_693 = arith.constant 80 : index
      %parallel_loop3A_694 = tpu.vector_load %arg11[%parallel_loop3A_691, %parallel_loop3A_692, %parallel_loop3A_693] {strides = array<i32>} : memref<4x64x128xf32, #tpu.memory_space<vmem>>, vector<1x1x16xf32>,
      %parallel_loop3A_695 = vector.shape_cast %parallel_loop3A_694 : vector<1x1x16xf32> to vector<16xf32>
      %parallel_loop3A_696 = vector.shape_cast %parallel_loop3A_689 : vector<16xf32> to vector<1x1x16xf32>
      tpu.vector_store %arg11[%parallel_loop3A_691, %parallel_loop3A_692, %parallel_loop3A_693], %parallel_loop3A_696 {strides = array<i32>} : memref<4x64x128xf32, #tpu.memory_space<vmem>>, vector<1x1x16xf32>,
      %parallel_loop3A_697 = arith.constant 0 : i32
      %parallel_loop3A_698 = arith.index_cast %parallel_loop3A_697 : i32 to index
      %parallel_loop3A_699 = arith.index_cast %parallel_loop3A_576 : i32 to index
      %parallel_loop3A_700 = arith.constant 96 : index
      %parallel_loop3A_701 = tpu.vector_load %arg9[%parallel_loop3A_698, %parallel_loop3A_699, %parallel_loop3A_700] {strides = array<i32>} : memref<4x64x128xf32, #tpu.memory_space<vmem>>, vector<1x1x16xf32>,
      %parallel_loop3A_702 = vector.shape_cast %parallel_loop3A_701 : vector<1x1x16xf32> to vector<16xf32>
      %parallel_loop3A_703 = arith.constant 0 : i32
      %parallel_loop3A_704 = arith.index_cast %parallel_loop3A_703 : i32 to index
      %parallel_loop3A_705 = arith.index_cast %parallel_loop3A_576 : i32 to index
      %parallel_loop3A_706 = arith.constant 96 : index
      %parallel_loop3A_707 = tpu.vector_load %arg10[%parallel_loop3A_704, %parallel_loop3A_705, %parallel_loop3A_706] {strides = array<i32>} : memref<4x64x128xf32, #tpu.memory_space<vmem>>, vector<1x1x16xf32>,
      %parallel_loop3A_708 = vector.shape_cast %parallel_loop3A_707 : vector<1x1x16xf32> to vector<16xf32>
      %parallel_loop3A_709 = arith.mulf %parallel_loop3A_702, %parallel_loop3A_708 : vector<16xf32>
      %parallel_loop3A_710 = arith.constant 0 : i32
      %parallel_loop3A_711 = arith.index_cast %parallel_loop3A_710 : i32 to index
      %parallel_loop3A_712 = arith.index_cast %parallel_loop3A_576 : i32 to index
      %parallel_loop3A_713 = arith.constant 96 : index
      %parallel_loop3A_714 = tpu.vector_load %arg11[%parallel_loop3A_711, %parallel_loop3A_712, %parallel_loop3A_713] {strides = array<i32>} : memref<4x64x128xf32, #tpu.memory_space<vmem>>, vector<1x1x16xf32>,
      %parallel_loop3A_715 = vector.shape_cast %parallel_loop3A_714 : vector<1x1x16xf32> to vector<16xf32>
      %parallel_loop3A_716 = vector.shape_cast %parallel_loop3A_709 : vector<16xf32> to vector<1x1x16xf32>
      tpu.vector_store %arg11[%parallel_loop3A_711, %parallel_loop3A_712, %parallel_loop3A_713], %parallel_loop3A_716 {strides = array<i32>} : memref<4x64x128xf32, #tpu.memory_space<vmem>>, vector<1x1x16xf32>,
      %parallel_loop3A_717 = arith.constant 0 : i32
      %parallel_loop3A_718 = arith.index_cast %parallel_loop3A_717 : i32 to index
      %parallel_loop3A_719 = arith.index_cast %parallel_loop3A_576 : i32 to index
      %parallel_loop3A_720 = arith.constant 112 : index
      %parallel_loop3A_721 = tpu.vector_load %arg9[%parallel_loop3A_718, %parallel_loop3A_719, %parallel_loop3A_720] {strides = array<i32>} : memref<4x64x128xf32, #tpu.memory_space<vmem>>, vector<1x1x16xf32>,
      %parallel_loop3A_722 = vector.shape_cast %parallel_loop3A_721 : vector<1x1x16xf32> to vector<16xf32>
      %parallel_loop3A_723 = arith.constant 0 : i32
      %parallel_loop3A_724 = arith.index_cast %parallel_loop3A_723 : i32 to index
      %parallel_loop3A_725 = arith.index_cast %parallel_loop3A_576 : i32 to index
      %parallel_loop3A_726 = arith.constant 112 : index
      %parallel_loop3A_727 = tpu.vector_load %arg10[%parallel_loop3A_724, %parallel_loop3A_725, %parallel_loop3A_726] {strides = array<i32>} : memref<4x64x128xf32, #tpu.memory_space<vmem>>, vector<1x1x16xf32>,
      %parallel_loop3A_728 = vector.shape_cast %parallel_loop3A_727 : vector<1x1x16xf32> to vector<16xf32>
      %parallel_loop3A_729 = arith.mulf %parallel_loop3A_722, %parallel_loop3A_728 : vector<16xf32>
      %parallel_loop3A_730 = arith.constant 0 : i32
      %parallel_loop3A_731 = arith.index_cast %parallel_loop3A_730 : i32 to index
      %parallel_loop3A_732 = arith.index_cast %parallel_loop3A_576 : i32 to index
      %parallel_loop3A_733 = arith.constant 112 : index
      %parallel_loop3A_734 = tpu.vector_load %arg11[%parallel_loop3A_731, %parallel_loop3A_732, %parallel_loop3A_733] {strides = array<i32>} : memref<4x64x128xf32, #tpu.memory_space<vmem>>, vector<1x1x16xf32>,
      %parallel_loop3A_735 = vector.shape_cast %parallel_loop3A_734 : vector<1x1x16xf32> to vector<16xf32>
      %parallel_loop3A_736 = vector.shape_cast %parallel_loop3A_729 : vector<16xf32> to vector<1x1x16xf32>
      tpu.vector_store %arg11[%parallel_loop3A_731, %parallel_loop3A_732, %parallel_loop3A_733], %parallel_loop3A_736 {strides = array<i32>} : memref<4x64x128xf32, #tpu.memory_space<vmem>>, vector<1x1x16xf32>,
    } {sc.loop_unroll_factor = 1 : i64, sc.parallel_access}
    %dma_start3A_111 = arith.constant 0 : i32
    %dma_start3A_112 = arith.constant 0 : i32
    %dma_start3A_113 = arith.constant 0 : i32
    %dma_start3A_114 = tpu.memref_slice %arg9[%dma_start3A_111, %dma_start3A_112, %dma_start3A_113] : memref<4x64x128xf32, #tpu.memory_space<vmem>> -> memref<1x64x128xf32, #tpu.memory_space<vmem>>
    %dma_start3A_115 = tpu.memref_squeeze %dma_start3A_114 : memref<1x64x128xf32, #tpu.memory_space<vmem>> -> memref<64x128xf32, #tpu.memory_space<vmem>>
    %dma_start3A_116 = arith.constant 256 : i32
    %dma_start3A_117 = tpu.memref_slice %arg7[%dma_start3A_116] : memref<512xi32, #tpu.memory_space<vmem>> -> memref<64xi32, #tpu.memory_space<vmem>>
    %dma_start3A_118 = arith.constant 0 : i32
    %dma_start3A_119 = arith.constant 0 : i32
    %dma_start3A_120 = tpu.memref_slice %arg4[%dma_start3A_118, %dma_start3A_119] : memref<100000x128xf32, #tpu.memory_space<hbm>> -> memref<100000x128xf32, #tpu.memory_space<hbm>>
    tpu.enqueue_indirect_dma source(%dma_start3A_120 : memref<100000x128xf32, #tpu.memory_space<hbm>>) target(%dma_start3A_115 : memref<64x128xf32, #tpu.memory_space<vmem>>) offsets(%dma_start3A_117 : memref<64xi32, #tpu.memory_space<vmem>>) semaphore(%arg12 : memref<!tpu.dma_semaphore, #tpu.memory_space<semaphore_mem>>)
    %dma_start3A_121 = arith.constant 0 : i32
    %dma_start3A_122 = arith.constant 0 : i32
    %dma_start3A_123 = arith.constant 0 : i32
    %dma_start3A_124 = tpu.memref_slice %arg10[%dma_start3A_121, %dma_start3A_122, %dma_start3A_123] : memref<4x64x128xf32, #tpu.memory_space<vmem>> -> memref<1x64x128xf32, #tpu.memory_space<vmem>>
    %dma_start3A_125 = tpu.memref_squeeze %dma_start3A_124 : memref<1x64x128xf32, #tpu.memory_space<vmem>> -> memref<64x128xf32, #tpu.memory_space<vmem>>
    %dma_start3A_126 = arith.constant 256 : i32
    %dma_start3A_127 = tpu.memref_slice %arg8[%dma_start3A_126] : memref<512xi32, #tpu.memory_space<vmem>> -> memref<64xi32, #tpu.memory_space<vmem>>
    %dma_start3A_128 = arith.constant 0 : i32
    %dma_start3A_129 = arith.constant 0 : i32
    %dma_start3A_130 = tpu.memref_slice %arg5[%dma_start3A_128, %dma_start3A_129] : memref<1000000x128xf32, #tpu.memory_space<hbm>> -> memref<1000000x128xf32, #tpu.memory_space<hbm>>
    tpu.enqueue_indirect_dma source(%dma_start3A_130 : memref<1000000x128xf32, #tpu.memory_space<hbm>>) target(%dma_start3A_125 : memref<64x128xf32, #tpu.memory_space<vmem>>) offsets(%dma_start3A_127 : memref<64xi32, #tpu.memory_space<vmem>>) semaphore(%arg12 : memref<!tpu.dma_semaphore, #tpu.memory_space<semaphore_mem>>)
    %add3A_131 = arith.constant 0 : i32
    %add3A_132 = arith.addi %mul3A_2, %add3A_131 : i32
    %dma_start3A_133 = arith.constant 0 : i32
    %dma_start3A_134 = arith.constant 0 : i32
    %dma_start3A_135 = arith.constant 0 : i32
    %dma_start3A_136 = tpu.memref_slice %arg11[%dma_start3A_133, %dma_start3A_134, %dma_start3A_135] : memref<4x64x128xf32, #tpu.memory_space<vmem>> -> memref<1x64x128xf32, #tpu.memory_space<vmem>>
    %dma_start3A_137 = tpu.memref_squeeze %dma_start3A_136 : memref<1x64x128xf32, #tpu.memory_space<vmem>> -> memref<64x128xf32, #tpu.memory_space<vmem>>
    %dma_start3A_138 = arith.constant 0 : i32
    %dma_start3A_139 = tpu.memref_slice %arg6[%add3A_132, %dma_start3A_138] : memref<16384x128xf32, #tpu.memory_space<hbm>> -> memref<64x128xf32, #tpu.memory_space<hbm>>
    %dma_start3A_140 = arith.constant 0 : i32
    %dma_start3A_141 = tpu.memref_slice %arg6[%add3A_132, %dma_start3A_140] : memref<16384x128xf32, #tpu.memory_space<hbm>> -> memref<64x128xf32, #tpu.memory_space<hbm>>
    %dma_start3A_142 = arith.constant 0 : i32
    %dma_start3A_143 = arith.constant 0 : i32
    %dma_start3A_144 = tpu.memref_slice %arg11[%dma_start3A_133, %dma_start3A_142, %dma_start3A_143] : memref<4x64x128xf32, #tpu.memory_space<vmem>> -> memref<1x64x128xf32, #tpu.memory_space<vmem>>
    %dma_start3A_145 = tpu.memref_squeeze %dma_start3A_144 : memref<1x64x128xf32, #tpu.memory_space<vmem>> -> memref<64x128xf32, #tpu.memory_space<vmem>>
    tpu.enqueue_dma source(%dma_start3A_145 : memref<64x128xf32, #tpu.memory_space<vmem>>) target(%dma_start3A_141 : memref<64x128xf32, #tpu.memory_space<hbm>>) target_semaphore(%arg16 : memref<!tpu.dma_semaphore, #tpu.memory_space<semaphore_mem>>)
    %dma_wait3A_146 = arith.constant 1 : i32
    %dma_wait3A_147 = arith.constant 0 : i32
    %dma_wait3A_148 = arith.constant 0 : i32
    %dma_wait3A_149 = tpu.memref_slice %arg9[%dma_wait3A_146, %dma_wait3A_147, %dma_wait3A_148] : memref<4x64x128xf32, #tpu.memory_space<vmem>> -> memref<1x64x128xf32, #tpu.memory_space<vmem>>
    %dma_wait3A_150 = tpu.memref_squeeze %dma_wait3A_149 : memref<1x64x128xf32, #tpu.memory_space<vmem>> -> memref<64x128xf32, #tpu.memory_space<vmem>>
    %dma_wait3A_151 = arith.constant 64 : i32
    %dma_wait3A_152 = tpu.memref_slice %arg7[%dma_wait3A_151] : memref<512xi32, #tpu.memory_space<vmem>> -> memref<64xi32, #tpu.memory_space<vmem>>
    %dma_wait3A_153 = arith.constant 0 : i32
    %dma_wait3A_154 = arith.constant 0 : i32
    %dma_wait3A_155 = tpu.memref_slice %arg4[%dma_wait3A_153, %dma_wait3A_154] : memref<100000x128xf32, #tpu.memory_space<hbm>> -> memref<100000x128xf32, #tpu.memory_space<hbm>>
    tpu.wait_indirect_dma semaphore(%arg13 : memref<!tpu.dma_semaphore, #tpu.memory_space<semaphore_mem>>) src(%dma_wait3A_155 : memref<100000x128xf32, #tpu.memory_space<hbm>>) dst(%dma_wait3A_150 : memref<64x128xf32, #tpu.memory_space<vmem>>)
    %dma_wait3A_156 = arith.constant 1 : i32
    %dma_wait3A_157 = arith.constant 0 : i32
    %dma_wait3A_158 = arith.constant 0 : i32
    %dma_wait3A_159 = tpu.memref_slice %arg10[%dma_wait3A_156, %dma_wait3A_157, %dma_wait3A_158] : memref<4x64x128xf32, #tpu.memory_space<vmem>> -> memref<1x64x128xf32, #tpu.memory_space<vmem>>
    %dma_wait3A_160 = tpu.memref_squeeze %dma_wait3A_159 : memref<1x64x128xf32, #tpu.memory_space<vmem>> -> memref<64x128xf32, #tpu.memory_space<vmem>>
    %dma_wait3A_161 = arith.constant 64 : i32
    %dma_wait3A_162 = tpu.memref_slice %arg8[%dma_wait3A_161] : memref<512xi32, #tpu.memory_space<vmem>> -> memref<64xi32, #tpu.memory_space<vmem>>
    %dma_wait3A_163 = arith.constant 0 : i32
    %dma_wait3A_164 = arith.constant 0 : i32
    %dma_wait3A_165 = tpu.memref_slice %arg5[%dma_wait3A_163, %dma_wait3A_164] : memref<1000000x128xf32, #tpu.memory_space<hbm>> -> memref<1000000x128xf32, #tpu.memory_space<hbm>>
    tpu.wait_indirect_dma semaphore(%arg13 : memref<!tpu.dma_semaphore, #tpu.memory_space<semaphore_mem>>) src(%dma_wait3A_165 : memref<1000000x128xf32, #tpu.memory_space<hbm>>) dst(%dma_wait3A_160 : memref<64x128xf32, #tpu.memory_space<vmem>>)
    %parallel_loop3A_166 = arith.constant 0 : i32
    %parallel_loop3A_167 = arith.constant 64 : i32
    %parallel_loop3A_168 = arith.constant 1 : i32
    scf.for %parallel_loop3A_576 = %parallel_loop3A_166 to %parallel_loop3A_167 step %parallel_loop3A_168  : i32 {
      %parallel_loop3A_577 = arith.constant 1 : i32
      %parallel_loop3A_578 = arith.index_cast %parallel_loop3A_577 : i32 to index
      %parallel_loop3A_579 = arith.index_cast %parallel_loop3A_576 : i32 to index
      %parallel_loop3A_580 = arith.constant 0 : index
      %parallel_loop3A_581 = tpu.vector_load %arg9[%parallel_loop3A_578, %parallel_loop3A_579, %parallel_loop3A_580] {strides = array<i32>} : memref<4x64x128xf32, #tpu.memory_space<vmem>>, vector<1x1x16xf32>,
      %parallel_loop3A_582 = vector.shape_cast %parallel_loop3A_581 : vector<1x1x16xf32> to vector<16xf32>
      %parallel_loop3A_583 = arith.constant 1 : i32
      %parallel_loop3A_584 = arith.index_cast %parallel_loop3A_583 : i32 to index
      %parallel_loop3A_585 = arith.index_cast %parallel_loop3A_576 : i32 to index
      %parallel_loop3A_586 = arith.constant 0 : index
      %parallel_loop3A_587 = tpu.vector_load %arg10[%parallel_loop3A_584, %parallel_loop3A_585, %parallel_loop3A_586] {strides = array<i32>} : memref<4x64x128xf32, #tpu.memory_space<vmem>>, vector<1x1x16xf32>,
      %parallel_loop3A_588 = vector.shape_cast %parallel_loop3A_587 : vector<1x1x16xf32> to vector<16xf32>
      %parallel_loop3A_589 = arith.mulf %parallel_loop3A_582, %parallel_loop3A_588 : vector<16xf32>
      %parallel_loop3A_590 = arith.constant 1 : i32
      %parallel_loop3A_591 = arith.index_cast %parallel_loop3A_590 : i32 to index
      %parallel_loop3A_592 = arith.index_cast %parallel_loop3A_576 : i32 to index
      %parallel_loop3A_593 = arith.constant 0 : index
      %parallel_loop3A_594 = tpu.vector_load %arg11[%parallel_loop3A_591, %parallel_loop3A_592, %parallel_loop3A_593] {strides = array<i32>} : memref<4x64x128xf32, #tpu.memory_space<vmem>>, vector<1x1x16xf32>,
      %parallel_loop3A_595 = vector.shape_cast %parallel_loop3A_594 : vector<1x1x16xf32> to vector<16xf32>
      %parallel_loop3A_596 = vector.shape_cast %parallel_loop3A_589 : vector<16xf32> to vector<1x1x16xf32>
      tpu.vector_store %arg11[%parallel_loop3A_591, %parallel_loop3A_592, %parallel_loop3A_593], %parallel_loop3A_596 {strides = array<i32>} : memref<4x64x128xf32, #tpu.memory_space<vmem>>, vector<1x1x16xf32>,
      %parallel_loop3A_597 = arith.constant 1 : i32
      %parallel_loop3A_598 = arith.index_cast %parallel_loop3A_597 : i32 to index
      %parallel_loop3A_599 = arith.index_cast %parallel_loop3A_576 : i32 to index
      %parallel_loop3A_600 = arith.constant 16 : index
      %parallel_loop3A_601 = tpu.vector_load %arg9[%parallel_loop3A_598, %parallel_loop3A_599, %parallel_loop3A_600] {strides = array<i32>} : memref<4x64x128xf32, #tpu.memory_space<vmem>>, vector<1x1x16xf32>,
      %parallel_loop3A_602 = vector.shape_cast %parallel_loop3A_601 : vector<1x1x16xf32> to vector<16xf32>
      %parallel_loop3A_603 = arith.constant 1 : i32
      %parallel_loop3A_604 = arith.index_cast %parallel_loop3A_603 : i32 to index
      %parallel_loop3A_605 = arith.index_cast %parallel_loop3A_576 : i32 to index
      %parallel_loop3A_606 = arith.constant 16 : index
      %parallel_loop3A_607 = tpu.vector_load %arg10[%parallel_loop3A_604, %parallel_loop3A_605, %parallel_loop3A_606] {strides = array<i32>} : memref<4x64x128xf32, #tpu.memory_space<vmem>>, vector<1x1x16xf32>,
      %parallel_loop3A_608 = vector.shape_cast %parallel_loop3A_607 : vector<1x1x16xf32> to vector<16xf32>
      %parallel_loop3A_609 = arith.mulf %parallel_loop3A_602, %parallel_loop3A_608 : vector<16xf32>
      %parallel_loop3A_610 = arith.constant 1 : i32
      %parallel_loop3A_611 = arith.index_cast %parallel_loop3A_610 : i32 to index
      %parallel_loop3A_612 = arith.index_cast %parallel_loop3A_576 : i32 to index
      %parallel_loop3A_613 = arith.constant 16 : index
      %parallel_loop3A_614 = tpu.vector_load %arg11[%parallel_loop3A_611, %parallel_loop3A_612, %parallel_loop3A_613] {strides = array<i32>} : memref<4x64x128xf32, #tpu.memory_space<vmem>>, vector<1x1x16xf32>,
      %parallel_loop3A_615 = vector.shape_cast %parallel_loop3A_614 : vector<1x1x16xf32> to vector<16xf32>
      %parallel_loop3A_616 = vector.shape_cast %parallel_loop3A_609 : vector<16xf32> to vector<1x1x16xf32>
      tpu.vector_store %arg11[%parallel_loop3A_611, %parallel_loop3A_612, %parallel_loop3A_613], %parallel_loop3A_616 {strides = array<i32>} : memref<4x64x128xf32, #tpu.memory_space<vmem>>, vector<1x1x16xf32>,
      %parallel_loop3A_617 = arith.constant 1 : i32
      %parallel_loop3A_618 = arith.index_cast %parallel_loop3A_617 : i32 to index
      %parallel_loop3A_619 = arith.index_cast %parallel_loop3A_576 : i32 to index
      %parallel_loop3A_620 = arith.constant 32 : index
      %parallel_loop3A_621 = tpu.vector_load %arg9[%parallel_loop3A_618, %parallel_loop3A_619, %parallel_loop3A_620] {strides = array<i32>} : memref<4x64x128xf32, #tpu.memory_space<vmem>>, vector<1x1x16xf32>,
      %parallel_loop3A_622 = vector.shape_cast %parallel_loop3A_621 : vector<1x1x16xf32> to vector<16xf32>
      %parallel_loop3A_623 = arith.constant 1 : i32
      %parallel_loop3A_624 = arith.index_cast %parallel_loop3A_623 : i32 to index
      %parallel_loop3A_625 = arith.index_cast %parallel_loop3A_576 : i32 to index
      %parallel_loop3A_626 = arith.constant 32 : index
      %parallel_loop3A_627 = tpu.vector_load %arg10[%parallel_loop3A_624, %parallel_loop3A_625, %parallel_loop3A_626] {strides = array<i32>} : memref<4x64x128xf32, #tpu.memory_space<vmem>>, vector<1x1x16xf32>,
      %parallel_loop3A_628 = vector.shape_cast %parallel_loop3A_627 : vector<1x1x16xf32> to vector<16xf32>
      %parallel_loop3A_629 = arith.mulf %parallel_loop3A_622, %parallel_loop3A_628 : vector<16xf32>
      %parallel_loop3A_630 = arith.constant 1 : i32
      %parallel_loop3A_631 = arith.index_cast %parallel_loop3A_630 : i32 to index
      %parallel_loop3A_632 = arith.index_cast %parallel_loop3A_576 : i32 to index
      %parallel_loop3A_633 = arith.constant 32 : index
      %parallel_loop3A_634 = tpu.vector_load %arg11[%parallel_loop3A_631, %parallel_loop3A_632, %parallel_loop3A_633] {strides = array<i32>} : memref<4x64x128xf32, #tpu.memory_space<vmem>>, vector<1x1x16xf32>,
      %parallel_loop3A_635 = vector.shape_cast %parallel_loop3A_634 : vector<1x1x16xf32> to vector<16xf32>
      %parallel_loop3A_636 = vector.shape_cast %parallel_loop3A_629 : vector<16xf32> to vector<1x1x16xf32>
      tpu.vector_store %arg11[%parallel_loop3A_631, %parallel_loop3A_632, %parallel_loop3A_633], %parallel_loop3A_636 {strides = array<i32>} : memref<4x64x128xf32, #tpu.memory_space<vmem>>, vector<1x1x16xf32>,
      %parallel_loop3A_637 = arith.constant 1 : i32
      %parallel_loop3A_638 = arith.index_cast %parallel_loop3A_637 : i32 to index
      %parallel_loop3A_639 = arith.index_cast %parallel_loop3A_576 : i32 to index
      %parallel_loop3A_640 = arith.constant 48 : index
      %parallel_loop3A_641 = tpu.vector_load %arg9[%parallel_loop3A_638, %parallel_loop3A_639, %parallel_loop3A_640] {strides = array<i32>} : memref<4x64x128xf32, #tpu.memory_space<vmem>>, vector<1x1x16xf32>,
      %parallel_loop3A_642 = vector.shape_cast %parallel_loop3A_641 : vector<1x1x16xf32> to vector<16xf32>
      %parallel_loop3A_643 = arith.constant 1 : i32
      %parallel_loop3A_644 = arith.index_cast %parallel_loop3A_643 : i32 to index
      %parallel_loop3A_645 = arith.index_cast %parallel_loop3A_576 : i32 to index
      %parallel_loop3A_646 = arith.constant 48 : index
      %parallel_loop3A_647 = tpu.vector_load %arg10[%parallel_loop3A_644, %parallel_loop3A_645, %parallel_loop3A_646] {strides = array<i32>} : memref<4x64x128xf32, #tpu.memory_space<vmem>>, vector<1x1x16xf32>,
      %parallel_loop3A_648 = vector.shape_cast %parallel_loop3A_647 : vector<1x1x16xf32> to vector<16xf32>
      %parallel_loop3A_649 = arith.mulf %parallel_loop3A_642, %parallel_loop3A_648 : vector<16xf32>
      %parallel_loop3A_650 = arith.constant 1 : i32
      %parallel_loop3A_651 = arith.index_cast %parallel_loop3A_650 : i32 to index
      %parallel_loop3A_652 = arith.index_cast %parallel_loop3A_576 : i32 to index
      %parallel_loop3A_653 = arith.constant 48 : index
      %parallel_loop3A_654 = tpu.vector_load %arg11[%parallel_loop3A_651, %parallel_loop3A_652, %parallel_loop3A_653] {strides = array<i32>} : memref<4x64x128xf32, #tpu.memory_space<vmem>>, vector<1x1x16xf32>,
      %parallel_loop3A_655 = vector.shape_cast %parallel_loop3A_654 : vector<1x1x16xf32> to vector<16xf32>
      %parallel_loop3A_656 = vector.shape_cast %parallel_loop3A_649 : vector<16xf32> to vector<1x1x16xf32>
      tpu.vector_store %arg11[%parallel_loop3A_651, %parallel_loop3A_652, %parallel_loop3A_653], %parallel_loop3A_656 {strides = array<i32>} : memref<4x64x128xf32, #tpu.memory_space<vmem>>, vector<1x1x16xf32>,
      %parallel_loop3A_657 = arith.constant 1 : i32
      %parallel_loop3A_658 = arith.index_cast %parallel_loop3A_657 : i32 to index
      %parallel_loop3A_659 = arith.index_cast %parallel_loop3A_576 : i32 to index
      %parallel_loop3A_660 = arith.constant 64 : index
      %parallel_loop3A_661 = tpu.vector_load %arg9[%parallel_loop3A_658, %parallel_loop3A_659, %parallel_loop3A_660] {strides = array<i32>} : memref<4x64x128xf32, #tpu.memory_space<vmem>>, vector<1x1x16xf32>,
      %parallel_loop3A_662 = vector.shape_cast %parallel_loop3A_661 : vector<1x1x16xf32> to vector<16xf32>
      %parallel_loop3A_663 = arith.constant 1 : i32
      %parallel_loop3A_664 = arith.index_cast %parallel_loop3A_663 : i32 to index
      %parallel_loop3A_665 = arith.index_cast %parallel_loop3A_576 : i32 to index
      %parallel_loop3A_666 = arith.constant 64 : index
      %parallel_loop3A_667 = tpu.vector_load %arg10[%parallel_loop3A_664, %parallel_loop3A_665, %parallel_loop3A_666] {strides = array<i32>} : memref<4x64x128xf32, #tpu.memory_space<vmem>>, vector<1x1x16xf32>,
      %parallel_loop3A_668 = vector.shape_cast %parallel_loop3A_667 : vector<1x1x16xf32> to vector<16xf32>
      %parallel_loop3A_669 = arith.mulf %parallel_loop3A_662, %parallel_loop3A_668 : vector<16xf32>
      %parallel_loop3A_670 = arith.constant 1 : i32
      %parallel_loop3A_671 = arith.index_cast %parallel_loop3A_670 : i32 to index
      %parallel_loop3A_672 = arith.index_cast %parallel_loop3A_576 : i32 to index
      %parallel_loop3A_673 = arith.constant 64 : index
      %parallel_loop3A_674 = tpu.vector_load %arg11[%parallel_loop3A_671, %parallel_loop3A_672, %parallel_loop3A_673] {strides = array<i32>} : memref<4x64x128xf32, #tpu.memory_space<vmem>>, vector<1x1x16xf32>,
      %parallel_loop3A_675 = vector.shape_cast %parallel_loop3A_674 : vector<1x1x16xf32> to vector<16xf32>
      %parallel_loop3A_676 = vector.shape_cast %parallel_loop3A_669 : vector<16xf32> to vector<1x1x16xf32>
      tpu.vector_store %arg11[%parallel_loop3A_671, %parallel_loop3A_672, %parallel_loop3A_673], %parallel_loop3A_676 {strides = array<i32>} : memref<4x64x128xf32, #tpu.memory_space<vmem>>, vector<1x1x16xf32>,
      %parallel_loop3A_677 = arith.constant 1 : i32
      %parallel_loop3A_678 = arith.index_cast %parallel_loop3A_677 : i32 to index
      %parallel_loop3A_679 = arith.index_cast %parallel_loop3A_576 : i32 to index
      %parallel_loop3A_680 = arith.constant 80 : index
      %parallel_loop3A_681 = tpu.vector_load %arg9[%parallel_loop3A_678, %parallel_loop3A_679, %parallel_loop3A_680] {strides = array<i32>} : memref<4x64x128xf32, #tpu.memory_space<vmem>>, vector<1x1x16xf32>,
      %parallel_loop3A_682 = vector.shape_cast %parallel_loop3A_681 : vector<1x1x16xf32> to vector<16xf32>
      %parallel_loop3A_683 = arith.constant 1 : i32
      %parallel_loop3A_684 = arith.index_cast %parallel_loop3A_683 : i32 to index
      %parallel_loop3A_685 = arith.index_cast %parallel_loop3A_576 : i32 to index
      %parallel_loop3A_686 = arith.constant 80 : index
      %parallel_loop3A_687 = tpu.vector_load %arg10[%parallel_loop3A_684, %parallel_loop3A_685, %parallel_loop3A_686] {strides = array<i32>} : memref<4x64x128xf32, #tpu.memory_space<vmem>>, vector<1x1x16xf32>,
      %parallel_loop3A_688 = vector.shape_cast %parallel_loop3A_687 : vector<1x1x16xf32> to vector<16xf32>
      %parallel_loop3A_689 = arith.mulf %parallel_loop3A_682, %parallel_loop3A_688 : vector<16xf32>
      %parallel_loop3A_690 = arith.constant 1 : i32
      %parallel_loop3A_691 = arith.index_cast %parallel_loop3A_690 : i32 to index
      %parallel_loop3A_692 = arith.index_cast %parallel_loop3A_576 : i32 to index
      %parallel_loop3A_693 = arith.constant 80 : index
      %parallel_loop3A_694 = tpu.vector_load %arg11[%parallel_loop3A_691, %parallel_loop3A_692, %parallel_loop3A_693] {strides = array<i32>} : memref<4x64x128xf32, #tpu.memory_space<vmem>>, vector<1x1x16xf32>,
      %parallel_loop3A_695 = vector.shape_cast %parallel_loop3A_694 : vector<1x1x16xf32> to vector<16xf32>
      %parallel_loop3A_696 = vector.shape_cast %parallel_loop3A_689 : vector<16xf32> to vector<1x1x16xf32>
      tpu.vector_store %arg11[%parallel_loop3A_691, %parallel_loop3A_692, %parallel_loop3A_693], %parallel_loop3A_696 {strides = array<i32>} : memref<4x64x128xf32, #tpu.memory_space<vmem>>, vector<1x1x16xf32>,
      %parallel_loop3A_697 = arith.constant 1 : i32
      %parallel_loop3A_698 = arith.index_cast %parallel_loop3A_697 : i32 to index
      %parallel_loop3A_699 = arith.index_cast %parallel_loop3A_576 : i32 to index
      %parallel_loop3A_700 = arith.constant 96 : index
      %parallel_loop3A_701 = tpu.vector_load %arg9[%parallel_loop3A_698, %parallel_loop3A_699, %parallel_loop3A_700] {strides = array<i32>} : memref<4x64x128xf32, #tpu.memory_space<vmem>>, vector<1x1x16xf32>,
      %parallel_loop3A_702 = vector.shape_cast %parallel_loop3A_701 : vector<1x1x16xf32> to vector<16xf32>
      %parallel_loop3A_703 = arith.constant 1 : i32
      %parallel_loop3A_704 = arith.index_cast %parallel_loop3A_703 : i32 to index
      %parallel_loop3A_705 = arith.index_cast %parallel_loop3A_576 : i32 to index
      %parallel_loop3A_706 = arith.constant 96 : index
      %parallel_loop3A_707 = tpu.vector_load %arg10[%parallel_loop3A_704, %parallel_loop3A_705, %parallel_loop3A_706] {strides = array<i32>} : memref<4x64x128xf32, #tpu.memory_space<vmem>>, vector<1x1x16xf32>,
      %parallel_loop3A_708 = vector.shape_cast %parallel_loop3A_707 : vector<1x1x16xf32> to vector<16xf32>
      %parallel_loop3A_709 = arith.mulf %parallel_loop3A_702, %parallel_loop3A_708 : vector<16xf32>
      %parallel_loop3A_710 = arith.constant 1 : i32
      %parallel_loop3A_711 = arith.index_cast %parallel_loop3A_710 : i32 to index
      %parallel_loop3A_712 = arith.index_cast %parallel_loop3A_576 : i32 to index
      %parallel_loop3A_713 = arith.constant 96 : index
      %parallel_loop3A_714 = tpu.vector_load %arg11[%parallel_loop3A_711, %parallel_loop3A_712, %parallel_loop3A_713] {strides = array<i32>} : memref<4x64x128xf32, #tpu.memory_space<vmem>>, vector<1x1x16xf32>,
      %parallel_loop3A_715 = vector.shape_cast %parallel_loop3A_714 : vector<1x1x16xf32> to vector<16xf32>
      %parallel_loop3A_716 = vector.shape_cast %parallel_loop3A_709 : vector<16xf32> to vector<1x1x16xf32>
      tpu.vector_store %arg11[%parallel_loop3A_711, %parallel_loop3A_712, %parallel_loop3A_713], %parallel_loop3A_716 {strides = array<i32>} : memref<4x64x128xf32, #tpu.memory_space<vmem>>, vector<1x1x16xf32>,
      %parallel_loop3A_717 = arith.constant 1 : i32
      %parallel_loop3A_718 = arith.index_cast %parallel_loop3A_717 : i32 to index
      %parallel_loop3A_719 = arith.index_cast %parallel_loop3A_576 : i32 to index
      %parallel_loop3A_720 = arith.constant 112 : index
      %parallel_loop3A_721 = tpu.vector_load %arg9[%parallel_loop3A_718, %parallel_loop3A_719, %parallel_loop3A_720] {strides = array<i32>} : memref<4x64x128xf32, #tpu.memory_space<vmem>>, vector<1x1x16xf32>,
      %parallel_loop3A_722 = vector.shape_cast %parallel_loop3A_721 : vector<1x1x16xf32> to vector<16xf32>
      %parallel_loop3A_723 = arith.constant 1 : i32
      %parallel_loop3A_724 = arith.index_cast %parallel_loop3A_723 : i32 to index
      %parallel_loop3A_725 = arith.index_cast %parallel_loop3A_576 : i32 to index
      %parallel_loop3A_726 = arith.constant 112 : index
      %parallel_loop3A_727 = tpu.vector_load %arg10[%parallel_loop3A_724, %parallel_loop3A_725, %parallel_loop3A_726] {strides = array<i32>} : memref<4x64x128xf32, #tpu.memory_space<vmem>>, vector<1x1x16xf32>,
      %parallel_loop3A_728 = vector.shape_cast %parallel_loop3A_727 : vector<1x1x16xf32> to vector<16xf32>
      %parallel_loop3A_729 = arith.mulf %parallel_loop3A_722, %parallel_loop3A_728 : vector<16xf32>
      %parallel_loop3A_730 = arith.constant 1 : i32
      %parallel_loop3A_731 = arith.index_cast %parallel_loop3A_730 : i32 to index
      %parallel_loop3A_732 = arith.index_cast %parallel_loop3A_576 : i32 to index
      %parallel_loop3A_733 = arith.constant 112 : index
      %parallel_loop3A_734 = tpu.vector_load %arg11[%parallel_loop3A_731, %parallel_loop3A_732, %parallel_loop3A_733] {strides = array<i32>} : memref<4x64x128xf32, #tpu.memory_space<vmem>>, vector<1x1x16xf32>,
      %parallel_loop3A_735 = vector.shape_cast %parallel_loop3A_734 : vector<1x1x16xf32> to vector<16xf32>
      %parallel_loop3A_736 = vector.shape_cast %parallel_loop3A_729 : vector<16xf32> to vector<1x1x16xf32>
      tpu.vector_store %arg11[%parallel_loop3A_731, %parallel_loop3A_732, %parallel_loop3A_733], %parallel_loop3A_736 {strides = array<i32>} : memref<4x64x128xf32, #tpu.memory_space<vmem>>, vector<1x1x16xf32>,
    } {sc.loop_unroll_factor = 1 : i64, sc.parallel_access}
    %dma_start3A_169 = arith.constant 1 : i32
    %dma_start3A_170 = arith.constant 0 : i32
    %dma_start3A_171 = arith.constant 0 : i32
    %dma_start3A_172 = tpu.memref_slice %arg9[%dma_start3A_169, %dma_start3A_170, %dma_start3A_171] : memref<4x64x128xf32, #tpu.memory_space<vmem>> -> memref<1x64x128xf32, #tpu.memory_space<vmem>>
    %dma_start3A_173 = tpu.memref_squeeze %dma_start3A_172 : memref<1x64x128xf32, #tpu.memory_space<vmem>> -> memref<64x128xf32, #tpu.memory_space<vmem>>
    %dma_start3A_174 = arith.constant 320 : i32
    %dma_start3A_175 = tpu.memref_slice %arg7[%dma_start3A_174] : memref<512xi32, #tpu.memory_space<vmem>> -> memref<64xi32, #tpu.memory_space<vmem>>
    %dma_start3A_176 = arith.constant 0 : i32
    %dma_start3A_177 = arith.constant 0 : i32
    %dma_start3A_178 = tpu.memref_slice %arg4[%dma_start3A_176, %dma_start3A_177] : memref<100000x128xf32, #tpu.memory_space<hbm>> -> memref<100000x128xf32, #tpu.memory_space<hbm>>
    tpu.enqueue_indirect_dma source(%dma_start3A_178 : memref<100000x128xf32, #tpu.memory_space<hbm>>) target(%dma_start3A_173 : memref<64x128xf32, #tpu.memory_space<vmem>>) offsets(%dma_start3A_175 : memref<64xi32, #tpu.memory_space<vmem>>) semaphore(%arg13 : memref<!tpu.dma_semaphore, #tpu.memory_space<semaphore_mem>>)
    %dma_start3A_179 = arith.constant 1 : i32
    %dma_start3A_180 = arith.constant 0 : i32
    %dma_start3A_181 = arith.constant 0 : i32
    %dma_start3A_182 = tpu.memref_slice %arg10[%dma_start3A_179, %dma_start3A_180, %dma_start3A_181] : memref<4x64x128xf32, #tpu.memory_space<vmem>> -> memref<1x64x128xf32, #tpu.memory_space<vmem>>
    %dma_start3A_183 = tpu.memref_squeeze %dma_start3A_182 : memref<1x64x128xf32, #tpu.memory_space<vmem>> -> memref<64x128xf32, #tpu.memory_space<vmem>>
    %dma_start3A_184 = arith.constant 320 : i32
    %dma_start3A_185 = tpu.memref_slice %arg8[%dma_start3A_184] : memref<512xi32, #tpu.memory_space<vmem>> -> memref<64xi32, #tpu.memory_space<vmem>>
    %dma_start3A_186 = arith.constant 0 : i32
    %dma_start3A_187 = arith.constant 0 : i32
    %dma_start3A_188 = tpu.memref_slice %arg5[%dma_start3A_186, %dma_start3A_187] : memref<1000000x128xf32, #tpu.memory_space<hbm>> -> memref<1000000x128xf32, #tpu.memory_space<hbm>>
    tpu.enqueue_indirect_dma source(%dma_start3A_188 : memref<1000000x128xf32, #tpu.memory_space<hbm>>) target(%dma_start3A_183 : memref<64x128xf32, #tpu.memory_space<vmem>>) offsets(%dma_start3A_185 : memref<64xi32, #tpu.memory_space<vmem>>) semaphore(%arg13 : memref<!tpu.dma_semaphore, #tpu.memory_space<semaphore_mem>>)
    %add3A_189 = arith.constant 64 : i32
    %add3A_190 = arith.addi %mul3A_2, %add3A_189 : i32
    %dma_start3A_191 = arith.constant 1 : i32
    %dma_start3A_192 = arith.constant 0 : i32
    %dma_start3A_193 = arith.constant 0 : i32
    %dma_start3A_194 = tpu.memref_slice %arg11[%dma_start3A_191, %dma_start3A_192, %dma_start3A_193] : memref<4x64x128xf32, #tpu.memory_space<vmem>> -> memref<1x64x128xf32, #tpu.memory_space<vmem>>
    %dma_start3A_195 = tpu.memref_squeeze %dma_start3A_194 : memref<1x64x128xf32, #tpu.memory_space<vmem>> -> memref<64x128xf32, #tpu.memory_space<vmem>>
    %dma_start3A_196 = arith.constant 0 : i32
    %dma_start3A_197 = tpu.memref_slice %arg6[%add3A_190, %dma_start3A_196] : memref<16384x128xf32, #tpu.memory_space<hbm>> -> memref<64x128xf32, #tpu.memory_space<hbm>>
    %dma_start3A_198 = arith.constant 0 : i32
    %dma_start3A_199 = tpu.memref_slice %arg6[%add3A_190, %dma_start3A_198] : memref<16384x128xf32, #tpu.memory_space<hbm>> -> memref<64x128xf32, #tpu.memory_space<hbm>>
    %dma_start3A_200 = arith.constant 0 : i32
    %dma_start3A_201 = arith.constant 0 : i32
    %dma_start3A_202 = tpu.memref_slice %arg11[%dma_start3A_191, %dma_start3A_200, %dma_start3A_201] : memref<4x64x128xf32, #tpu.memory_space<vmem>> -> memref<1x64x128xf32, #tpu.memory_space<vmem>>
    %dma_start3A_203 = tpu.memref_squeeze %dma_start3A_202 : memref<1x64x128xf32, #tpu.memory_space<vmem>> -> memref<64x128xf32, #tpu.memory_space<vmem>>
    tpu.enqueue_dma source(%dma_start3A_203 : memref<64x128xf32, #tpu.memory_space<vmem>>) target(%dma_start3A_199 : memref<64x128xf32, #tpu.memory_space<hbm>>) target_semaphore(%arg17 : memref<!tpu.dma_semaphore, #tpu.memory_space<semaphore_mem>>)
    %dma_wait3A_204 = arith.constant 2 : i32
    %dma_wait3A_205 = arith.constant 0 : i32
    %dma_wait3A_206 = arith.constant 0 : i32
    %dma_wait3A_207 = tpu.memref_slice %arg9[%dma_wait3A_204, %dma_wait3A_205, %dma_wait3A_206] : memref<4x64x128xf32, #tpu.memory_space<vmem>> -> memref<1x64x128xf32, #tpu.memory_space<vmem>>
    %dma_wait3A_208 = tpu.memref_squeeze %dma_wait3A_207 : memref<1x64x128xf32, #tpu.memory_space<vmem>> -> memref<64x128xf32, #tpu.memory_space<vmem>>
    %dma_wait3A_209 = arith.constant 128 : i32
    %dma_wait3A_210 = tpu.memref_slice %arg7[%dma_wait3A_209] : memref<512xi32, #tpu.memory_space<vmem>> -> memref<64xi32, #tpu.memory_space<vmem>>
    %dma_wait3A_211 = arith.constant 0 : i32
    %dma_wait3A_212 = arith.constant 0 : i32
    %dma_wait3A_213 = tpu.memref_slice %arg4[%dma_wait3A_211, %dma_wait3A_212] : memref<100000x128xf32, #tpu.memory_space<hbm>> -> memref<100000x128xf32, #tpu.memory_space<hbm>>
    tpu.wait_indirect_dma semaphore(%arg14 : memref<!tpu.dma_semaphore, #tpu.memory_space<semaphore_mem>>) src(%dma_wait3A_213 : memref<100000x128xf32, #tpu.memory_space<hbm>>) dst(%dma_wait3A_208 : memref<64x128xf32, #tpu.memory_space<vmem>>)
    %dma_wait3A_214 = arith.constant 2 : i32
    %dma_wait3A_215 = arith.constant 0 : i32
    %dma_wait3A_216 = arith.constant 0 : i32
    %dma_wait3A_217 = tpu.memref_slice %arg10[%dma_wait3A_214, %dma_wait3A_215, %dma_wait3A_216] : memref<4x64x128xf32, #tpu.memory_space<vmem>> -> memref<1x64x128xf32, #tpu.memory_space<vmem>>
    %dma_wait3A_218 = tpu.memref_squeeze %dma_wait3A_217 : memref<1x64x128xf32, #tpu.memory_space<vmem>> -> memref<64x128xf32, #tpu.memory_space<vmem>>
    %dma_wait3A_219 = arith.constant 128 : i32
    %dma_wait3A_220 = tpu.memref_slice %arg8[%dma_wait3A_219] : memref<512xi32, #tpu.memory_space<vmem>> -> memref<64xi32, #tpu.memory_space<vmem>>
    %dma_wait3A_221 = arith.constant 0 : i32
    %dma_wait3A_222 = arith.constant 0 : i32
    %dma_wait3A_223 = tpu.memref_slice %arg5[%dma_wait3A_221, %dma_wait3A_222] : memref<1000000x128xf32, #tpu.memory_space<hbm>> -> memref<1000000x128xf32, #tpu.memory_space<hbm>>
    tpu.wait_indirect_dma semaphore(%arg14 : memref<!tpu.dma_semaphore, #tpu.memory_space<semaphore_mem>>) src(%dma_wait3A_223 : memref<1000000x128xf32, #tpu.memory_space<hbm>>) dst(%dma_wait3A_218 : memref<64x128xf32, #tpu.memory_space<vmem>>)
    %parallel_loop3A_224 = arith.constant 0 : i32
    %parallel_loop3A_225 = arith.constant 64 : i32
    %parallel_loop3A_226 = arith.constant 1 : i32
    scf.for %parallel_loop3A_576 = %parallel_loop3A_224 to %parallel_loop3A_225 step %parallel_loop3A_226  : i32 {
      %parallel_loop3A_577 = arith.constant 2 : i32
      %parallel_loop3A_578 = arith.index_cast %parallel_loop3A_577 : i32 to index
      %parallel_loop3A_579 = arith.index_cast %parallel_loop3A_576 : i32 to index
      %parallel_loop3A_580 = arith.constant 0 : index
      %parallel_loop3A_581 = tpu.vector_load %arg9[%parallel_loop3A_578, %parallel_loop3A_579, %parallel_loop3A_580] {strides = array<i32>} : memref<4x64x128xf32, #tpu.memory_space<vmem>>, vector<1x1x16xf32>,
      %parallel_loop3A_582 = vector.shape_cast %parallel_loop3A_581 : vector<1x1x16xf32> to vector<16xf32>
      %parallel_loop3A_583 = arith.constant 2 : i32
      %parallel_loop3A_584 = arith.index_cast %parallel_loop3A_583 : i32 to index
      %parallel_loop3A_585 = arith.index_cast %parallel_loop3A_576 : i32 to index
      %parallel_loop3A_586 = arith.constant 0 : index
      %parallel_loop3A_587 = tpu.vector_load %arg10[%parallel_loop3A_584, %parallel_loop3A_585, %parallel_loop3A_586] {strides = array<i32>} : memref<4x64x128xf32, #tpu.memory_space<vmem>>, vector<1x1x16xf32>,
      %parallel_loop3A_588 = vector.shape_cast %parallel_loop3A_587 : vector<1x1x16xf32> to vector<16xf32>
      %parallel_loop3A_589 = arith.mulf %parallel_loop3A_582, %parallel_loop3A_588 : vector<16xf32>
      %parallel_loop3A_590 = arith.constant 2 : i32
      %parallel_loop3A_591 = arith.index_cast %parallel_loop3A_590 : i32 to index
      %parallel_loop3A_592 = arith.index_cast %parallel_loop3A_576 : i32 to index
      %parallel_loop3A_593 = arith.constant 0 : index
      %parallel_loop3A_594 = tpu.vector_load %arg11[%parallel_loop3A_591, %parallel_loop3A_592, %parallel_loop3A_593] {strides = array<i32>} : memref<4x64x128xf32, #tpu.memory_space<vmem>>, vector<1x1x16xf32>,
      %parallel_loop3A_595 = vector.shape_cast %parallel_loop3A_594 : vector<1x1x16xf32> to vector<16xf32>
      %parallel_loop3A_596 = vector.shape_cast %parallel_loop3A_589 : vector<16xf32> to vector<1x1x16xf32>
      tpu.vector_store %arg11[%parallel_loop3A_591, %parallel_loop3A_592, %parallel_loop3A_593], %parallel_loop3A_596 {strides = array<i32>} : memref<4x64x128xf32, #tpu.memory_space<vmem>>, vector<1x1x16xf32>,
      %parallel_loop3A_597 = arith.constant 2 : i32
      %parallel_loop3A_598 = arith.index_cast %parallel_loop3A_597 : i32 to index
      %parallel_loop3A_599 = arith.index_cast %parallel_loop3A_576 : i32 to index
      %parallel_loop3A_600 = arith.constant 16 : index
      %parallel_loop3A_601 = tpu.vector_load %arg9[%parallel_loop3A_598, %parallel_loop3A_599, %parallel_loop3A_600] {strides = array<i32>} : memref<4x64x128xf32, #tpu.memory_space<vmem>>, vector<1x1x16xf32>,
      %parallel_loop3A_602 = vector.shape_cast %parallel_loop3A_601 : vector<1x1x16xf32> to vector<16xf32>
      %parallel_loop3A_603 = arith.constant 2 : i32
      %parallel_loop3A_604 = arith.index_cast %parallel_loop3A_603 : i32 to index
      %parallel_loop3A_605 = arith.index_cast %parallel_loop3A_576 : i32 to index
      %parallel_loop3A_606 = arith.constant 16 : index
      %parallel_loop3A_607 = tpu.vector_load %arg10[%parallel_loop3A_604, %parallel_loop3A_605, %parallel_loop3A_606] {strides = array<i32>} : memref<4x64x128xf32, #tpu.memory_space<vmem>>, vector<1x1x16xf32>,
      %parallel_loop3A_608 = vector.shape_cast %parallel_loop3A_607 : vector<1x1x16xf32> to vector<16xf32>
      %parallel_loop3A_609 = arith.mulf %parallel_loop3A_602, %parallel_loop3A_608 : vector<16xf32>
      %parallel_loop3A_610 = arith.constant 2 : i32
      %parallel_loop3A_611 = arith.index_cast %parallel_loop3A_610 : i32 to index
      %parallel_loop3A_612 = arith.index_cast %parallel_loop3A_576 : i32 to index
      %parallel_loop3A_613 = arith.constant 16 : index
      %parallel_loop3A_614 = tpu.vector_load %arg11[%parallel_loop3A_611, %parallel_loop3A_612, %parallel_loop3A_613] {strides = array<i32>} : memref<4x64x128xf32, #tpu.memory_space<vmem>>, vector<1x1x16xf32>,
      %parallel_loop3A_615 = vector.shape_cast %parallel_loop3A_614 : vector<1x1x16xf32> to vector<16xf32>
      %parallel_loop3A_616 = vector.shape_cast %parallel_loop3A_609 : vector<16xf32> to vector<1x1x16xf32>
      tpu.vector_store %arg11[%parallel_loop3A_611, %parallel_loop3A_612, %parallel_loop3A_613], %parallel_loop3A_616 {strides = array<i32>} : memref<4x64x128xf32, #tpu.memory_space<vmem>>, vector<1x1x16xf32>,
      %parallel_loop3A_617 = arith.constant 2 : i32
      %parallel_loop3A_618 = arith.index_cast %parallel_loop3A_617 : i32 to index
      %parallel_loop3A_619 = arith.index_cast %parallel_loop3A_576 : i32 to index
      %parallel_loop3A_620 = arith.constant 32 : index
      %parallel_loop3A_621 = tpu.vector_load %arg9[%parallel_loop3A_618, %parallel_loop3A_619, %parallel_loop3A_620] {strides = array<i32>} : memref<4x64x128xf32, #tpu.memory_space<vmem>>, vector<1x1x16xf32>,
      %parallel_loop3A_622 = vector.shape_cast %parallel_loop3A_621 : vector<1x1x16xf32> to vector<16xf32>
      %parallel_loop3A_623 = arith.constant 2 : i32
      %parallel_loop3A_624 = arith.index_cast %parallel_loop3A_623 : i32 to index
      %parallel_loop3A_625 = arith.index_cast %parallel_loop3A_576 : i32 to index
      %parallel_loop3A_626 = arith.constant 32 : index
      %parallel_loop3A_627 = tpu.vector_load %arg10[%parallel_loop3A_624, %parallel_loop3A_625, %parallel_loop3A_626] {strides = array<i32>} : memref<4x64x128xf32, #tpu.memory_space<vmem>>, vector<1x1x16xf32>,
      %parallel_loop3A_628 = vector.shape_cast %parallel_loop3A_627 : vector<1x1x16xf32> to vector<16xf32>
      %parallel_loop3A_629 = arith.mulf %parallel_loop3A_622, %parallel_loop3A_628 : vector<16xf32>
      %parallel_loop3A_630 = arith.constant 2 : i32
      %parallel_loop3A_631 = arith.index_cast %parallel_loop3A_630 : i32 to index
      %parallel_loop3A_632 = arith.index_cast %parallel_loop3A_576 : i32 to index
      %parallel_loop3A_633 = arith.constant 32 : index
      %parallel_loop3A_634 = tpu.vector_load %arg11[%parallel_loop3A_631, %parallel_loop3A_632, %parallel_loop3A_633] {strides = array<i32>} : memref<4x64x128xf32, #tpu.memory_space<vmem>>, vector<1x1x16xf32>,
      %parallel_loop3A_635 = vector.shape_cast %parallel_loop3A_634 : vector<1x1x16xf32> to vector<16xf32>
      %parallel_loop3A_636 = vector.shape_cast %parallel_loop3A_629 : vector<16xf32> to vector<1x1x16xf32>
      tpu.vector_store %arg11[%parallel_loop3A_631, %parallel_loop3A_632, %parallel_loop3A_633], %parallel_loop3A_636 {strides = array<i32>} : memref<4x64x128xf32, #tpu.memory_space<vmem>>, vector<1x1x16xf32>,
      %parallel_loop3A_637 = arith.constant 2 : i32
      %parallel_loop3A_638 = arith.index_cast %parallel_loop3A_637 : i32 to index
      %parallel_loop3A_639 = arith.index_cast %parallel_loop3A_576 : i32 to index
      %parallel_loop3A_640 = arith.constant 48 : index
      %parallel_loop3A_641 = tpu.vector_load %arg9[%parallel_loop3A_638, %parallel_loop3A_639, %parallel_loop3A_640] {strides = array<i32>} : memref<4x64x128xf32, #tpu.memory_space<vmem>>, vector<1x1x16xf32>,
      %parallel_loop3A_642 = vector.shape_cast %parallel_loop3A_641 : vector<1x1x16xf32> to vector<16xf32>
      %parallel_loop3A_643 = arith.constant 2 : i32
      %parallel_loop3A_644 = arith.index_cast %parallel_loop3A_643 : i32 to index
      %parallel_loop3A_645 = arith.index_cast %parallel_loop3A_576 : i32 to index
      %parallel_loop3A_646 = arith.constant 48 : index
      %parallel_loop3A_647 = tpu.vector_load %arg10[%parallel_loop3A_644, %parallel_loop3A_645, %parallel_loop3A_646] {strides = array<i32>} : memref<4x64x128xf32, #tpu.memory_space<vmem>>, vector<1x1x16xf32>,
      %parallel_loop3A_648 = vector.shape_cast %parallel_loop3A_647 : vector<1x1x16xf32> to vector<16xf32>
      %parallel_loop3A_649 = arith.mulf %parallel_loop3A_642, %parallel_loop3A_648 : vector<16xf32>
      %parallel_loop3A_650 = arith.constant 2 : i32
      %parallel_loop3A_651 = arith.index_cast %parallel_loop3A_650 : i32 to index
      %parallel_loop3A_652 = arith.index_cast %parallel_loop3A_576 : i32 to index
      %parallel_loop3A_653 = arith.constant 48 : index
      %parallel_loop3A_654 = tpu.vector_load %arg11[%parallel_loop3A_651, %parallel_loop3A_652, %parallel_loop3A_653] {strides = array<i32>} : memref<4x64x128xf32, #tpu.memory_space<vmem>>, vector<1x1x16xf32>,
      %parallel_loop3A_655 = vector.shape_cast %parallel_loop3A_654 : vector<1x1x16xf32> to vector<16xf32>
      %parallel_loop3A_656 = vector.shape_cast %parallel_loop3A_649 : vector<16xf32> to vector<1x1x16xf32>
      tpu.vector_store %arg11[%parallel_loop3A_651, %parallel_loop3A_652, %parallel_loop3A_653], %parallel_loop3A_656 {strides = array<i32>} : memref<4x64x128xf32, #tpu.memory_space<vmem>>, vector<1x1x16xf32>,
      %parallel_loop3A_657 = arith.constant 2 : i32
      %parallel_loop3A_658 = arith.index_cast %parallel_loop3A_657 : i32 to index
      %parallel_loop3A_659 = arith.index_cast %parallel_loop3A_576 : i32 to index
      %parallel_loop3A_660 = arith.constant 64 : index
      %parallel_loop3A_661 = tpu.vector_load %arg9[%parallel_loop3A_658, %parallel_loop3A_659, %parallel_loop3A_660] {strides = array<i32>} : memref<4x64x128xf32, #tpu.memory_space<vmem>>, vector<1x1x16xf32>,
      %parallel_loop3A_662 = vector.shape_cast %parallel_loop3A_661 : vector<1x1x16xf32> to vector<16xf32>
      %parallel_loop3A_663 = arith.constant 2 : i32
      %parallel_loop3A_664 = arith.index_cast %parallel_loop3A_663 : i32 to index
      %parallel_loop3A_665 = arith.index_cast %parallel_loop3A_576 : i32 to index
      %parallel_loop3A_666 = arith.constant 64 : index
      %parallel_loop3A_667 = tpu.vector_load %arg10[%parallel_loop3A_664, %parallel_loop3A_665, %parallel_loop3A_666] {strides = array<i32>} : memref<4x64x128xf32, #tpu.memory_space<vmem>>, vector<1x1x16xf32>,
      %parallel_loop3A_668 = vector.shape_cast %parallel_loop3A_667 : vector<1x1x16xf32> to vector<16xf32>
      %parallel_loop3A_669 = arith.mulf %parallel_loop3A_662, %parallel_loop3A_668 : vector<16xf32>
      %parallel_loop3A_670 = arith.constant 2 : i32
      %parallel_loop3A_671 = arith.index_cast %parallel_loop3A_670 : i32 to index
      %parallel_loop3A_672 = arith.index_cast %parallel_loop3A_576 : i32 to index
      %parallel_loop3A_673 = arith.constant 64 : index
      %parallel_loop3A_674 = tpu.vector_load %arg11[%parallel_loop3A_671, %parallel_loop3A_672, %parallel_loop3A_673] {strides = array<i32>} : memref<4x64x128xf32, #tpu.memory_space<vmem>>, vector<1x1x16xf32>,
      %parallel_loop3A_675 = vector.shape_cast %parallel_loop3A_674 : vector<1x1x16xf32> to vector<16xf32>
      %parallel_loop3A_676 = vector.shape_cast %parallel_loop3A_669 : vector<16xf32> to vector<1x1x16xf32>
      tpu.vector_store %arg11[%parallel_loop3A_671, %parallel_loop3A_672, %parallel_loop3A_673], %parallel_loop3A_676 {strides = array<i32>} : memref<4x64x128xf32, #tpu.memory_space<vmem>>, vector<1x1x16xf32>,
      %parallel_loop3A_677 = arith.constant 2 : i32
      %parallel_loop3A_678 = arith.index_cast %parallel_loop3A_677 : i32 to index
      %parallel_loop3A_679 = arith.index_cast %parallel_loop3A_576 : i32 to index
      %parallel_loop3A_680 = arith.constant 80 : index
      %parallel_loop3A_681 = tpu.vector_load %arg9[%parallel_loop3A_678, %parallel_loop3A_679, %parallel_loop3A_680] {strides = array<i32>} : memref<4x64x128xf32, #tpu.memory_space<vmem>>, vector<1x1x16xf32>,
      %parallel_loop3A_682 = vector.shape_cast %parallel_loop3A_681 : vector<1x1x16xf32> to vector<16xf32>
      %parallel_loop3A_683 = arith.constant 2 : i32
      %parallel_loop3A_684 = arith.index_cast %parallel_loop3A_683 : i32 to index
      %parallel_loop3A_685 = arith.index_cast %parallel_loop3A_576 : i32 to index
      %parallel_loop3A_686 = arith.constant 80 : index
      %parallel_loop3A_687 = tpu.vector_load %arg10[%parallel_loop3A_684, %parallel_loop3A_685, %parallel_loop3A_686] {strides = array<i32>} : memref<4x64x128xf32, #tpu.memory_space<vmem>>, vector<1x1x16xf32>,
      %parallel_loop3A_688 = vector.shape_cast %parallel_loop3A_687 : vector<1x1x16xf32> to vector<16xf32>
      %parallel_loop3A_689 = arith.mulf %parallel_loop3A_682, %parallel_loop3A_688 : vector<16xf32>
      %parallel_loop3A_690 = arith.constant 2 : i32
      %parallel_loop3A_691 = arith.index_cast %parallel_loop3A_690 : i32 to index
      %parallel_loop3A_692 = arith.index_cast %parallel_loop3A_576 : i32 to index
      %parallel_loop3A_693 = arith.constant 80 : index
      %parallel_loop3A_694 = tpu.vector_load %arg11[%parallel_loop3A_691, %parallel_loop3A_692, %parallel_loop3A_693] {strides = array<i32>} : memref<4x64x128xf32, #tpu.memory_space<vmem>>, vector<1x1x16xf32>,
      %parallel_loop3A_695 = vector.shape_cast %parallel_loop3A_694 : vector<1x1x16xf32> to vector<16xf32>
      %parallel_loop3A_696 = vector.shape_cast %parallel_loop3A_689 : vector<16xf32> to vector<1x1x16xf32>
      tpu.vector_store %arg11[%parallel_loop3A_691, %parallel_loop3A_692, %parallel_loop3A_693], %parallel_loop3A_696 {strides = array<i32>} : memref<4x64x128xf32, #tpu.memory_space<vmem>>, vector<1x1x16xf32>,
      %parallel_loop3A_697 = arith.constant 2 : i32
      %parallel_loop3A_698 = arith.index_cast %parallel_loop3A_697 : i32 to index
      %parallel_loop3A_699 = arith.index_cast %parallel_loop3A_576 : i32 to index
      %parallel_loop3A_700 = arith.constant 96 : index
      %parallel_loop3A_701 = tpu.vector_load %arg9[%parallel_loop3A_698, %parallel_loop3A_699, %parallel_loop3A_700] {strides = array<i32>} : memref<4x64x128xf32, #tpu.memory_space<vmem>>, vector<1x1x16xf32>,
      %parallel_loop3A_702 = vector.shape_cast %parallel_loop3A_701 : vector<1x1x16xf32> to vector<16xf32>
      %parallel_loop3A_703 = arith.constant 2 : i32
      %parallel_loop3A_704 = arith.index_cast %parallel_loop3A_703 : i32 to index
      %parallel_loop3A_705 = arith.index_cast %parallel_loop3A_576 : i32 to index
      %parallel_loop3A_706 = arith.constant 96 : index
      %parallel_loop3A_707 = tpu.vector_load %arg10[%parallel_loop3A_704, %parallel_loop3A_705, %parallel_loop3A_706] {strides = array<i32>} : memref<4x64x128xf32, #tpu.memory_space<vmem>>, vector<1x1x16xf32>,
      %parallel_loop3A_708 = vector.shape_cast %parallel_loop3A_707 : vector<1x1x16xf32> to vector<16xf32>
      %parallel_loop3A_709 = arith.mulf %parallel_loop3A_702, %parallel_loop3A_708 : vector<16xf32>
      %parallel_loop3A_710 = arith.constant 2 : i32
      %parallel_loop3A_711 = arith.index_cast %parallel_loop3A_710 : i32 to index
      %parallel_loop3A_712 = arith.index_cast %parallel_loop3A_576 : i32 to index
      %parallel_loop3A_713 = arith.constant 96 : index
      %parallel_loop3A_714 = tpu.vector_load %arg11[%parallel_loop3A_711, %parallel_loop3A_712, %parallel_loop3A_713] {strides = array<i32>} : memref<4x64x128xf32, #tpu.memory_space<vmem>>, vector<1x1x16xf32>,
      %parallel_loop3A_715 = vector.shape_cast %parallel_loop3A_714 : vector<1x1x16xf32> to vector<16xf32>
      %parallel_loop3A_716 = vector.shape_cast %parallel_loop3A_709 : vector<16xf32> to vector<1x1x16xf32>
      tpu.vector_store %arg11[%parallel_loop3A_711, %parallel_loop3A_712, %parallel_loop3A_713], %parallel_loop3A_716 {strides = array<i32>} : memref<4x64x128xf32, #tpu.memory_space<vmem>>, vector<1x1x16xf32>,
      %parallel_loop3A_717 = arith.constant 2 : i32
      %parallel_loop3A_718 = arith.index_cast %parallel_loop3A_717 : i32 to index
      %parallel_loop3A_719 = arith.index_cast %parallel_loop3A_576 : i32 to index
      %parallel_loop3A_720 = arith.constant 112 : index
      %parallel_loop3A_721 = tpu.vector_load %arg9[%parallel_loop3A_718, %parallel_loop3A_719, %parallel_loop3A_720] {strides = array<i32>} : memref<4x64x128xf32, #tpu.memory_space<vmem>>, vector<1x1x16xf32>,
      %parallel_loop3A_722 = vector.shape_cast %parallel_loop3A_721 : vector<1x1x16xf32> to vector<16xf32>
      %parallel_loop3A_723 = arith.constant 2 : i32
      %parallel_loop3A_724 = arith.index_cast %parallel_loop3A_723 : i32 to index
      %parallel_loop3A_725 = arith.index_cast %parallel_loop3A_576 : i32 to index
      %parallel_loop3A_726 = arith.constant 112 : index
      %parallel_loop3A_727 = tpu.vector_load %arg10[%parallel_loop3A_724, %parallel_loop3A_725, %parallel_loop3A_726] {strides = array<i32>} : memref<4x64x128xf32, #tpu.memory_space<vmem>>, vector<1x1x16xf32>,
      %parallel_loop3A_728 = vector.shape_cast %parallel_loop3A_727 : vector<1x1x16xf32> to vector<16xf32>
      %parallel_loop3A_729 = arith.mulf %parallel_loop3A_722, %parallel_loop3A_728 : vector<16xf32>
      %parallel_loop3A_730 = arith.constant 2 : i32
      %parallel_loop3A_731 = arith.index_cast %parallel_loop3A_730 : i32 to index
      %parallel_loop3A_732 = arith.index_cast %parallel_loop3A_576 : i32 to index
      %parallel_loop3A_733 = arith.constant 112 : index
      %parallel_loop3A_734 = tpu.vector_load %arg11[%parallel_loop3A_731, %parallel_loop3A_732, %parallel_loop3A_733] {strides = array<i32>} : memref<4x64x128xf32, #tpu.memory_space<vmem>>, vector<1x1x16xf32>,
      %parallel_loop3A_735 = vector.shape_cast %parallel_loop3A_734 : vector<1x1x16xf32> to vector<16xf32>
      %parallel_loop3A_736 = vector.shape_cast %parallel_loop3A_729 : vector<16xf32> to vector<1x1x16xf32>
      tpu.vector_store %arg11[%parallel_loop3A_731, %parallel_loop3A_732, %parallel_loop3A_733], %parallel_loop3A_736 {strides = array<i32>} : memref<4x64x128xf32, #tpu.memory_space<vmem>>, vector<1x1x16xf32>,
    } {sc.loop_unroll_factor = 1 : i64, sc.parallel_access}
    %dma_start3A_227 = arith.constant 2 : i32
    %dma_start3A_228 = arith.constant 0 : i32
    %dma_start3A_229 = arith.constant 0 : i32
    %dma_start3A_230 = tpu.memref_slice %arg9[%dma_start3A_227, %dma_start3A_228, %dma_start3A_229] : memref<4x64x128xf32, #tpu.memory_space<vmem>> -> memref<1x64x128xf32, #tpu.memory_space<vmem>>
    %dma_start3A_231 = tpu.memref_squeeze %dma_start3A_230 : memref<1x64x128xf32, #tpu.memory_space<vmem>> -> memref<64x128xf32, #tpu.memory_space<vmem>>
    %dma_start3A_232 = arith.constant 384 : i32
    %dma_start3A_233 = tpu.memref_slice %arg7[%dma_start3A_232] : memref<512xi32, #tpu.memory_space<vmem>> -> memref<64xi32, #tpu.memory_space<vmem>>
    %dma_start3A_234 = arith.constant 0 : i32
    %dma_start3A_235 = arith.constant 0 : i32
    %dma_start3A_236 = tpu.memref_slice %arg4[%dma_start3A_234, %dma_start3A_235] : memref<100000x128xf32, #tpu.memory_space<hbm>> -> memref<100000x128xf32, #tpu.memory_space<hbm>>
    tpu.enqueue_indirect_dma source(%dma_start3A_236 : memref<100000x128xf32, #tpu.memory_space<hbm>>) target(%dma_start3A_231 : memref<64x128xf32, #tpu.memory_space<vmem>>) offsets(%dma_start3A_233 : memref<64xi32, #tpu.memory_space<vmem>>) semaphore(%arg14 : memref<!tpu.dma_semaphore, #tpu.memory_space<semaphore_mem>>)
    %dma_start3A_237 = arith.constant 2 : i32
    %dma_start3A_238 = arith.constant 0 : i32
    %dma_start3A_239 = arith.constant 0 : i32
    %dma_start3A_240 = tpu.memref_slice %arg10[%dma_start3A_237, %dma_start3A_238, %dma_start3A_239] : memref<4x64x128xf32, #tpu.memory_space<vmem>> -> memref<1x64x128xf32, #tpu.memory_space<vmem>>
    %dma_start3A_241 = tpu.memref_squeeze %dma_start3A_240 : memref<1x64x128xf32, #tpu.memory_space<vmem>> -> memref<64x128xf32, #tpu.memory_space<vmem>>
    %dma_start3A_242 = arith.constant 384 : i32
    %dma_start3A_243 = tpu.memref_slice %arg8[%dma_start3A_242] : memref<512xi32, #tpu.memory_space<vmem>> -> memref<64xi32, #tpu.memory_space<vmem>>
    %dma_start3A_244 = arith.constant 0 : i32
    %dma_start3A_245 = arith.constant 0 : i32
    %dma_start3A_246 = tpu.memref_slice %arg5[%dma_start3A_244, %dma_start3A_245] : memref<1000000x128xf32, #tpu.memory_space<hbm>> -> memref<1000000x128xf32, #tpu.memory_space<hbm>>
    tpu.enqueue_indirect_dma source(%dma_start3A_246 : memref<1000000x128xf32, #tpu.memory_space<hbm>>) target(%dma_start3A_241 : memref<64x128xf32, #tpu.memory_space<vmem>>) offsets(%dma_start3A_243 : memref<64xi32, #tpu.memory_space<vmem>>) semaphore(%arg14 : memref<!tpu.dma_semaphore, #tpu.memory_space<semaphore_mem>>)
    %add3A_247 = arith.constant 128 : i32
    %add3A_248 = arith.addi %mul3A_2, %add3A_247 : i32
    %dma_start3A_249 = arith.constant 2 : i32
    %dma_start3A_250 = arith.constant 0 : i32
    %dma_start3A_251 = arith.constant 0 : i32
    %dma_start3A_252 = tpu.memref_slice %arg11[%dma_start3A_249, %dma_start3A_250, %dma_start3A_251] : memref<4x64x128xf32, #tpu.memory_space<vmem>> -> memref<1x64x128xf32, #tpu.memory_space<vmem>>
    %dma_start3A_253 = tpu.memref_squeeze %dma_start3A_252 : memref<1x64x128xf32, #tpu.memory_space<vmem>> -> memref<64x128xf32, #tpu.memory_space<vmem>>
    %dma_start3A_254 = arith.constant 0 : i32
    %dma_start3A_255 = tpu.memref_slice %arg6[%add3A_248, %dma_start3A_254] : memref<16384x128xf32, #tpu.memory_space<hbm>> -> memref<64x128xf32, #tpu.memory_space<hbm>>
    %dma_start3A_256 = arith.constant 0 : i32
    %dma_start3A_257 = tpu.memref_slice %arg6[%add3A_248, %dma_start3A_256] : memref<16384x128xf32, #tpu.memory_space<hbm>> -> memref<64x128xf32, #tpu.memory_space<hbm>>
    %dma_start3A_258 = arith.constant 0 : i32
    %dma_start3A_259 = arith.constant 0 : i32
    %dma_start3A_260 = tpu.memref_slice %arg11[%dma_start3A_249, %dma_start3A_258, %dma_start3A_259] : memref<4x64x128xf32, #tpu.memory_space<vmem>> -> memref<1x64x128xf32, #tpu.memory_space<vmem>>
    %dma_start3A_261 = tpu.memref_squeeze %dma_start3A_260 : memref<1x64x128xf32, #tpu.memory_space<vmem>> -> memref<64x128xf32, #tpu.memory_space<vmem>>
    tpu.enqueue_dma source(%dma_start3A_261 : memref<64x128xf32, #tpu.memory_space<vmem>>) target(%dma_start3A_257 : memref<64x128xf32, #tpu.memory_space<hbm>>) target_semaphore(%arg18 : memref<!tpu.dma_semaphore, #tpu.memory_space<semaphore_mem>>)
    %dma_wait3A_262 = arith.constant 3 : i32
    %dma_wait3A_263 = arith.constant 0 : i32
    %dma_wait3A_264 = arith.constant 0 : i32
    %dma_wait3A_265 = tpu.memref_slice %arg9[%dma_wait3A_262, %dma_wait3A_263, %dma_wait3A_264] : memref<4x64x128xf32, #tpu.memory_space<vmem>> -> memref<1x64x128xf32, #tpu.memory_space<vmem>>
    %dma_wait3A_266 = tpu.memref_squeeze %dma_wait3A_265 : memref<1x64x128xf32, #tpu.memory_space<vmem>> -> memref<64x128xf32, #tpu.memory_space<vmem>>
    %dma_wait3A_267 = arith.constant 192 : i32
    %dma_wait3A_268 = tpu.memref_slice %arg7[%dma_wait3A_267] : memref<512xi32, #tpu.memory_space<vmem>> -> memref<64xi32, #tpu.memory_space<vmem>>
    %dma_wait3A_269 = arith.constant 0 : i32
    %dma_wait3A_270 = arith.constant 0 : i32
    %dma_wait3A_271 = tpu.memref_slice %arg4[%dma_wait3A_269, %dma_wait3A_270] : memref<100000x128xf32, #tpu.memory_space<hbm>> -> memref<100000x128xf32, #tpu.memory_space<hbm>>
    tpu.wait_indirect_dma semaphore(%arg15 : memref<!tpu.dma_semaphore, #tpu.memory_space<semaphore_mem>>) src(%dma_wait3A_271 : memref<100000x128xf32, #tpu.memory_space<hbm>>) dst(%dma_wait3A_266 : memref<64x128xf32, #tpu.memory_space<vmem>>)
    %dma_wait3A_272 = arith.constant 3 : i32
    %dma_wait3A_273 = arith.constant 0 : i32
    %dma_wait3A_274 = arith.constant 0 : i32
    %dma_wait3A_275 = tpu.memref_slice %arg10[%dma_wait3A_272, %dma_wait3A_273, %dma_wait3A_274] : memref<4x64x128xf32, #tpu.memory_space<vmem>> -> memref<1x64x128xf32, #tpu.memory_space<vmem>>
    %dma_wait3A_276 = tpu.memref_squeeze %dma_wait3A_275 : memref<1x64x128xf32, #tpu.memory_space<vmem>> -> memref<64x128xf32, #tpu.memory_space<vmem>>
    %dma_wait3A_277 = arith.constant 192 : i32
    %dma_wait3A_278 = tpu.memref_slice %arg8[%dma_wait3A_277] : memref<512xi32, #tpu.memory_space<vmem>> -> memref<64xi32, #tpu.memory_space<vmem>>
    %dma_wait3A_279 = arith.constant 0 : i32
    %dma_wait3A_280 = arith.constant 0 : i32
    %dma_wait3A_281 = tpu.memref_slice %arg5[%dma_wait3A_279, %dma_wait3A_280] : memref<1000000x128xf32, #tpu.memory_space<hbm>> -> memref<1000000x128xf32, #tpu.memory_space<hbm>>
    tpu.wait_indirect_dma semaphore(%arg15 : memref<!tpu.dma_semaphore, #tpu.memory_space<semaphore_mem>>) src(%dma_wait3A_281 : memref<1000000x128xf32, #tpu.memory_space<hbm>>) dst(%dma_wait3A_276 : memref<64x128xf32, #tpu.memory_space<vmem>>)
    %parallel_loop3A_282 = arith.constant 0 : i32
    %parallel_loop3A_283 = arith.constant 64 : i32
    %parallel_loop3A_284 = arith.constant 1 : i32
    scf.for %parallel_loop3A_576 = %parallel_loop3A_282 to %parallel_loop3A_283 step %parallel_loop3A_284  : i32 {
      %parallel_loop3A_577 = arith.constant 3 : i32
      %parallel_loop3A_578 = arith.index_cast %parallel_loop3A_577 : i32 to index
      %parallel_loop3A_579 = arith.index_cast %parallel_loop3A_576 : i32 to index
      %parallel_loop3A_580 = arith.constant 0 : index
      %parallel_loop3A_581 = tpu.vector_load %arg9[%parallel_loop3A_578, %parallel_loop3A_579, %parallel_loop3A_580] {strides = array<i32>} : memref<4x64x128xf32, #tpu.memory_space<vmem>>, vector<1x1x16xf32>,
      %parallel_loop3A_582 = vector.shape_cast %parallel_loop3A_581 : vector<1x1x16xf32> to vector<16xf32>
      %parallel_loop3A_583 = arith.constant 3 : i32
      %parallel_loop3A_584 = arith.index_cast %parallel_loop3A_583 : i32 to index
      %parallel_loop3A_585 = arith.index_cast %parallel_loop3A_576 : i32 to index
      %parallel_loop3A_586 = arith.constant 0 : index
      %parallel_loop3A_587 = tpu.vector_load %arg10[%parallel_loop3A_584, %parallel_loop3A_585, %parallel_loop3A_586] {strides = array<i32>} : memref<4x64x128xf32, #tpu.memory_space<vmem>>, vector<1x1x16xf32>,
      %parallel_loop3A_588 = vector.shape_cast %parallel_loop3A_587 : vector<1x1x16xf32> to vector<16xf32>
      %parallel_loop3A_589 = arith.mulf %parallel_loop3A_582, %parallel_loop3A_588 : vector<16xf32>
      %parallel_loop3A_590 = arith.constant 3 : i32
      %parallel_loop3A_591 = arith.index_cast %parallel_loop3A_590 : i32 to index
      %parallel_loop3A_592 = arith.index_cast %parallel_loop3A_576 : i32 to index
      %parallel_loop3A_593 = arith.constant 0 : index
      %parallel_loop3A_594 = tpu.vector_load %arg11[%parallel_loop3A_591, %parallel_loop3A_592, %parallel_loop3A_593] {strides = array<i32>} : memref<4x64x128xf32, #tpu.memory_space<vmem>>, vector<1x1x16xf32>,
      %parallel_loop3A_595 = vector.shape_cast %parallel_loop3A_594 : vector<1x1x16xf32> to vector<16xf32>
      %parallel_loop3A_596 = vector.shape_cast %parallel_loop3A_589 : vector<16xf32> to vector<1x1x16xf32>
      tpu.vector_store %arg11[%parallel_loop3A_591, %parallel_loop3A_592, %parallel_loop3A_593], %parallel_loop3A_596 {strides = array<i32>} : memref<4x64x128xf32, #tpu.memory_space<vmem>>, vector<1x1x16xf32>,
      %parallel_loop3A_597 = arith.constant 3 : i32
      %parallel_loop3A_598 = arith.index_cast %parallel_loop3A_597 : i32 to index
      %parallel_loop3A_599 = arith.index_cast %parallel_loop3A_576 : i32 to index
      %parallel_loop3A_600 = arith.constant 16 : index
      %parallel_loop3A_601 = tpu.vector_load %arg9[%parallel_loop3A_598, %parallel_loop3A_599, %parallel_loop3A_600] {strides = array<i32>} : memref<4x64x128xf32, #tpu.memory_space<vmem>>, vector<1x1x16xf32>,
      %parallel_loop3A_602 = vector.shape_cast %parallel_loop3A_601 : vector<1x1x16xf32> to vector<16xf32>
      %parallel_loop3A_603 = arith.constant 3 : i32
      %parallel_loop3A_604 = arith.index_cast %parallel_loop3A_603 : i32 to index
      %parallel_loop3A_605 = arith.index_cast %parallel_loop3A_576 : i32 to index
      %parallel_loop3A_606 = arith.constant 16 : index
      %parallel_loop3A_607 = tpu.vector_load %arg10[%parallel_loop3A_604, %parallel_loop3A_605, %parallel_loop3A_606] {strides = array<i32>} : memref<4x64x128xf32, #tpu.memory_space<vmem>>, vector<1x1x16xf32>,
      %parallel_loop3A_608 = vector.shape_cast %parallel_loop3A_607 : vector<1x1x16xf32> to vector<16xf32>
      %parallel_loop3A_609 = arith.mulf %parallel_loop3A_602, %parallel_loop3A_608 : vector<16xf32>
      %parallel_loop3A_610 = arith.constant 3 : i32
      %parallel_loop3A_611 = arith.index_cast %parallel_loop3A_610 : i32 to index
      %parallel_loop3A_612 = arith.index_cast %parallel_loop3A_576 : i32 to index
      %parallel_loop3A_613 = arith.constant 16 : index
      %parallel_loop3A_614 = tpu.vector_load %arg11[%parallel_loop3A_611, %parallel_loop3A_612, %parallel_loop3A_613] {strides = array<i32>} : memref<4x64x128xf32, #tpu.memory_space<vmem>>, vector<1x1x16xf32>,
      %parallel_loop3A_615 = vector.shape_cast %parallel_loop3A_614 : vector<1x1x16xf32> to vector<16xf32>
      %parallel_loop3A_616 = vector.shape_cast %parallel_loop3A_609 : vector<16xf32> to vector<1x1x16xf32>
      tpu.vector_store %arg11[%parallel_loop3A_611, %parallel_loop3A_612, %parallel_loop3A_613], %parallel_loop3A_616 {strides = array<i32>} : memref<4x64x128xf32, #tpu.memory_space<vmem>>, vector<1x1x16xf32>,
      %parallel_loop3A_617 = arith.constant 3 : i32
      %parallel_loop3A_618 = arith.index_cast %parallel_loop3A_617 : i32 to index
      %parallel_loop3A_619 = arith.index_cast %parallel_loop3A_576 : i32 to index
      %parallel_loop3A_620 = arith.constant 32 : index
      %parallel_loop3A_621 = tpu.vector_load %arg9[%parallel_loop3A_618, %parallel_loop3A_619, %parallel_loop3A_620] {strides = array<i32>} : memref<4x64x128xf32, #tpu.memory_space<vmem>>, vector<1x1x16xf32>,
      %parallel_loop3A_622 = vector.shape_cast %parallel_loop3A_621 : vector<1x1x16xf32> to vector<16xf32>
      %parallel_loop3A_623 = arith.constant 3 : i32
      %parallel_loop3A_624 = arith.index_cast %parallel_loop3A_623 : i32 to index
      %parallel_loop3A_625 = arith.index_cast %parallel_loop3A_576 : i32 to index
      %parallel_loop3A_626 = arith.constant 32 : index
      %parallel_loop3A_627 = tpu.vector_load %arg10[%parallel_loop3A_624, %parallel_loop3A_625, %parallel_loop3A_626] {strides = array<i32>} : memref<4x64x128xf32, #tpu.memory_space<vmem>>, vector<1x1x16xf32>,
      %parallel_loop3A_628 = vector.shape_cast %parallel_loop3A_627 : vector<1x1x16xf32> to vector<16xf32>
      %parallel_loop3A_629 = arith.mulf %parallel_loop3A_622, %parallel_loop3A_628 : vector<16xf32>
      %parallel_loop3A_630 = arith.constant 3 : i32
      %parallel_loop3A_631 = arith.index_cast %parallel_loop3A_630 : i32 to index
      %parallel_loop3A_632 = arith.index_cast %parallel_loop3A_576 : i32 to index
      %parallel_loop3A_633 = arith.constant 32 : index
      %parallel_loop3A_634 = tpu.vector_load %arg11[%parallel_loop3A_631, %parallel_loop3A_632, %parallel_loop3A_633] {strides = array<i32>} : memref<4x64x128xf32, #tpu.memory_space<vmem>>, vector<1x1x16xf32>,
      %parallel_loop3A_635 = vector.shape_cast %parallel_loop3A_634 : vector<1x1x16xf32> to vector<16xf32>
      %parallel_loop3A_636 = vector.shape_cast %parallel_loop3A_629 : vector<16xf32> to vector<1x1x16xf32>
      tpu.vector_store %arg11[%parallel_loop3A_631, %parallel_loop3A_632, %parallel_loop3A_633], %parallel_loop3A_636 {strides = array<i32>} : memref<4x64x128xf32, #tpu.memory_space<vmem>>, vector<1x1x16xf32>,
      %parallel_loop3A_637 = arith.constant 3 : i32
      %parallel_loop3A_638 = arith.index_cast %parallel_loop3A_637 : i32 to index
      %parallel_loop3A_639 = arith.index_cast %parallel_loop3A_576 : i32 to index
      %parallel_loop3A_640 = arith.constant 48 : index
      %parallel_loop3A_641 = tpu.vector_load %arg9[%parallel_loop3A_638, %parallel_loop3A_639, %parallel_loop3A_640] {strides = array<i32>} : memref<4x64x128xf32, #tpu.memory_space<vmem>>, vector<1x1x16xf32>,
      %parallel_loop3A_642 = vector.shape_cast %parallel_loop3A_641 : vector<1x1x16xf32> to vector<16xf32>
      %parallel_loop3A_643 = arith.constant 3 : i32
      %parallel_loop3A_644 = arith.index_cast %parallel_loop3A_643 : i32 to index
      %parallel_loop3A_645 = arith.index_cast %parallel_loop3A_576 : i32 to index
      %parallel_loop3A_646 = arith.constant 48 : index
      %parallel_loop3A_647 = tpu.vector_load %arg10[%parallel_loop3A_644, %parallel_loop3A_645, %parallel_loop3A_646] {strides = array<i32>} : memref<4x64x128xf32, #tpu.memory_space<vmem>>, vector<1x1x16xf32>,
      %parallel_loop3A_648 = vector.shape_cast %parallel_loop3A_647 : vector<1x1x16xf32> to vector<16xf32>
      %parallel_loop3A_649 = arith.mulf %parallel_loop3A_642, %parallel_loop3A_648 : vector<16xf32>
      %parallel_loop3A_650 = arith.constant 3 : i32
      %parallel_loop3A_651 = arith.index_cast %parallel_loop3A_650 : i32 to index
      %parallel_loop3A_652 = arith.index_cast %parallel_loop3A_576 : i32 to index
      %parallel_loop3A_653 = arith.constant 48 : index
      %parallel_loop3A_654 = tpu.vector_load %arg11[%parallel_loop3A_651, %parallel_loop3A_652, %parallel_loop3A_653] {strides = array<i32>} : memref<4x64x128xf32, #tpu.memory_space<vmem>>, vector<1x1x16xf32>,
      %parallel_loop3A_655 = vector.shape_cast %parallel_loop3A_654 : vector<1x1x16xf32> to vector<16xf32>
      %parallel_loop3A_656 = vector.shape_cast %parallel_loop3A_649 : vector<16xf32> to vector<1x1x16xf32>
      tpu.vector_store %arg11[%parallel_loop3A_651, %parallel_loop3A_652, %parallel_loop3A_653], %parallel_loop3A_656 {strides = array<i32>} : memref<4x64x128xf32, #tpu.memory_space<vmem>>, vector<1x1x16xf32>,
      %parallel_loop3A_657 = arith.constant 3 : i32
      %parallel_loop3A_658 = arith.index_cast %parallel_loop3A_657 : i32 to index
      %parallel_loop3A_659 = arith.index_cast %parallel_loop3A_576 : i32 to index
      %parallel_loop3A_660 = arith.constant 64 : index
      %parallel_loop3A_661 = tpu.vector_load %arg9[%parallel_loop3A_658, %parallel_loop3A_659, %parallel_loop3A_660] {strides = array<i32>} : memref<4x64x128xf32, #tpu.memory_space<vmem>>, vector<1x1x16xf32>,
      %parallel_loop3A_662 = vector.shape_cast %parallel_loop3A_661 : vector<1x1x16xf32> to vector<16xf32>
      %parallel_loop3A_663 = arith.constant 3 : i32
      %parallel_loop3A_664 = arith.index_cast %parallel_loop3A_663 : i32 to index
      %parallel_loop3A_665 = arith.index_cast %parallel_loop3A_576 : i32 to index
      %parallel_loop3A_666 = arith.constant 64 : index
      %parallel_loop3A_667 = tpu.vector_load %arg10[%parallel_loop3A_664, %parallel_loop3A_665, %parallel_loop3A_666] {strides = array<i32>} : memref<4x64x128xf32, #tpu.memory_space<vmem>>, vector<1x1x16xf32>,
      %parallel_loop3A_668 = vector.shape_cast %parallel_loop3A_667 : vector<1x1x16xf32> to vector<16xf32>
      %parallel_loop3A_669 = arith.mulf %parallel_loop3A_662, %parallel_loop3A_668 : vector<16xf32>
      %parallel_loop3A_670 = arith.constant 3 : i32
      %parallel_loop3A_671 = arith.index_cast %parallel_loop3A_670 : i32 to index
      %parallel_loop3A_672 = arith.index_cast %parallel_loop3A_576 : i32 to index
      %parallel_loop3A_673 = arith.constant 64 : index
      %parallel_loop3A_674 = tpu.vector_load %arg11[%parallel_loop3A_671, %parallel_loop3A_672, %parallel_loop3A_673] {strides = array<i32>} : memref<4x64x128xf32, #tpu.memory_space<vmem>>, vector<1x1x16xf32>,
      %parallel_loop3A_675 = vector.shape_cast %parallel_loop3A_674 : vector<1x1x16xf32> to vector<16xf32>
      %parallel_loop3A_676 = vector.shape_cast %parallel_loop3A_669 : vector<16xf32> to vector<1x1x16xf32>
      tpu.vector_store %arg11[%parallel_loop3A_671, %parallel_loop3A_672, %parallel_loop3A_673], %parallel_loop3A_676 {strides = array<i32>} : memref<4x64x128xf32, #tpu.memory_space<vmem>>, vector<1x1x16xf32>,
      %parallel_loop3A_677 = arith.constant 3 : i32
      %parallel_loop3A_678 = arith.index_cast %parallel_loop3A_677 : i32 to index
      %parallel_loop3A_679 = arith.index_cast %parallel_loop3A_576 : i32 to index
      %parallel_loop3A_680 = arith.constant 80 : index
      %parallel_loop3A_681 = tpu.vector_load %arg9[%parallel_loop3A_678, %parallel_loop3A_679, %parallel_loop3A_680] {strides = array<i32>} : memref<4x64x128xf32, #tpu.memory_space<vmem>>, vector<1x1x16xf32>,
      %parallel_loop3A_682 = vector.shape_cast %parallel_loop3A_681 : vector<1x1x16xf32> to vector<16xf32>
      %parallel_loop3A_683 = arith.constant 3 : i32
      %parallel_loop3A_684 = arith.index_cast %parallel_loop3A_683 : i32 to index
      %parallel_loop3A_685 = arith.index_cast %parallel_loop3A_576 : i32 to index
      %parallel_loop3A_686 = arith.constant 80 : index
      %parallel_loop3A_687 = tpu.vector_load %arg10[%parallel_loop3A_684, %parallel_loop3A_685, %parallel_loop3A_686] {strides = array<i32>} : memref<4x64x128xf32, #tpu.memory_space<vmem>>, vector<1x1x16xf32>,
      %parallel_loop3A_688 = vector.shape_cast %parallel_loop3A_687 : vector<1x1x16xf32> to vector<16xf32>
      %parallel_loop3A_689 = arith.mulf %parallel_loop3A_682, %parallel_loop3A_688 : vector<16xf32>
      %parallel_loop3A_690 = arith.constant 3 : i32
      %parallel_loop3A_691 = arith.index_cast %parallel_loop3A_690 : i32 to index
      %parallel_loop3A_692 = arith.index_cast %parallel_loop3A_576 : i32 to index
      %parallel_loop3A_693 = arith.constant 80 : index
      %parallel_loop3A_694 = tpu.vector_load %arg11[%parallel_loop3A_691, %parallel_loop3A_692, %parallel_loop3A_693] {strides = array<i32>} : memref<4x64x128xf32, #tpu.memory_space<vmem>>, vector<1x1x16xf32>,
      %parallel_loop3A_695 = vector.shape_cast %parallel_loop3A_694 : vector<1x1x16xf32> to vector<16xf32>
      %parallel_loop3A_696 = vector.shape_cast %parallel_loop3A_689 : vector<16xf32> to vector<1x1x16xf32>
      tpu.vector_store %arg11[%parallel_loop3A_691, %parallel_loop3A_692, %parallel_loop3A_693], %parallel_loop3A_696 {strides = array<i32>} : memref<4x64x128xf32, #tpu.memory_space<vmem>>, vector<1x1x16xf32>,
      %parallel_loop3A_697 = arith.constant 3 : i32
      %parallel_loop3A_698 = arith.index_cast %parallel_loop3A_697 : i32 to index
      %parallel_loop3A_699 = arith.index_cast %parallel_loop3A_576 : i32 to index
      %parallel_loop3A_700 = arith.constant 96 : index
      %parallel_loop3A_701 = tpu.vector_load %arg9[%parallel_loop3A_698, %parallel_loop3A_699, %parallel_loop3A_700] {strides = array<i32>} : memref<4x64x128xf32, #tpu.memory_space<vmem>>, vector<1x1x16xf32>,
      %parallel_loop3A_702 = vector.shape_cast %parallel_loop3A_701 : vector<1x1x16xf32> to vector<16xf32>
      %parallel_loop3A_703 = arith.constant 3 : i32
      %parallel_loop3A_704 = arith.index_cast %parallel_loop3A_703 : i32 to index
      %parallel_loop3A_705 = arith.index_cast %parallel_loop3A_576 : i32 to index
      %parallel_loop3A_706 = arith.constant 96 : index
      %parallel_loop3A_707 = tpu.vector_load %arg10[%parallel_loop3A_704, %parallel_loop3A_705, %parallel_loop3A_706] {strides = array<i32>} : memref<4x64x128xf32, #tpu.memory_space<vmem>>, vector<1x1x16xf32>,
      %parallel_loop3A_708 = vector.shape_cast %parallel_loop3A_707 : vector<1x1x16xf32> to vector<16xf32>
      %parallel_loop3A_709 = arith.mulf %parallel_loop3A_702, %parallel_loop3A_708 : vector<16xf32>
      %parallel_loop3A_710 = arith.constant 3 : i32
      %parallel_loop3A_711 = arith.index_cast %parallel_loop3A_710 : i32 to index
      %parallel_loop3A_712 = arith.index_cast %parallel_loop3A_576 : i32 to index
      %parallel_loop3A_713 = arith.constant 96 : index
      %parallel_loop3A_714 = tpu.vector_load %arg11[%parallel_loop3A_711, %parallel_loop3A_712, %parallel_loop3A_713] {strides = array<i32>} : memref<4x64x128xf32, #tpu.memory_space<vmem>>, vector<1x1x16xf32>,
      %parallel_loop3A_715 = vector.shape_cast %parallel_loop3A_714 : vector<1x1x16xf32> to vector<16xf32>
      %parallel_loop3A_716 = vector.shape_cast %parallel_loop3A_709 : vector<16xf32> to vector<1x1x16xf32>
      tpu.vector_store %arg11[%parallel_loop3A_711, %parallel_loop3A_712, %parallel_loop3A_713], %parallel_loop3A_716 {strides = array<i32>} : memref<4x64x128xf32, #tpu.memory_space<vmem>>, vector<1x1x16xf32>,
      %parallel_loop3A_717 = arith.constant 3 : i32
      %parallel_loop3A_718 = arith.index_cast %parallel_loop3A_717 : i32 to index
      %parallel_loop3A_719 = arith.index_cast %parallel_loop3A_576 : i32 to index
      %parallel_loop3A_720 = arith.constant 112 : index
      %parallel_loop3A_721 = tpu.vector_load %arg9[%parallel_loop3A_718, %parallel_loop3A_719, %parallel_loop3A_720] {strides = array<i32>} : memref<4x64x128xf32, #tpu.memory_space<vmem>>, vector<1x1x16xf32>,
      %parallel_loop3A_722 = vector.shape_cast %parallel_loop3A_721 : vector<1x1x16xf32> to vector<16xf32>
      %parallel_loop3A_723 = arith.constant 3 : i32
      %parallel_loop3A_724 = arith.index_cast %parallel_loop3A_723 : i32 to index
      %parallel_loop3A_725 = arith.index_cast %parallel_loop3A_576 : i32 to index
      %parallel_loop3A_726 = arith.constant 112 : index
      %parallel_loop3A_727 = tpu.vector_load %arg10[%parallel_loop3A_724, %parallel_loop3A_725, %parallel_loop3A_726] {strides = array<i32>} : memref<4x64x128xf32, #tpu.memory_space<vmem>>, vector<1x1x16xf32>,
      %parallel_loop3A_728 = vector.shape_cast %parallel_loop3A_727 : vector<1x1x16xf32> to vector<16xf32>
      %parallel_loop3A_729 = arith.mulf %parallel_loop3A_722, %parallel_loop3A_728 : vector<16xf32>
      %parallel_loop3A_730 = arith.constant 3 : i32
      %parallel_loop3A_731 = arith.index_cast %parallel_loop3A_730 : i32 to index
      %parallel_loop3A_732 = arith.index_cast %parallel_loop3A_576 : i32 to index
      %parallel_loop3A_733 = arith.constant 112 : index
      %parallel_loop3A_734 = tpu.vector_load %arg11[%parallel_loop3A_731, %parallel_loop3A_732, %parallel_loop3A_733] {strides = array<i32>} : memref<4x64x128xf32, #tpu.memory_space<vmem>>, vector<1x1x16xf32>,
      %parallel_loop3A_735 = vector.shape_cast %parallel_loop3A_734 : vector<1x1x16xf32> to vector<16xf32>
      %parallel_loop3A_736 = vector.shape_cast %parallel_loop3A_729 : vector<16xf32> to vector<1x1x16xf32>
      tpu.vector_store %arg11[%parallel_loop3A_731, %parallel_loop3A_732, %parallel_loop3A_733], %parallel_loop3A_736 {strides = array<i32>} : memref<4x64x128xf32, #tpu.memory_space<vmem>>, vector<1x1x16xf32>,
    } {sc.loop_unroll_factor = 1 : i64, sc.parallel_access}
    %dma_start3A_285 = arith.constant 3 : i32
    %dma_start3A_286 = arith.constant 0 : i32
    %dma_start3A_287 = arith.constant 0 : i32
    %dma_start3A_288 = tpu.memref_slice %arg9[%dma_start3A_285, %dma_start3A_286, %dma_start3A_287] : memref<4x64x128xf32, #tpu.memory_space<vmem>> -> memref<1x64x128xf32, #tpu.memory_space<vmem>>
    %dma_start3A_289 = tpu.memref_squeeze %dma_start3A_288 : memref<1x64x128xf32, #tpu.memory_space<vmem>> -> memref<64x128xf32, #tpu.memory_space<vmem>>
    %dma_start3A_290 = arith.constant 448 : i32
    %dma_start3A_291 = tpu.memref_slice %arg7[%dma_start3A_290] : memref<512xi32, #tpu.memory_space<vmem>> -> memref<64xi32, #tpu.memory_space<vmem>>
    %dma_start3A_292 = arith.constant 0 : i32
    %dma_start3A_293 = arith.constant 0 : i32
    %dma_start3A_294 = tpu.memref_slice %arg4[%dma_start3A_292, %dma_start3A_293] : memref<100000x128xf32, #tpu.memory_space<hbm>> -> memref<100000x128xf32, #tpu.memory_space<hbm>>
    tpu.enqueue_indirect_dma source(%dma_start3A_294 : memref<100000x128xf32, #tpu.memory_space<hbm>>) target(%dma_start3A_289 : memref<64x128xf32, #tpu.memory_space<vmem>>) offsets(%dma_start3A_291 : memref<64xi32, #tpu.memory_space<vmem>>) semaphore(%arg15 : memref<!tpu.dma_semaphore, #tpu.memory_space<semaphore_mem>>)
    %dma_start3A_295 = arith.constant 3 : i32
    %dma_start3A_296 = arith.constant 0 : i32
    %dma_start3A_297 = arith.constant 0 : i32
    %dma_start3A_298 = tpu.memref_slice %arg10[%dma_start3A_295, %dma_start3A_296, %dma_start3A_297] : memref<4x64x128xf32, #tpu.memory_space<vmem>> -> memref<1x64x128xf32, #tpu.memory_space<vmem>>
    %dma_start3A_299 = tpu.memref_squeeze %dma_start3A_298 : memref<1x64x128xf32, #tpu.memory_space<vmem>> -> memref<64x128xf32, #tpu.memory_space<vmem>>
    %dma_start3A_300 = arith.constant 448 : i32
    %dma_start3A_301 = tpu.memref_slice %arg8[%dma_start3A_300] : memref<512xi32, #tpu.memory_space<vmem>> -> memref<64xi32, #tpu.memory_space<vmem>>
    %dma_start3A_302 = arith.constant 0 : i32
    %dma_start3A_303 = arith.constant 0 : i32
    %dma_start3A_304 = tpu.memref_slice %arg5[%dma_start3A_302, %dma_start3A_303] : memref<1000000x128xf32, #tpu.memory_space<hbm>> -> memref<1000000x128xf32, #tpu.memory_space<hbm>>
    tpu.enqueue_indirect_dma source(%dma_start3A_304 : memref<1000000x128xf32, #tpu.memory_space<hbm>>) target(%dma_start3A_299 : memref<64x128xf32, #tpu.memory_space<vmem>>) offsets(%dma_start3A_301 : memref<64xi32, #tpu.memory_space<vmem>>) semaphore(%arg15 : memref<!tpu.dma_semaphore, #tpu.memory_space<semaphore_mem>>)
    %add3A_305 = arith.constant 192 : i32
    %add3A_306 = arith.addi %mul3A_2, %add3A_305 : i32
    %dma_start3A_307 = arith.constant 3 : i32
    %dma_start3A_308 = arith.constant 0 : i32
    %dma_start3A_309 = arith.constant 0 : i32
    %dma_start3A_310 = tpu.memref_slice %arg11[%dma_start3A_307, %dma_start3A_308, %dma_start3A_309] : memref<4x64x128xf32, #tpu.memory_space<vmem>> -> memref<1x64x128xf32, #tpu.memory_space<vmem>>
    %dma_start3A_311 = tpu.memref_squeeze %dma_start3A_310 : memref<1x64x128xf32, #tpu.memory_space<vmem>> -> memref<64x128xf32, #tpu.memory_space<vmem>>
    %dma_start3A_312 = arith.constant 0 : i32
    %dma_start3A_313 = tpu.memref_slice %arg6[%add3A_306, %dma_start3A_312] : memref<16384x128xf32, #tpu.memory_space<hbm>> -> memref<64x128xf32, #tpu.memory_space<hbm>>
    %dma_start3A_314 = arith.constant 0 : i32
    %dma_start3A_315 = tpu.memref_slice %arg6[%add3A_306, %dma_start3A_314] : memref<16384x128xf32, #tpu.memory_space<hbm>> -> memref<64x128xf32, #tpu.memory_space<hbm>>
    %dma_start3A_316 = arith.constant 0 : i32
    %dma_start3A_317 = arith.constant 0 : i32
    %dma_start3A_318 = tpu.memref_slice %arg11[%dma_start3A_307, %dma_start3A_316, %dma_start3A_317] : memref<4x64x128xf32, #tpu.memory_space<vmem>> -> memref<1x64x128xf32, #tpu.memory_space<vmem>>
    %dma_start3A_319 = tpu.memref_squeeze %dma_start3A_318 : memref<1x64x128xf32, #tpu.memory_space<vmem>> -> memref<64x128xf32, #tpu.memory_space<vmem>>
    tpu.enqueue_dma source(%dma_start3A_319 : memref<64x128xf32, #tpu.memory_space<vmem>>) target(%dma_start3A_315 : memref<64x128xf32, #tpu.memory_space<hbm>>) target_semaphore(%arg19 : memref<!tpu.dma_semaphore, #tpu.memory_space<semaphore_mem>>)
    %dma_wait3A_320 = arith.constant 0 : i32
    %dma_wait3A_321 = arith.constant 0 : i32
    %dma_wait3A_322 = arith.constant 0 : i32
    %dma_wait3A_323 = tpu.memref_slice %arg9[%dma_wait3A_320, %dma_wait3A_321, %dma_wait3A_322] : memref<4x64x128xf32, #tpu.memory_space<vmem>> -> memref<1x64x128xf32, #tpu.memory_space<vmem>>
    %dma_wait3A_324 = tpu.memref_squeeze %dma_wait3A_323 : memref<1x64x128xf32, #tpu.memory_space<vmem>> -> memref<64x128xf32, #tpu.memory_space<vmem>>
    %dma_wait3A_325 = arith.constant 256 : i32
    %dma_wait3A_326 = tpu.memref_slice %arg7[%dma_wait3A_325] : memref<512xi32, #tpu.memory_space<vmem>> -> memref<64xi32, #tpu.memory_space<vmem>>
    %dma_wait3A_327 = arith.constant 0 : i32
    %dma_wait3A_328 = arith.constant 0 : i32
    %dma_wait3A_329 = tpu.memref_slice %arg4[%dma_wait3A_327, %dma_wait3A_328] : memref<100000x128xf32, #tpu.memory_space<hbm>> -> memref<100000x128xf32, #tpu.memory_space<hbm>>
    tpu.wait_indirect_dma semaphore(%arg12 : memref<!tpu.dma_semaphore, #tpu.memory_space<semaphore_mem>>) src(%dma_wait3A_329 : memref<100000x128xf32, #tpu.memory_space<hbm>>) dst(%dma_wait3A_324 : memref<64x128xf32, #tpu.memory_space<vmem>>)
    %dma_wait3A_330 = arith.constant 0 : i32
    %dma_wait3A_331 = arith.constant 0 : i32
    %dma_wait3A_332 = arith.constant 0 : i32
    %dma_wait3A_333 = tpu.memref_slice %arg10[%dma_wait3A_330, %dma_wait3A_331, %dma_wait3A_332] : memref<4x64x128xf32, #tpu.memory_space<vmem>> -> memref<1x64x128xf32, #tpu.memory_space<vmem>>
    %dma_wait3A_334 = tpu.memref_squeeze %dma_wait3A_333 : memref<1x64x128xf32, #tpu.memory_space<vmem>> -> memref<64x128xf32, #tpu.memory_space<vmem>>
    %dma_wait3A_335 = arith.constant 256 : i32
    %dma_wait3A_336 = tpu.memref_slice %arg8[%dma_wait3A_335] : memref<512xi32, #tpu.memory_space<vmem>> -> memref<64xi32, #tpu.memory_space<vmem>>
    %dma_wait3A_337 = arith.constant 0 : i32
    %dma_wait3A_338 = arith.constant 0 : i32
    %dma_wait3A_339 = tpu.memref_slice %arg5[%dma_wait3A_337, %dma_wait3A_338] : memref<1000000x128xf32, #tpu.memory_space<hbm>> -> memref<1000000x128xf32, #tpu.memory_space<hbm>>
    tpu.wait_indirect_dma semaphore(%arg12 : memref<!tpu.dma_semaphore, #tpu.memory_space<semaphore_mem>>) src(%dma_wait3A_339 : memref<1000000x128xf32, #tpu.memory_space<hbm>>) dst(%dma_wait3A_334 : memref<64x128xf32, #tpu.memory_space<vmem>>)
    %dma_wait3A_340 = arith.constant 0 : i32
    %dma_wait3A_341 = arith.constant 0 : i32
    %dma_wait3A_342 = arith.constant 0 : i32
    %dma_wait3A_343 = tpu.memref_slice %arg11[%dma_wait3A_340, %dma_wait3A_341, %dma_wait3A_342] : memref<4x64x128xf32, #tpu.memory_space<vmem>> -> memref<1x64x128xf32, #tpu.memory_space<vmem>>
    %dma_wait3A_344 = tpu.memref_squeeze %dma_wait3A_343 : memref<1x64x128xf32, #tpu.memory_space<vmem>> -> memref<64x128xf32, #tpu.memory_space<vmem>>
    %dma_wait3A_345 = arith.constant 0 : i32
    %dma_wait3A_346 = tpu.memref_slice %arg6[%add3A_132, %dma_wait3A_345] : memref<16384x128xf32, #tpu.memory_space<hbm>> -> memref<64x128xf32, #tpu.memory_space<hbm>>
    %dma_wait3A_347 = arith.constant 0 : i32
    %dma_wait3A_348 = tpu.memref_slice %arg6[%add3A_132, %dma_wait3A_347] : memref<16384x128xf32, #tpu.memory_space<hbm>> -> memref<64x128xf32, #tpu.memory_space<hbm>>
    %dma_wait3A_349 = arith.constant 0 : i32
    %dma_wait3A_350 = arith.constant 0 : i32
    %dma_wait3A_351 = tpu.memref_slice %arg11[%dma_wait3A_340, %dma_wait3A_349, %dma_wait3A_350] : memref<4x64x128xf32, #tpu.memory_space<vmem>> -> memref<1x64x128xf32, #tpu.memory_space<vmem>>
    %dma_wait3A_352 = tpu.memref_squeeze %dma_wait3A_351 : memref<1x64x128xf32, #tpu.memory_space<vmem>> -> memref<64x128xf32, #tpu.memory_space<vmem>>
    tpu.wait_dma2 semaphore(%arg16 : memref<!tpu.dma_semaphore, #tpu.memory_space<semaphore_mem>>) src(%dma_wait3A_352 : memref<64x128xf32, #tpu.memory_space<vmem>>) dst(%dma_wait3A_348 : memref<64x128xf32, #tpu.memory_space<hbm>>)
    %parallel_loop3A_353 = arith.constant 0 : i32
    %parallel_loop3A_354 = arith.constant 64 : i32
    %parallel_loop3A_355 = arith.constant 1 : i32
    scf.for %parallel_loop3A_576 = %parallel_loop3A_353 to %parallel_loop3A_354 step %parallel_loop3A_355  : i32 {
      %parallel_loop3A_577 = arith.constant 0 : i32
      %parallel_loop3A_578 = arith.index_cast %parallel_loop3A_577 : i32 to index
      %parallel_loop3A_579 = arith.index_cast %parallel_loop3A_576 : i32 to index
      %parallel_loop3A_580 = arith.constant 0 : index
      %parallel_loop3A_581 = tpu.vector_load %arg9[%parallel_loop3A_578, %parallel_loop3A_579, %parallel_loop3A_580] {strides = array<i32>} : memref<4x64x128xf32, #tpu.memory_space<vmem>>, vector<1x1x16xf32>,
      %parallel_loop3A_582 = vector.shape_cast %parallel_loop3A_581 : vector<1x1x16xf32> to vector<16xf32>
      %parallel_loop3A_583 = arith.constant 0 : i32
      %parallel_loop3A_584 = arith.index_cast %parallel_loop3A_583 : i32 to index
      %parallel_loop3A_585 = arith.index_cast %parallel_loop3A_576 : i32 to index
      %parallel_loop3A_586 = arith.constant 0 : index
      %parallel_loop3A_587 = tpu.vector_load %arg10[%parallel_loop3A_584, %parallel_loop3A_585, %parallel_loop3A_586] {strides = array<i32>} : memref<4x64x128xf32, #tpu.memory_space<vmem>>, vector<1x1x16xf32>,
      %parallel_loop3A_588 = vector.shape_cast %parallel_loop3A_587 : vector<1x1x16xf32> to vector<16xf32>
      %parallel_loop3A_589 = arith.mulf %parallel_loop3A_582, %parallel_loop3A_588 : vector<16xf32>
      %parallel_loop3A_590 = arith.constant 0 : i32
      %parallel_loop3A_591 = arith.index_cast %parallel_loop3A_590 : i32 to index
      %parallel_loop3A_592 = arith.index_cast %parallel_loop3A_576 : i32 to index
      %parallel_loop3A_593 = arith.constant 0 : index
      %parallel_loop3A_594 = tpu.vector_load %arg11[%parallel_loop3A_591, %parallel_loop3A_592, %parallel_loop3A_593] {strides = array<i32>} : memref<4x64x128xf32, #tpu.memory_space<vmem>>, vector<1x1x16xf32>,
      %parallel_loop3A_595 = vector.shape_cast %parallel_loop3A_594 : vector<1x1x16xf32> to vector<16xf32>
      %parallel_loop3A_596 = vector.shape_cast %parallel_loop3A_589 : vector<16xf32> to vector<1x1x16xf32>
      tpu.vector_store %arg11[%parallel_loop3A_591, %parallel_loop3A_592, %parallel_loop3A_593], %parallel_loop3A_596 {strides = array<i32>} : memref<4x64x128xf32, #tpu.memory_space<vmem>>, vector<1x1x16xf32>,
      %parallel_loop3A_597 = arith.constant 0 : i32
      %parallel_loop3A_598 = arith.index_cast %parallel_loop3A_597 : i32 to index
      %parallel_loop3A_599 = arith.index_cast %parallel_loop3A_576 : i32 to index
      %parallel_loop3A_600 = arith.constant 16 : index
      %parallel_loop3A_601 = tpu.vector_load %arg9[%parallel_loop3A_598, %parallel_loop3A_599, %parallel_loop3A_600] {strides = array<i32>} : memref<4x64x128xf32, #tpu.memory_space<vmem>>, vector<1x1x16xf32>,
      %parallel_loop3A_602 = vector.shape_cast %parallel_loop3A_601 : vector<1x1x16xf32> to vector<16xf32>
      %parallel_loop3A_603 = arith.constant 0 : i32
      %parallel_loop3A_604 = arith.index_cast %parallel_loop3A_603 : i32 to index
      %parallel_loop3A_605 = arith.index_cast %parallel_loop3A_576 : i32 to index
      %parallel_loop3A_606 = arith.constant 16 : index
      %parallel_loop3A_607 = tpu.vector_load %arg10[%parallel_loop3A_604, %parallel_loop3A_605, %parallel_loop3A_606] {strides = array<i32>} : memref<4x64x128xf32, #tpu.memory_space<vmem>>, vector<1x1x16xf32>,
      %parallel_loop3A_608 = vector.shape_cast %parallel_loop3A_607 : vector<1x1x16xf32> to vector<16xf32>
      %parallel_loop3A_609 = arith.mulf %parallel_loop3A_602, %parallel_loop3A_608 : vector<16xf32>
      %parallel_loop3A_610 = arith.constant 0 : i32
      %parallel_loop3A_611 = arith.index_cast %parallel_loop3A_610 : i32 to index
      %parallel_loop3A_612 = arith.index_cast %parallel_loop3A_576 : i32 to index
      %parallel_loop3A_613 = arith.constant 16 : index
      %parallel_loop3A_614 = tpu.vector_load %arg11[%parallel_loop3A_611, %parallel_loop3A_612, %parallel_loop3A_613] {strides = array<i32>} : memref<4x64x128xf32, #tpu.memory_space<vmem>>, vector<1x1x16xf32>,
      %parallel_loop3A_615 = vector.shape_cast %parallel_loop3A_614 : vector<1x1x16xf32> to vector<16xf32>
      %parallel_loop3A_616 = vector.shape_cast %parallel_loop3A_609 : vector<16xf32> to vector<1x1x16xf32>
      tpu.vector_store %arg11[%parallel_loop3A_611, %parallel_loop3A_612, %parallel_loop3A_613], %parallel_loop3A_616 {strides = array<i32>} : memref<4x64x128xf32, #tpu.memory_space<vmem>>, vector<1x1x16xf32>,
      %parallel_loop3A_617 = arith.constant 0 : i32
      %parallel_loop3A_618 = arith.index_cast %parallel_loop3A_617 : i32 to index
      %parallel_loop3A_619 = arith.index_cast %parallel_loop3A_576 : i32 to index
      %parallel_loop3A_620 = arith.constant 32 : index
      %parallel_loop3A_621 = tpu.vector_load %arg9[%parallel_loop3A_618, %parallel_loop3A_619, %parallel_loop3A_620] {strides = array<i32>} : memref<4x64x128xf32, #tpu.memory_space<vmem>>, vector<1x1x16xf32>,
      %parallel_loop3A_622 = vector.shape_cast %parallel_loop3A_621 : vector<1x1x16xf32> to vector<16xf32>
      %parallel_loop3A_623 = arith.constant 0 : i32
      %parallel_loop3A_624 = arith.index_cast %parallel_loop3A_623 : i32 to index
      %parallel_loop3A_625 = arith.index_cast %parallel_loop3A_576 : i32 to index
      %parallel_loop3A_626 = arith.constant 32 : index
      %parallel_loop3A_627 = tpu.vector_load %arg10[%parallel_loop3A_624, %parallel_loop3A_625, %parallel_loop3A_626] {strides = array<i32>} : memref<4x64x128xf32, #tpu.memory_space<vmem>>, vector<1x1x16xf32>,
      %parallel_loop3A_628 = vector.shape_cast %parallel_loop3A_627 : vector<1x1x16xf32> to vector<16xf32>
      %parallel_loop3A_629 = arith.mulf %parallel_loop3A_622, %parallel_loop3A_628 : vector<16xf32>
      %parallel_loop3A_630 = arith.constant 0 : i32
      %parallel_loop3A_631 = arith.index_cast %parallel_loop3A_630 : i32 to index
      %parallel_loop3A_632 = arith.index_cast %parallel_loop3A_576 : i32 to index
      %parallel_loop3A_633 = arith.constant 32 : index
      %parallel_loop3A_634 = tpu.vector_load %arg11[%parallel_loop3A_631, %parallel_loop3A_632, %parallel_loop3A_633] {strides = array<i32>} : memref<4x64x128xf32, #tpu.memory_space<vmem>>, vector<1x1x16xf32>,
      %parallel_loop3A_635 = vector.shape_cast %parallel_loop3A_634 : vector<1x1x16xf32> to vector<16xf32>
      %parallel_loop3A_636 = vector.shape_cast %parallel_loop3A_629 : vector<16xf32> to vector<1x1x16xf32>
      tpu.vector_store %arg11[%parallel_loop3A_631, %parallel_loop3A_632, %parallel_loop3A_633], %parallel_loop3A_636 {strides = array<i32>} : memref<4x64x128xf32, #tpu.memory_space<vmem>>, vector<1x1x16xf32>,
      %parallel_loop3A_637 = arith.constant 0 : i32
      %parallel_loop3A_638 = arith.index_cast %parallel_loop3A_637 : i32 to index
      %parallel_loop3A_639 = arith.index_cast %parallel_loop3A_576 : i32 to index
      %parallel_loop3A_640 = arith.constant 48 : index
      %parallel_loop3A_641 = tpu.vector_load %arg9[%parallel_loop3A_638, %parallel_loop3A_639, %parallel_loop3A_640] {strides = array<i32>} : memref<4x64x128xf32, #tpu.memory_space<vmem>>, vector<1x1x16xf32>,
      %parallel_loop3A_642 = vector.shape_cast %parallel_loop3A_641 : vector<1x1x16xf32> to vector<16xf32>
      %parallel_loop3A_643 = arith.constant 0 : i32
      %parallel_loop3A_644 = arith.index_cast %parallel_loop3A_643 : i32 to index
      %parallel_loop3A_645 = arith.index_cast %parallel_loop3A_576 : i32 to index
      %parallel_loop3A_646 = arith.constant 48 : index
      %parallel_loop3A_647 = tpu.vector_load %arg10[%parallel_loop3A_644, %parallel_loop3A_645, %parallel_loop3A_646] {strides = array<i32>} : memref<4x64x128xf32, #tpu.memory_space<vmem>>, vector<1x1x16xf32>,
      %parallel_loop3A_648 = vector.shape_cast %parallel_loop3A_647 : vector<1x1x16xf32> to vector<16xf32>
      %parallel_loop3A_649 = arith.mulf %parallel_loop3A_642, %parallel_loop3A_648 : vector<16xf32>
      %parallel_loop3A_650 = arith.constant 0 : i32
      %parallel_loop3A_651 = arith.index_cast %parallel_loop3A_650 : i32 to index
      %parallel_loop3A_652 = arith.index_cast %parallel_loop3A_576 : i32 to index
      %parallel_loop3A_653 = arith.constant 48 : index
      %parallel_loop3A_654 = tpu.vector_load %arg11[%parallel_loop3A_651, %parallel_loop3A_652, %parallel_loop3A_653] {strides = array<i32>} : memref<4x64x128xf32, #tpu.memory_space<vmem>>, vector<1x1x16xf32>,
      %parallel_loop3A_655 = vector.shape_cast %parallel_loop3A_654 : vector<1x1x16xf32> to vector<16xf32>
      %parallel_loop3A_656 = vector.shape_cast %parallel_loop3A_649 : vector<16xf32> to vector<1x1x16xf32>
      tpu.vector_store %arg11[%parallel_loop3A_651, %parallel_loop3A_652, %parallel_loop3A_653], %parallel_loop3A_656 {strides = array<i32>} : memref<4x64x128xf32, #tpu.memory_space<vmem>>, vector<1x1x16xf32>,
      %parallel_loop3A_657 = arith.constant 0 : i32
      %parallel_loop3A_658 = arith.index_cast %parallel_loop3A_657 : i32 to index
      %parallel_loop3A_659 = arith.index_cast %parallel_loop3A_576 : i32 to index
      %parallel_loop3A_660 = arith.constant 64 : index
      %parallel_loop3A_661 = tpu.vector_load %arg9[%parallel_loop3A_658, %parallel_loop3A_659, %parallel_loop3A_660] {strides = array<i32>} : memref<4x64x128xf32, #tpu.memory_space<vmem>>, vector<1x1x16xf32>,
      %parallel_loop3A_662 = vector.shape_cast %parallel_loop3A_661 : vector<1x1x16xf32> to vector<16xf32>
      %parallel_loop3A_663 = arith.constant 0 : i32
      %parallel_loop3A_664 = arith.index_cast %parallel_loop3A_663 : i32 to index
      %parallel_loop3A_665 = arith.index_cast %parallel_loop3A_576 : i32 to index
      %parallel_loop3A_666 = arith.constant 64 : index
      %parallel_loop3A_667 = tpu.vector_load %arg10[%parallel_loop3A_664, %parallel_loop3A_665, %parallel_loop3A_666] {strides = array<i32>} : memref<4x64x128xf32, #tpu.memory_space<vmem>>, vector<1x1x16xf32>,
      %parallel_loop3A_668 = vector.shape_cast %parallel_loop3A_667 : vector<1x1x16xf32> to vector<16xf32>
      %parallel_loop3A_669 = arith.mulf %parallel_loop3A_662, %parallel_loop3A_668 : vector<16xf32>
      %parallel_loop3A_670 = arith.constant 0 : i32
      %parallel_loop3A_671 = arith.index_cast %parallel_loop3A_670 : i32 to index
      %parallel_loop3A_672 = arith.index_cast %parallel_loop3A_576 : i32 to index
      %parallel_loop3A_673 = arith.constant 64 : index
      %parallel_loop3A_674 = tpu.vector_load %arg11[%parallel_loop3A_671, %parallel_loop3A_672, %parallel_loop3A_673] {strides = array<i32>} : memref<4x64x128xf32, #tpu.memory_space<vmem>>, vector<1x1x16xf32>,
      %parallel_loop3A_675 = vector.shape_cast %parallel_loop3A_674 : vector<1x1x16xf32> to vector<16xf32>
      %parallel_loop3A_676 = vector.shape_cast %parallel_loop3A_669 : vector<16xf32> to vector<1x1x16xf32>
      tpu.vector_store %arg11[%parallel_loop3A_671, %parallel_loop3A_672, %parallel_loop3A_673], %parallel_loop3A_676 {strides = array<i32>} : memref<4x64x128xf32, #tpu.memory_space<vmem>>, vector<1x1x16xf32>,
      %parallel_loop3A_677 = arith.constant 0 : i32
      %parallel_loop3A_678 = arith.index_cast %parallel_loop3A_677 : i32 to index
      %parallel_loop3A_679 = arith.index_cast %parallel_loop3A_576 : i32 to index
      %parallel_loop3A_680 = arith.constant 80 : index
      %parallel_loop3A_681 = tpu.vector_load %arg9[%parallel_loop3A_678, %parallel_loop3A_679, %parallel_loop3A_680] {strides = array<i32>} : memref<4x64x128xf32, #tpu.memory_space<vmem>>, vector<1x1x16xf32>,
      %parallel_loop3A_682 = vector.shape_cast %parallel_loop3A_681 : vector<1x1x16xf32> to vector<16xf32>
      %parallel_loop3A_683 = arith.constant 0 : i32
      %parallel_loop3A_684 = arith.index_cast %parallel_loop3A_683 : i32 to index
      %parallel_loop3A_685 = arith.index_cast %parallel_loop3A_576 : i32 to index
      %parallel_loop3A_686 = arith.constant 80 : index
      %parallel_loop3A_687 = tpu.vector_load %arg10[%parallel_loop3A_684, %parallel_loop3A_685, %parallel_loop3A_686] {strides = array<i32>} : memref<4x64x128xf32, #tpu.memory_space<vmem>>, vector<1x1x16xf32>,
      %parallel_loop3A_688 = vector.shape_cast %parallel_loop3A_687 : vector<1x1x16xf32> to vector<16xf32>
      %parallel_loop3A_689 = arith.mulf %parallel_loop3A_682, %parallel_loop3A_688 : vector<16xf32>
      %parallel_loop3A_690 = arith.constant 0 : i32
      %parallel_loop3A_691 = arith.index_cast %parallel_loop3A_690 : i32 to index
      %parallel_loop3A_692 = arith.index_cast %parallel_loop3A_576 : i32 to index
      %parallel_loop3A_693 = arith.constant 80 : index
      %parallel_loop3A_694 = tpu.vector_load %arg11[%parallel_loop3A_691, %parallel_loop3A_692, %parallel_loop3A_693] {strides = array<i32>} : memref<4x64x128xf32, #tpu.memory_space<vmem>>, vector<1x1x16xf32>,
      %parallel_loop3A_695 = vector.shape_cast %parallel_loop3A_694 : vector<1x1x16xf32> to vector<16xf32>
      %parallel_loop3A_696 = vector.shape_cast %parallel_loop3A_689 : vector<16xf32> to vector<1x1x16xf32>
      tpu.vector_store %arg11[%parallel_loop3A_691, %parallel_loop3A_692, %parallel_loop3A_693], %parallel_loop3A_696 {strides = array<i32>} : memref<4x64x128xf32, #tpu.memory_space<vmem>>, vector<1x1x16xf32>,
      %parallel_loop3A_697 = arith.constant 0 : i32
      %parallel_loop3A_698 = arith.index_cast %parallel_loop3A_697 : i32 to index
      %parallel_loop3A_699 = arith.index_cast %parallel_loop3A_576 : i32 to index
      %parallel_loop3A_700 = arith.constant 96 : index
      %parallel_loop3A_701 = tpu.vector_load %arg9[%parallel_loop3A_698, %parallel_loop3A_699, %parallel_loop3A_700] {strides = array<i32>} : memref<4x64x128xf32, #tpu.memory_space<vmem>>, vector<1x1x16xf32>,
      %parallel_loop3A_702 = vector.shape_cast %parallel_loop3A_701 : vector<1x1x16xf32> to vector<16xf32>
      %parallel_loop3A_703 = arith.constant 0 : i32
      %parallel_loop3A_704 = arith.index_cast %parallel_loop3A_703 : i32 to index
      %parallel_loop3A_705 = arith.index_cast %parallel_loop3A_576 : i32 to index
      %parallel_loop3A_706 = arith.constant 96 : index
      %parallel_loop3A_707 = tpu.vector_load %arg10[%parallel_loop3A_704, %parallel_loop3A_705, %parallel_loop3A_706] {strides = array<i32>} : memref<4x64x128xf32, #tpu.memory_space<vmem>>, vector<1x1x16xf32>,
      %parallel_loop3A_708 = vector.shape_cast %parallel_loop3A_707 : vector<1x1x16xf32> to vector<16xf32>
      %parallel_loop3A_709 = arith.mulf %parallel_loop3A_702, %parallel_loop3A_708 : vector<16xf32>
      %parallel_loop3A_710 = arith.constant 0 : i32
      %parallel_loop3A_711 = arith.index_cast %parallel_loop3A_710 : i32 to index
      %parallel_loop3A_712 = arith.index_cast %parallel_loop3A_576 : i32 to index
      %parallel_loop3A_713 = arith.constant 96 : index
      %parallel_loop3A_714 = tpu.vector_load %arg11[%parallel_loop3A_711, %parallel_loop3A_712, %parallel_loop3A_713] {strides = array<i32>} : memref<4x64x128xf32, #tpu.memory_space<vmem>>, vector<1x1x16xf32>,
      %parallel_loop3A_715 = vector.shape_cast %parallel_loop3A_714 : vector<1x1x16xf32> to vector<16xf32>
      %parallel_loop3A_716 = vector.shape_cast %parallel_loop3A_709 : vector<16xf32> to vector<1x1x16xf32>
      tpu.vector_store %arg11[%parallel_loop3A_711, %parallel_loop3A_712, %parallel_loop3A_713], %parallel_loop3A_716 {strides = array<i32>} : memref<4x64x128xf32, #tpu.memory_space<vmem>>, vector<1x1x16xf32>,
      %parallel_loop3A_717 = arith.constant 0 : i32
      %parallel_loop3A_718 = arith.index_cast %parallel_loop3A_717 : i32 to index
      %parallel_loop3A_719 = arith.index_cast %parallel_loop3A_576 : i32 to index
      %parallel_loop3A_720 = arith.constant 112 : index
      %parallel_loop3A_721 = tpu.vector_load %arg9[%parallel_loop3A_718, %parallel_loop3A_719, %parallel_loop3A_720] {strides = array<i32>} : memref<4x64x128xf32, #tpu.memory_space<vmem>>, vector<1x1x16xf32>,
      %parallel_loop3A_722 = vector.shape_cast %parallel_loop3A_721 : vector<1x1x16xf32> to vector<16xf32>
      %parallel_loop3A_723 = arith.constant 0 : i32
      %parallel_loop3A_724 = arith.index_cast %parallel_loop3A_723 : i32 to index
      %parallel_loop3A_725 = arith.index_cast %parallel_loop3A_576 : i32 to index
      %parallel_loop3A_726 = arith.constant 112 : index
      %parallel_loop3A_727 = tpu.vector_load %arg10[%parallel_loop3A_724, %parallel_loop3A_725, %parallel_loop3A_726] {strides = array<i32>} : memref<4x64x128xf32, #tpu.memory_space<vmem>>, vector<1x1x16xf32>,
      %parallel_loop3A_728 = vector.shape_cast %parallel_loop3A_727 : vector<1x1x16xf32> to vector<16xf32>
      %parallel_loop3A_729 = arith.mulf %parallel_loop3A_722, %parallel_loop3A_728 : vector<16xf32>
      %parallel_loop3A_730 = arith.constant 0 : i32
      %parallel_loop3A_731 = arith.index_cast %parallel_loop3A_730 : i32 to index
      %parallel_loop3A_732 = arith.index_cast %parallel_loop3A_576 : i32 to index
      %parallel_loop3A_733 = arith.constant 112 : index
      %parallel_loop3A_734 = tpu.vector_load %arg11[%parallel_loop3A_731, %parallel_loop3A_732, %parallel_loop3A_733] {strides = array<i32>} : memref<4x64x128xf32, #tpu.memory_space<vmem>>, vector<1x1x16xf32>,
      %parallel_loop3A_735 = vector.shape_cast %parallel_loop3A_734 : vector<1x1x16xf32> to vector<16xf32>
      %parallel_loop3A_736 = vector.shape_cast %parallel_loop3A_729 : vector<16xf32> to vector<1x1x16xf32>
      tpu.vector_store %arg11[%parallel_loop3A_731, %parallel_loop3A_732, %parallel_loop3A_733], %parallel_loop3A_736 {strides = array<i32>} : memref<4x64x128xf32, #tpu.memory_space<vmem>>, vector<1x1x16xf32>,
    } {sc.loop_unroll_factor = 1 : i64, sc.parallel_access}
    %add3A_356 = arith.constant 256 : i32
    %add3A_357 = arith.addi %mul3A_2, %add3A_356 : i32
    %dma_start3A_358 = arith.constant 0 : i32
    %dma_start3A_359 = arith.constant 0 : i32
    %dma_start3A_360 = arith.constant 0 : i32
    %dma_start3A_361 = tpu.memref_slice %arg11[%dma_start3A_358, %dma_start3A_359, %dma_start3A_360] : memref<4x64x128xf32, #tpu.memory_space<vmem>> -> memref<1x64x128xf32, #tpu.memory_space<vmem>>
    %dma_start3A_362 = tpu.memref_squeeze %dma_start3A_361 : memref<1x64x128xf32, #tpu.memory_space<vmem>> -> memref<64x128xf32, #tpu.memory_space<vmem>>
    %dma_start3A_363 = arith.constant 0 : i32
    %dma_start3A_364 = tpu.memref_slice %arg6[%add3A_357, %dma_start3A_363] : memref<16384x128xf32, #tpu.memory_space<hbm>> -> memref<64x128xf32, #tpu.memory_space<hbm>>
    %dma_start3A_365 = arith.constant 0 : i32
    %dma_start3A_366 = tpu.memref_slice %arg6[%add3A_357, %dma_start3A_365] : memref<16384x128xf32, #tpu.memory_space<hbm>> -> memref<64x128xf32, #tpu.memory_space<hbm>>
    %dma_start3A_367 = arith.constant 0 : i32
    %dma_start3A_368 = arith.constant 0 : i32
    %dma_start3A_369 = tpu.memref_slice %arg11[%dma_start3A_358, %dma_start3A_367, %dma_start3A_368] : memref<4x64x128xf32, #tpu.memory_space<vmem>> -> memref<1x64x128xf32, #tpu.memory_space<vmem>>
    %dma_start3A_370 = tpu.memref_squeeze %dma_start3A_369 : memref<1x64x128xf32, #tpu.memory_space<vmem>> -> memref<64x128xf32, #tpu.memory_space<vmem>>
    tpu.enqueue_dma source(%dma_start3A_370 : memref<64x128xf32, #tpu.memory_space<vmem>>) target(%dma_start3A_366 : memref<64x128xf32, #tpu.memory_space<hbm>>) target_semaphore(%arg16 : memref<!tpu.dma_semaphore, #tpu.memory_space<semaphore_mem>>)
    %dma_wait3A_371 = arith.constant 1 : i32
    %dma_wait3A_372 = arith.constant 0 : i32
    %dma_wait3A_373 = arith.constant 0 : i32
    %dma_wait3A_374 = tpu.memref_slice %arg9[%dma_wait3A_371, %dma_wait3A_372, %dma_wait3A_373] : memref<4x64x128xf32, #tpu.memory_space<vmem>> -> memref<1x64x128xf32, #tpu.memory_space<vmem>>
    %dma_wait3A_375 = tpu.memref_squeeze %dma_wait3A_374 : memref<1x64x128xf32, #tpu.memory_space<vmem>> -> memref<64x128xf32, #tpu.memory_space<vmem>>
    %dma_wait3A_376 = arith.constant 320 : i32
    %dma_wait3A_377 = tpu.memref_slice %arg7[%dma_wait3A_376] : memref<512xi32, #tpu.memory_space<vmem>> -> memref<64xi32, #tpu.memory_space<vmem>>
    %dma_wait3A_378 = arith.constant 0 : i32
    %dma_wait3A_379 = arith.constant 0 : i32
    %dma_wait3A_380 = tpu.memref_slice %arg4[%dma_wait3A_378, %dma_wait3A_379] : memref<100000x128xf32, #tpu.memory_space<hbm>> -> memref<100000x128xf32, #tpu.memory_space<hbm>>
    tpu.wait_indirect_dma semaphore(%arg13 : memref<!tpu.dma_semaphore, #tpu.memory_space<semaphore_mem>>) src(%dma_wait3A_380 : memref<100000x128xf32, #tpu.memory_space<hbm>>) dst(%dma_wait3A_375 : memref<64x128xf32, #tpu.memory_space<vmem>>)
    %dma_wait3A_381 = arith.constant 1 : i32
    %dma_wait3A_382 = arith.constant 0 : i32
    %dma_wait3A_383 = arith.constant 0 : i32
    %dma_wait3A_384 = tpu.memref_slice %arg10[%dma_wait3A_381, %dma_wait3A_382, %dma_wait3A_383] : memref<4x64x128xf32, #tpu.memory_space<vmem>> -> memref<1x64x128xf32, #tpu.memory_space<vmem>>
    %dma_wait3A_385 = tpu.memref_squeeze %dma_wait3A_384 : memref<1x64x128xf32, #tpu.memory_space<vmem>> -> memref<64x128xf32, #tpu.memory_space<vmem>>
    %dma_wait3A_386 = arith.constant 320 : i32
    %dma_wait3A_387 = tpu.memref_slice %arg8[%dma_wait3A_386] : memref<512xi32, #tpu.memory_space<vmem>> -> memref<64xi32, #tpu.memory_space<vmem>>
    %dma_wait3A_388 = arith.constant 0 : i32
    %dma_wait3A_389 = arith.constant 0 : i32
    %dma_wait3A_390 = tpu.memref_slice %arg5[%dma_wait3A_388, %dma_wait3A_389] : memref<1000000x128xf32, #tpu.memory_space<hbm>> -> memref<1000000x128xf32, #tpu.memory_space<hbm>>
    tpu.wait_indirect_dma semaphore(%arg13 : memref<!tpu.dma_semaphore, #tpu.memory_space<semaphore_mem>>) src(%dma_wait3A_390 : memref<1000000x128xf32, #tpu.memory_space<hbm>>) dst(%dma_wait3A_385 : memref<64x128xf32, #tpu.memory_space<vmem>>)
    %dma_wait3A_391 = arith.constant 1 : i32
    %dma_wait3A_392 = arith.constant 0 : i32
    %dma_wait3A_393 = arith.constant 0 : i32
    %dma_wait3A_394 = tpu.memref_slice %arg11[%dma_wait3A_391, %dma_wait3A_392, %dma_wait3A_393] : memref<4x64x128xf32, #tpu.memory_space<vmem>> -> memref<1x64x128xf32, #tpu.memory_space<vmem>>
    %dma_wait3A_395 = tpu.memref_squeeze %dma_wait3A_394 : memref<1x64x128xf32, #tpu.memory_space<vmem>> -> memref<64x128xf32, #tpu.memory_space<vmem>>
    %dma_wait3A_396 = arith.constant 0 : i32
    %dma_wait3A_397 = tpu.memref_slice %arg6[%add3A_190, %dma_wait3A_396] : memref<16384x128xf32, #tpu.memory_space<hbm>> -> memref<64x128xf32, #tpu.memory_space<hbm>>
    %dma_wait3A_398 = arith.constant 0 : i32
    %dma_wait3A_399 = tpu.memref_slice %arg6[%add3A_190, %dma_wait3A_398] : memref<16384x128xf32, #tpu.memory_space<hbm>> -> memref<64x128xf32, #tpu.memory_space<hbm>>
    %dma_wait3A_400 = arith.constant 0 : i32
    %dma_wait3A_401 = arith.constant 0 : i32
    %dma_wait3A_402 = tpu.memref_slice %arg11[%dma_wait3A_391, %dma_wait3A_400, %dma_wait3A_401] : memref<4x64x128xf32, #tpu.memory_space<vmem>> -> memref<1x64x128xf32, #tpu.memory_space<vmem>>
    %dma_wait3A_403 = tpu.memref_squeeze %dma_wait3A_402 : memref<1x64x128xf32, #tpu.memory_space<vmem>> -> memref<64x128xf32, #tpu.memory_space<vmem>>
    tpu.wait_dma2 semaphore(%arg17 : memref<!tpu.dma_semaphore, #tpu.memory_space<semaphore_mem>>) src(%dma_wait3A_403 : memref<64x128xf32, #tpu.memory_space<vmem>>) dst(%dma_wait3A_399 : memref<64x128xf32, #tpu.memory_space<hbm>>)
    %parallel_loop3A_404 = arith.constant 0 : i32
    %parallel_loop3A_405 = arith.constant 64 : i32
    %parallel_loop3A_406 = arith.constant 1 : i32
    scf.for %parallel_loop3A_576 = %parallel_loop3A_404 to %parallel_loop3A_405 step %parallel_loop3A_406  : i32 {
      %parallel_loop3A_577 = arith.constant 1 : i32
      %parallel_loop3A_578 = arith.index_cast %parallel_loop3A_577 : i32 to index
      %parallel_loop3A_579 = arith.index_cast %parallel_loop3A_576 : i32 to index
      %parallel_loop3A_580 = arith.constant 0 : index
      %parallel_loop3A_581 = tpu.vector_load %arg9[%parallel_loop3A_578, %parallel_loop3A_579, %parallel_loop3A_580] {strides = array<i32>} : memref<4x64x128xf32, #tpu.memory_space<vmem>>, vector<1x1x16xf32>,
      %parallel_loop3A_582 = vector.shape_cast %parallel_loop3A_581 : vector<1x1x16xf32> to vector<16xf32>
      %parallel_loop3A_583 = arith.constant 1 : i32
      %parallel_loop3A_584 = arith.index_cast %parallel_loop3A_583 : i32 to index
      %parallel_loop3A_585 = arith.index_cast %parallel_loop3A_576 : i32 to index
      %parallel_loop3A_586 = arith.constant 0 : index
      %parallel_loop3A_587 = tpu.vector_load %arg10[%parallel_loop3A_584, %parallel_loop3A_585, %parallel_loop3A_586] {strides = array<i32>} : memref<4x64x128xf32, #tpu.memory_space<vmem>>, vector<1x1x16xf32>,
      %parallel_loop3A_588 = vector.shape_cast %parallel_loop3A_587 : vector<1x1x16xf32> to vector<16xf32>
      %parallel_loop3A_589 = arith.mulf %parallel_loop3A_582, %parallel_loop3A_588 : vector<16xf32>
      %parallel_loop3A_590 = arith.constant 1 : i32
      %parallel_loop3A_591 = arith.index_cast %parallel_loop3A_590 : i32 to index
      %parallel_loop3A_592 = arith.index_cast %parallel_loop3A_576 : i32 to index
      %parallel_loop3A_593 = arith.constant 0 : index
      %parallel_loop3A_594 = tpu.vector_load %arg11[%parallel_loop3A_591, %parallel_loop3A_592, %parallel_loop3A_593] {strides = array<i32>} : memref<4x64x128xf32, #tpu.memory_space<vmem>>, vector<1x1x16xf32>,
      %parallel_loop3A_595 = vector.shape_cast %parallel_loop3A_594 : vector<1x1x16xf32> to vector<16xf32>
      %parallel_loop3A_596 = vector.shape_cast %parallel_loop3A_589 : vector<16xf32> to vector<1x1x16xf32>
      tpu.vector_store %arg11[%parallel_loop3A_591, %parallel_loop3A_592, %parallel_loop3A_593], %parallel_loop3A_596 {strides = array<i32>} : memref<4x64x128xf32, #tpu.memory_space<vmem>>, vector<1x1x16xf32>,
      %parallel_loop3A_597 = arith.constant 1 : i32
      %parallel_loop3A_598 = arith.index_cast %parallel_loop3A_597 : i32 to index
      %parallel_loop3A_599 = arith.index_cast %parallel_loop3A_576 : i32 to index
      %parallel_loop3A_600 = arith.constant 16 : index
      %parallel_loop3A_601 = tpu.vector_load %arg9[%parallel_loop3A_598, %parallel_loop3A_599, %parallel_loop3A_600] {strides = array<i32>} : memref<4x64x128xf32, #tpu.memory_space<vmem>>, vector<1x1x16xf32>,
      %parallel_loop3A_602 = vector.shape_cast %parallel_loop3A_601 : vector<1x1x16xf32> to vector<16xf32>
      %parallel_loop3A_603 = arith.constant 1 : i32
      %parallel_loop3A_604 = arith.index_cast %parallel_loop3A_603 : i32 to index
      %parallel_loop3A_605 = arith.index_cast %parallel_loop3A_576 : i32 to index
      %parallel_loop3A_606 = arith.constant 16 : index
      %parallel_loop3A_607 = tpu.vector_load %arg10[%parallel_loop3A_604, %parallel_loop3A_605, %parallel_loop3A_606] {strides = array<i32>} : memref<4x64x128xf32, #tpu.memory_space<vmem>>, vector<1x1x16xf32>,
      %parallel_loop3A_608 = vector.shape_cast %parallel_loop3A_607 : vector<1x1x16xf32> to vector<16xf32>
      %parallel_loop3A_609 = arith.mulf %parallel_loop3A_602, %parallel_loop3A_608 : vector<16xf32>
      %parallel_loop3A_610 = arith.constant 1 : i32
      %parallel_loop3A_611 = arith.index_cast %parallel_loop3A_610 : i32 to index
      %parallel_loop3A_612 = arith.index_cast %parallel_loop3A_576 : i32 to index
      %parallel_loop3A_613 = arith.constant 16 : index
      %parallel_loop3A_614 = tpu.vector_load %arg11[%parallel_loop3A_611, %parallel_loop3A_612, %parallel_loop3A_613] {strides = array<i32>} : memref<4x64x128xf32, #tpu.memory_space<vmem>>, vector<1x1x16xf32>,
      %parallel_loop3A_615 = vector.shape_cast %parallel_loop3A_614 : vector<1x1x16xf32> to vector<16xf32>
      %parallel_loop3A_616 = vector.shape_cast %parallel_loop3A_609 : vector<16xf32> to vector<1x1x16xf32>
      tpu.vector_store %arg11[%parallel_loop3A_611, %parallel_loop3A_612, %parallel_loop3A_613], %parallel_loop3A_616 {strides = array<i32>} : memref<4x64x128xf32, #tpu.memory_space<vmem>>, vector<1x1x16xf32>,
      %parallel_loop3A_617 = arith.constant 1 : i32
      %parallel_loop3A_618 = arith.index_cast %parallel_loop3A_617 : i32 to index
      %parallel_loop3A_619 = arith.index_cast %parallel_loop3A_576 : i32 to index
      %parallel_loop3A_620 = arith.constant 32 : index
      %parallel_loop3A_621 = tpu.vector_load %arg9[%parallel_loop3A_618, %parallel_loop3A_619, %parallel_loop3A_620] {strides = array<i32>} : memref<4x64x128xf32, #tpu.memory_space<vmem>>, vector<1x1x16xf32>,
      %parallel_loop3A_622 = vector.shape_cast %parallel_loop3A_621 : vector<1x1x16xf32> to vector<16xf32>
      %parallel_loop3A_623 = arith.constant 1 : i32
      %parallel_loop3A_624 = arith.index_cast %parallel_loop3A_623 : i32 to index
      %parallel_loop3A_625 = arith.index_cast %parallel_loop3A_576 : i32 to index
      %parallel_loop3A_626 = arith.constant 32 : index
      %parallel_loop3A_627 = tpu.vector_load %arg10[%parallel_loop3A_624, %parallel_loop3A_625, %parallel_loop3A_626] {strides = array<i32>} : memref<4x64x128xf32, #tpu.memory_space<vmem>>, vector<1x1x16xf32>,
      %parallel_loop3A_628 = vector.shape_cast %parallel_loop3A_627 : vector<1x1x16xf32> to vector<16xf32>
      %parallel_loop3A_629 = arith.mulf %parallel_loop3A_622, %parallel_loop3A_628 : vector<16xf32>
      %parallel_loop3A_630 = arith.constant 1 : i32
      %parallel_loop3A_631 = arith.index_cast %parallel_loop3A_630 : i32 to index
      %parallel_loop3A_632 = arith.index_cast %parallel_loop3A_576 : i32 to index
      %parallel_loop3A_633 = arith.constant 32 : index
      %parallel_loop3A_634 = tpu.vector_load %arg11[%parallel_loop3A_631, %parallel_loop3A_632, %parallel_loop3A_633] {strides = array<i32>} : memref<4x64x128xf32, #tpu.memory_space<vmem>>, vector<1x1x16xf32>,
      %parallel_loop3A_635 = vector.shape_cast %parallel_loop3A_634 : vector<1x1x16xf32> to vector<16xf32>
      %parallel_loop3A_636 = vector.shape_cast %parallel_loop3A_629 : vector<16xf32> to vector<1x1x16xf32>
      tpu.vector_store %arg11[%parallel_loop3A_631, %parallel_loop3A_632, %parallel_loop3A_633], %parallel_loop3A_636 {strides = array<i32>} : memref<4x64x128xf32, #tpu.memory_space<vmem>>, vector<1x1x16xf32>,
      %parallel_loop3A_637 = arith.constant 1 : i32
      %parallel_loop3A_638 = arith.index_cast %parallel_loop3A_637 : i32 to index
      %parallel_loop3A_639 = arith.index_cast %parallel_loop3A_576 : i32 to index
      %parallel_loop3A_640 = arith.constant 48 : index
      %parallel_loop3A_641 = tpu.vector_load %arg9[%parallel_loop3A_638, %parallel_loop3A_639, %parallel_loop3A_640] {strides = array<i32>} : memref<4x64x128xf32, #tpu.memory_space<vmem>>, vector<1x1x16xf32>,
      %parallel_loop3A_642 = vector.shape_cast %parallel_loop3A_641 : vector<1x1x16xf32> to vector<16xf32>
      %parallel_loop3A_643 = arith.constant 1 : i32
      %parallel_loop3A_644 = arith.index_cast %parallel_loop3A_643 : i32 to index
      %parallel_loop3A_645 = arith.index_cast %parallel_loop3A_576 : i32 to index
      %parallel_loop3A_646 = arith.constant 48 : index
      %parallel_loop3A_647 = tpu.vector_load %arg10[%parallel_loop3A_644, %parallel_loop3A_645, %parallel_loop3A_646] {strides = array<i32>} : memref<4x64x128xf32, #tpu.memory_space<vmem>>, vector<1x1x16xf32>,
      %parallel_loop3A_648 = vector.shape_cast %parallel_loop3A_647 : vector<1x1x16xf32> to vector<16xf32>
      %parallel_loop3A_649 = arith.mulf %parallel_loop3A_642, %parallel_loop3A_648 : vector<16xf32>
      %parallel_loop3A_650 = arith.constant 1 : i32
      %parallel_loop3A_651 = arith.index_cast %parallel_loop3A_650 : i32 to index
      %parallel_loop3A_652 = arith.index_cast %parallel_loop3A_576 : i32 to index
      %parallel_loop3A_653 = arith.constant 48 : index
      %parallel_loop3A_654 = tpu.vector_load %arg11[%parallel_loop3A_651, %parallel_loop3A_652, %parallel_loop3A_653] {strides = array<i32>} : memref<4x64x128xf32, #tpu.memory_space<vmem>>, vector<1x1x16xf32>,
      %parallel_loop3A_655 = vector.shape_cast %parallel_loop3A_654 : vector<1x1x16xf32> to vector<16xf32>
      %parallel_loop3A_656 = vector.shape_cast %parallel_loop3A_649 : vector<16xf32> to vector<1x1x16xf32>
      tpu.vector_store %arg11[%parallel_loop3A_651, %parallel_loop3A_652, %parallel_loop3A_653], %parallel_loop3A_656 {strides = array<i32>} : memref<4x64x128xf32, #tpu.memory_space<vmem>>, vector<1x1x16xf32>,
      %parallel_loop3A_657 = arith.constant 1 : i32
      %parallel_loop3A_658 = arith.index_cast %parallel_loop3A_657 : i32 to index
      %parallel_loop3A_659 = arith.index_cast %parallel_loop3A_576 : i32 to index
      %parallel_loop3A_660 = arith.constant 64 : index
      %parallel_loop3A_661 = tpu.vector_load %arg9[%parallel_loop3A_658, %parallel_loop3A_659, %parallel_loop3A_660] {strides = array<i32>} : memref<4x64x128xf32, #tpu.memory_space<vmem>>, vector<1x1x16xf32>,
      %parallel_loop3A_662 = vector.shape_cast %parallel_loop3A_661 : vector<1x1x16xf32> to vector<16xf32>
      %parallel_loop3A_663 = arith.constant 1 : i32
      %parallel_loop3A_664 = arith.index_cast %parallel_loop3A_663 : i32 to index
      %parallel_loop3A_665 = arith.index_cast %parallel_loop3A_576 : i32 to index
      %parallel_loop3A_666 = arith.constant 64 : index
      %parallel_loop3A_667 = tpu.vector_load %arg10[%parallel_loop3A_664, %parallel_loop3A_665, %parallel_loop3A_666] {strides = array<i32>} : memref<4x64x128xf32, #tpu.memory_space<vmem>>, vector<1x1x16xf32>,
      %parallel_loop3A_668 = vector.shape_cast %parallel_loop3A_667 : vector<1x1x16xf32> to vector<16xf32>
      %parallel_loop3A_669 = arith.mulf %parallel_loop3A_662, %parallel_loop3A_668 : vector<16xf32>
      %parallel_loop3A_670 = arith.constant 1 : i32
      %parallel_loop3A_671 = arith.index_cast %parallel_loop3A_670 : i32 to index
      %parallel_loop3A_672 = arith.index_cast %parallel_loop3A_576 : i32 to index
      %parallel_loop3A_673 = arith.constant 64 : index
      %parallel_loop3A_674 = tpu.vector_load %arg11[%parallel_loop3A_671, %parallel_loop3A_672, %parallel_loop3A_673] {strides = array<i32>} : memref<4x64x128xf32, #tpu.memory_space<vmem>>, vector<1x1x16xf32>,
      %parallel_loop3A_675 = vector.shape_cast %parallel_loop3A_674 : vector<1x1x16xf32> to vector<16xf32>
      %parallel_loop3A_676 = vector.shape_cast %parallel_loop3A_669 : vector<16xf32> to vector<1x1x16xf32>
      tpu.vector_store %arg11[%parallel_loop3A_671, %parallel_loop3A_672, %parallel_loop3A_673], %parallel_loop3A_676 {strides = array<i32>} : memref<4x64x128xf32, #tpu.memory_space<vmem>>, vector<1x1x16xf32>,
      %parallel_loop3A_677 = arith.constant 1 : i32
      %parallel_loop3A_678 = arith.index_cast %parallel_loop3A_677 : i32 to index
      %parallel_loop3A_679 = arith.index_cast %parallel_loop3A_576 : i32 to index
      %parallel_loop3A_680 = arith.constant 80 : index
      %parallel_loop3A_681 = tpu.vector_load %arg9[%parallel_loop3A_678, %parallel_loop3A_679, %parallel_loop3A_680] {strides = array<i32>} : memref<4x64x128xf32, #tpu.memory_space<vmem>>, vector<1x1x16xf32>,
      %parallel_loop3A_682 = vector.shape_cast %parallel_loop3A_681 : vector<1x1x16xf32> to vector<16xf32>
      %parallel_loop3A_683 = arith.constant 1 : i32
      %parallel_loop3A_684 = arith.index_cast %parallel_loop3A_683 : i32 to index
      %parallel_loop3A_685 = arith.index_cast %parallel_loop3A_576 : i32 to index
      %parallel_loop3A_686 = arith.constant 80 : index
      %parallel_loop3A_687 = tpu.vector_load %arg10[%parallel_loop3A_684, %parallel_loop3A_685, %parallel_loop3A_686] {strides = array<i32>} : memref<4x64x128xf32, #tpu.memory_space<vmem>>, vector<1x1x16xf32>,
      %parallel_loop3A_688 = vector.shape_cast %parallel_loop3A_687 : vector<1x1x16xf32> to vector<16xf32>
      %parallel_loop3A_689 = arith.mulf %parallel_loop3A_682, %parallel_loop3A_688 : vector<16xf32>
      %parallel_loop3A_690 = arith.constant 1 : i32
      %parallel_loop3A_691 = arith.index_cast %parallel_loop3A_690 : i32 to index
      %parallel_loop3A_692 = arith.index_cast %parallel_loop3A_576 : i32 to index
      %parallel_loop3A_693 = arith.constant 80 : index
      %parallel_loop3A_694 = tpu.vector_load %arg11[%parallel_loop3A_691, %parallel_loop3A_692, %parallel_loop3A_693] {strides = array<i32>} : memref<4x64x128xf32, #tpu.memory_space<vmem>>, vector<1x1x16xf32>,
      %parallel_loop3A_695 = vector.shape_cast %parallel_loop3A_694 : vector<1x1x16xf32> to vector<16xf32>
      %parallel_loop3A_696 = vector.shape_cast %parallel_loop3A_689 : vector<16xf32> to vector<1x1x16xf32>
      tpu.vector_store %arg11[%parallel_loop3A_691, %parallel_loop3A_692, %parallel_loop3A_693], %parallel_loop3A_696 {strides = array<i32>} : memref<4x64x128xf32, #tpu.memory_space<vmem>>, vector<1x1x16xf32>,
      %parallel_loop3A_697 = arith.constant 1 : i32
      %parallel_loop3A_698 = arith.index_cast %parallel_loop3A_697 : i32 to index
      %parallel_loop3A_699 = arith.index_cast %parallel_loop3A_576 : i32 to index
      %parallel_loop3A_700 = arith.constant 96 : index
      %parallel_loop3A_701 = tpu.vector_load %arg9[%parallel_loop3A_698, %parallel_loop3A_699, %parallel_loop3A_700] {strides = array<i32>} : memref<4x64x128xf32, #tpu.memory_space<vmem>>, vector<1x1x16xf32>,
      %parallel_loop3A_702 = vector.shape_cast %parallel_loop3A_701 : vector<1x1x16xf32> to vector<16xf32>
      %parallel_loop3A_703 = arith.constant 1 : i32
      %parallel_loop3A_704 = arith.index_cast %parallel_loop3A_703 : i32 to index
      %parallel_loop3A_705 = arith.index_cast %parallel_loop3A_576 : i32 to index
      %parallel_loop3A_706 = arith.constant 96 : index
      %parallel_loop3A_707 = tpu.vector_load %arg10[%parallel_loop3A_704, %parallel_loop3A_705, %parallel_loop3A_706] {strides = array<i32>} : memref<4x64x128xf32, #tpu.memory_space<vmem>>, vector<1x1x16xf32>,
      %parallel_loop3A_708 = vector.shape_cast %parallel_loop3A_707 : vector<1x1x16xf32> to vector<16xf32>
      %parallel_loop3A_709 = arith.mulf %parallel_loop3A_702, %parallel_loop3A_708 : vector<16xf32>
      %parallel_loop3A_710 = arith.constant 1 : i32
      %parallel_loop3A_711 = arith.index_cast %parallel_loop3A_710 : i32 to index
      %parallel_loop3A_712 = arith.index_cast %parallel_loop3A_576 : i32 to index
      %parallel_loop3A_713 = arith.constant 96 : index
      %parallel_loop3A_714 = tpu.vector_load %arg11[%parallel_loop3A_711, %parallel_loop3A_712, %parallel_loop3A_713] {strides = array<i32>} : memref<4x64x128xf32, #tpu.memory_space<vmem>>, vector<1x1x16xf32>,
      %parallel_loop3A_715 = vector.shape_cast %parallel_loop3A_714 : vector<1x1x16xf32> to vector<16xf32>
      %parallel_loop3A_716 = vector.shape_cast %parallel_loop3A_709 : vector<16xf32> to vector<1x1x16xf32>
      tpu.vector_store %arg11[%parallel_loop3A_711, %parallel_loop3A_712, %parallel_loop3A_713], %parallel_loop3A_716 {strides = array<i32>} : memref<4x64x128xf32, #tpu.memory_space<vmem>>, vector<1x1x16xf32>,
      %parallel_loop3A_717 = arith.constant 1 : i32
      %parallel_loop3A_718 = arith.index_cast %parallel_loop3A_717 : i32 to index
      %parallel_loop3A_719 = arith.index_cast %parallel_loop3A_576 : i32 to index
      %parallel_loop3A_720 = arith.constant 112 : index
      %parallel_loop3A_721 = tpu.vector_load %arg9[%parallel_loop3A_718, %parallel_loop3A_719, %parallel_loop3A_720] {strides = array<i32>} : memref<4x64x128xf32, #tpu.memory_space<vmem>>, vector<1x1x16xf32>,
      %parallel_loop3A_722 = vector.shape_cast %parallel_loop3A_721 : vector<1x1x16xf32> to vector<16xf32>
      %parallel_loop3A_723 = arith.constant 1 : i32
      %parallel_loop3A_724 = arith.index_cast %parallel_loop3A_723 : i32 to index
      %parallel_loop3A_725 = arith.index_cast %parallel_loop3A_576 : i32 to index
      %parallel_loop3A_726 = arith.constant 112 : index
      %parallel_loop3A_727 = tpu.vector_load %arg10[%parallel_loop3A_724, %parallel_loop3A_725, %parallel_loop3A_726] {strides = array<i32>} : memref<4x64x128xf32, #tpu.memory_space<vmem>>, vector<1x1x16xf32>,
      %parallel_loop3A_728 = vector.shape_cast %parallel_loop3A_727 : vector<1x1x16xf32> to vector<16xf32>
      %parallel_loop3A_729 = arith.mulf %parallel_loop3A_722, %parallel_loop3A_728 : vector<16xf32>
      %parallel_loop3A_730 = arith.constant 1 : i32
      %parallel_loop3A_731 = arith.index_cast %parallel_loop3A_730 : i32 to index
      %parallel_loop3A_732 = arith.index_cast %parallel_loop3A_576 : i32 to index
      %parallel_loop3A_733 = arith.constant 112 : index
      %parallel_loop3A_734 = tpu.vector_load %arg11[%parallel_loop3A_731, %parallel_loop3A_732, %parallel_loop3A_733] {strides = array<i32>} : memref<4x64x128xf32, #tpu.memory_space<vmem>>, vector<1x1x16xf32>,
      %parallel_loop3A_735 = vector.shape_cast %parallel_loop3A_734 : vector<1x1x16xf32> to vector<16xf32>
      %parallel_loop3A_736 = vector.shape_cast %parallel_loop3A_729 : vector<16xf32> to vector<1x1x16xf32>
      tpu.vector_store %arg11[%parallel_loop3A_731, %parallel_loop3A_732, %parallel_loop3A_733], %parallel_loop3A_736 {strides = array<i32>} : memref<4x64x128xf32, #tpu.memory_space<vmem>>, vector<1x1x16xf32>,
    } {sc.loop_unroll_factor = 1 : i64, sc.parallel_access}
    %add3A_407 = arith.constant 320 : i32
    %add3A_408 = arith.addi %mul3A_2, %add3A_407 : i32
    %dma_start3A_409 = arith.constant 1 : i32
    %dma_start3A_410 = arith.constant 0 : i32
    %dma_start3A_411 = arith.constant 0 : i32
    %dma_start3A_412 = tpu.memref_slice %arg11[%dma_start3A_409, %dma_start3A_410, %dma_start3A_411] : memref<4x64x128xf32, #tpu.memory_space<vmem>> -> memref<1x64x128xf32, #tpu.memory_space<vmem>>
    %dma_start3A_413 = tpu.memref_squeeze %dma_start3A_412 : memref<1x64x128xf32, #tpu.memory_space<vmem>> -> memref<64x128xf32, #tpu.memory_space<vmem>>
    %dma_start3A_414 = arith.constant 0 : i32
    %dma_start3A_415 = tpu.memref_slice %arg6[%add3A_408, %dma_start3A_414] : memref<16384x128xf32, #tpu.memory_space<hbm>> -> memref<64x128xf32, #tpu.memory_space<hbm>>
    %dma_start3A_416 = arith.constant 0 : i32
    %dma_start3A_417 = tpu.memref_slice %arg6[%add3A_408, %dma_start3A_416] : memref<16384x128xf32, #tpu.memory_space<hbm>> -> memref<64x128xf32, #tpu.memory_space<hbm>>
    %dma_start3A_418 = arith.constant 0 : i32
    %dma_start3A_419 = arith.constant 0 : i32
    %dma_start3A_420 = tpu.memref_slice %arg11[%dma_start3A_409, %dma_start3A_418, %dma_start3A_419] : memref<4x64x128xf32, #tpu.memory_space<vmem>> -> memref<1x64x128xf32, #tpu.memory_space<vmem>>
    %dma_start3A_421 = tpu.memref_squeeze %dma_start3A_420 : memref<1x64x128xf32, #tpu.memory_space<vmem>> -> memref<64x128xf32, #tpu.memory_space<vmem>>
    tpu.enqueue_dma source(%dma_start3A_421 : memref<64x128xf32, #tpu.memory_space<vmem>>) target(%dma_start3A_417 : memref<64x128xf32, #tpu.memory_space<hbm>>) target_semaphore(%arg17 : memref<!tpu.dma_semaphore, #tpu.memory_space<semaphore_mem>>)
    %dma_wait3A_422 = arith.constant 2 : i32
    %dma_wait3A_423 = arith.constant 0 : i32
    %dma_wait3A_424 = arith.constant 0 : i32
    %dma_wait3A_425 = tpu.memref_slice %arg9[%dma_wait3A_422, %dma_wait3A_423, %dma_wait3A_424] : memref<4x64x128xf32, #tpu.memory_space<vmem>> -> memref<1x64x128xf32, #tpu.memory_space<vmem>>
    %dma_wait3A_426 = tpu.memref_squeeze %dma_wait3A_425 : memref<1x64x128xf32, #tpu.memory_space<vmem>> -> memref<64x128xf32, #tpu.memory_space<vmem>>
    %dma_wait3A_427 = arith.constant 384 : i32
    %dma_wait3A_428 = tpu.memref_slice %arg7[%dma_wait3A_427] : memref<512xi32, #tpu.memory_space<vmem>> -> memref<64xi32, #tpu.memory_space<vmem>>
    %dma_wait3A_429 = arith.constant 0 : i32
    %dma_wait3A_430 = arith.constant 0 : i32
    %dma_wait3A_431 = tpu.memref_slice %arg4[%dma_wait3A_429, %dma_wait3A_430] : memref<100000x128xf32, #tpu.memory_space<hbm>> -> memref<100000x128xf32, #tpu.memory_space<hbm>>
    tpu.wait_indirect_dma semaphore(%arg14 : memref<!tpu.dma_semaphore, #tpu.memory_space<semaphore_mem>>) src(%dma_wait3A_431 : memref<100000x128xf32, #tpu.memory_space<hbm>>) dst(%dma_wait3A_426 : memref<64x128xf32, #tpu.memory_space<vmem>>)
    %dma_wait3A_432 = arith.constant 2 : i32
    %dma_wait3A_433 = arith.constant 0 : i32
    %dma_wait3A_434 = arith.constant 0 : i32
    %dma_wait3A_435 = tpu.memref_slice %arg10[%dma_wait3A_432, %dma_wait3A_433, %dma_wait3A_434] : memref<4x64x128xf32, #tpu.memory_space<vmem>> -> memref<1x64x128xf32, #tpu.memory_space<vmem>>
    %dma_wait3A_436 = tpu.memref_squeeze %dma_wait3A_435 : memref<1x64x128xf32, #tpu.memory_space<vmem>> -> memref<64x128xf32, #tpu.memory_space<vmem>>
    %dma_wait3A_437 = arith.constant 384 : i32
    %dma_wait3A_438 = tpu.memref_slice %arg8[%dma_wait3A_437] : memref<512xi32, #tpu.memory_space<vmem>> -> memref<64xi32, #tpu.memory_space<vmem>>
    %dma_wait3A_439 = arith.constant 0 : i32
    %dma_wait3A_440 = arith.constant 0 : i32
    %dma_wait3A_441 = tpu.memref_slice %arg5[%dma_wait3A_439, %dma_wait3A_440] : memref<1000000x128xf32, #tpu.memory_space<hbm>> -> memref<1000000x128xf32, #tpu.memory_space<hbm>>
    tpu.wait_indirect_dma semaphore(%arg14 : memref<!tpu.dma_semaphore, #tpu.memory_space<semaphore_mem>>) src(%dma_wait3A_441 : memref<1000000x128xf32, #tpu.memory_space<hbm>>) dst(%dma_wait3A_436 : memref<64x128xf32, #tpu.memory_space<vmem>>)
    %dma_wait3A_442 = arith.constant 2 : i32
    %dma_wait3A_443 = arith.constant 0 : i32
    %dma_wait3A_444 = arith.constant 0 : i32
    %dma_wait3A_445 = tpu.memref_slice %arg11[%dma_wait3A_442, %dma_wait3A_443, %dma_wait3A_444] : memref<4x64x128xf32, #tpu.memory_space<vmem>> -> memref<1x64x128xf32, #tpu.memory_space<vmem>>
    %dma_wait3A_446 = tpu.memref_squeeze %dma_wait3A_445 : memref<1x64x128xf32, #tpu.memory_space<vmem>> -> memref<64x128xf32, #tpu.memory_space<vmem>>
    %dma_wait3A_447 = arith.constant 0 : i32
    %dma_wait3A_448 = tpu.memref_slice %arg6[%add3A_248, %dma_wait3A_447] : memref<16384x128xf32, #tpu.memory_space<hbm>> -> memref<64x128xf32, #tpu.memory_space<hbm>>
    %dma_wait3A_449 = arith.constant 0 : i32
    %dma_wait3A_450 = tpu.memref_slice %arg6[%add3A_248, %dma_wait3A_449] : memref<16384x128xf32, #tpu.memory_space<hbm>> -> memref<64x128xf32, #tpu.memory_space<hbm>>
    %dma_wait3A_451 = arith.constant 0 : i32
    %dma_wait3A_452 = arith.constant 0 : i32
    %dma_wait3A_453 = tpu.memref_slice %arg11[%dma_wait3A_442, %dma_wait3A_451, %dma_wait3A_452] : memref<4x64x128xf32, #tpu.memory_space<vmem>> -> memref<1x64x128xf32, #tpu.memory_space<vmem>>
    %dma_wait3A_454 = tpu.memref_squeeze %dma_wait3A_453 : memref<1x64x128xf32, #tpu.memory_space<vmem>> -> memref<64x128xf32, #tpu.memory_space<vmem>>
    tpu.wait_dma2 semaphore(%arg18 : memref<!tpu.dma_semaphore, #tpu.memory_space<semaphore_mem>>) src(%dma_wait3A_454 : memref<64x128xf32, #tpu.memory_space<vmem>>) dst(%dma_wait3A_450 : memref<64x128xf32, #tpu.memory_space<hbm>>)
    %parallel_loop3A_455 = arith.constant 0 : i32
    %parallel_loop3A_456 = arith.constant 64 : i32
    %parallel_loop3A_457 = arith.constant 1 : i32
    scf.for %parallel_loop3A_576 = %parallel_loop3A_455 to %parallel_loop3A_456 step %parallel_loop3A_457  : i32 {
      %parallel_loop3A_577 = arith.constant 2 : i32
      %parallel_loop3A_578 = arith.index_cast %parallel_loop3A_577 : i32 to index
      %parallel_loop3A_579 = arith.index_cast %parallel_loop3A_576 : i32 to index
      %parallel_loop3A_580 = arith.constant 0 : index
      %parallel_loop3A_581 = tpu.vector_load %arg9[%parallel_loop3A_578, %parallel_loop3A_579, %parallel_loop3A_580] {strides = array<i32>} : memref<4x64x128xf32, #tpu.memory_space<vmem>>, vector<1x1x16xf32>,
      %parallel_loop3A_582 = vector.shape_cast %parallel_loop3A_581 : vector<1x1x16xf32> to vector<16xf32>
      %parallel_loop3A_583 = arith.constant 2 : i32
      %parallel_loop3A_584 = arith.index_cast %parallel_loop3A_583 : i32 to index
      %parallel_loop3A_585 = arith.index_cast %parallel_loop3A_576 : i32 to index
      %parallel_loop3A_586 = arith.constant 0 : index
      %parallel_loop3A_587 = tpu.vector_load %arg10[%parallel_loop3A_584, %parallel_loop3A_585, %parallel_loop3A_586] {strides = array<i32>} : memref<4x64x128xf32, #tpu.memory_space<vmem>>, vector<1x1x16xf32>,
      %parallel_loop3A_588 = vector.shape_cast %parallel_loop3A_587 : vector<1x1x16xf32> to vector<16xf32>
      %parallel_loop3A_589 = arith.mulf %parallel_loop3A_582, %parallel_loop3A_588 : vector<16xf32>
      %parallel_loop3A_590 = arith.constant 2 : i32
      %parallel_loop3A_591 = arith.index_cast %parallel_loop3A_590 : i32 to index
      %parallel_loop3A_592 = arith.index_cast %parallel_loop3A_576 : i32 to index
      %parallel_loop3A_593 = arith.constant 0 : index
      %parallel_loop3A_594 = tpu.vector_load %arg11[%parallel_loop3A_591, %parallel_loop3A_592, %parallel_loop3A_593] {strides = array<i32>} : memref<4x64x128xf32, #tpu.memory_space<vmem>>, vector<1x1x16xf32>,
      %parallel_loop3A_595 = vector.shape_cast %parallel_loop3A_594 : vector<1x1x16xf32> to vector<16xf32>
      %parallel_loop3A_596 = vector.shape_cast %parallel_loop3A_589 : vector<16xf32> to vector<1x1x16xf32>
      tpu.vector_store %arg11[%parallel_loop3A_591, %parallel_loop3A_592, %parallel_loop3A_593], %parallel_loop3A_596 {strides = array<i32>} : memref<4x64x128xf32, #tpu.memory_space<vmem>>, vector<1x1x16xf32>,
      %parallel_loop3A_597 = arith.constant 2 : i32
      %parallel_loop3A_598 = arith.index_cast %parallel_loop3A_597 : i32 to index
      %parallel_loop3A_599 = arith.index_cast %parallel_loop3A_576 : i32 to index
      %parallel_loop3A_600 = arith.constant 16 : index
      %parallel_loop3A_601 = tpu.vector_load %arg9[%parallel_loop3A_598, %parallel_loop3A_599, %parallel_loop3A_600] {strides = array<i32>} : memref<4x64x128xf32, #tpu.memory_space<vmem>>, vector<1x1x16xf32>,
      %parallel_loop3A_602 = vector.shape_cast %parallel_loop3A_601 : vector<1x1x16xf32> to vector<16xf32>
      %parallel_loop3A_603 = arith.constant 2 : i32
      %parallel_loop3A_604 = arith.index_cast %parallel_loop3A_603 : i32 to index
      %parallel_loop3A_605 = arith.index_cast %parallel_loop3A_576 : i32 to index
      %parallel_loop3A_606 = arith.constant 16 : index
      %parallel_loop3A_607 = tpu.vector_load %arg10[%parallel_loop3A_604, %parallel_loop3A_605, %parallel_loop3A_606] {strides = array<i32>} : memref<4x64x128xf32, #tpu.memory_space<vmem>>, vector<1x1x16xf32>,
      %parallel_loop3A_608 = vector.shape_cast %parallel_loop3A_607 : vector<1x1x16xf32> to vector<16xf32>
      %parallel_loop3A_609 = arith.mulf %parallel_loop3A_602, %parallel_loop3A_608 : vector<16xf32>
      %parallel_loop3A_610 = arith.constant 2 : i32
      %parallel_loop3A_611 = arith.index_cast %parallel_loop3A_610 : i32 to index
      %parallel_loop3A_612 = arith.index_cast %parallel_loop3A_576 : i32 to index
      %parallel_loop3A_613 = arith.constant 16 : index
      %parallel_loop3A_614 = tpu.vector_load %arg11[%parallel_loop3A_611, %parallel_loop3A_612, %parallel_loop3A_613] {strides = array<i32>} : memref<4x64x128xf32, #tpu.memory_space<vmem>>, vector<1x1x16xf32>,
      %parallel_loop3A_615 = vector.shape_cast %parallel_loop3A_614 : vector<1x1x16xf32> to vector<16xf32>
      %parallel_loop3A_616 = vector.shape_cast %parallel_loop3A_609 : vector<16xf32> to vector<1x1x16xf32>
      tpu.vector_store %arg11[%parallel_loop3A_611, %parallel_loop3A_612, %parallel_loop3A_613], %parallel_loop3A_616 {strides = array<i32>} : memref<4x64x128xf32, #tpu.memory_space<vmem>>, vector<1x1x16xf32>,
      %parallel_loop3A_617 = arith.constant 2 : i32
      %parallel_loop3A_618 = arith.index_cast %parallel_loop3A_617 : i32 to index
      %parallel_loop3A_619 = arith.index_cast %parallel_loop3A_576 : i32 to index
      %parallel_loop3A_620 = arith.constant 32 : index
      %parallel_loop3A_621 = tpu.vector_load %arg9[%parallel_loop3A_618, %parallel_loop3A_619, %parallel_loop3A_620] {strides = array<i32>} : memref<4x64x128xf32, #tpu.memory_space<vmem>>, vector<1x1x16xf32>,
      %parallel_loop3A_622 = vector.shape_cast %parallel_loop3A_621 : vector<1x1x16xf32> to vector<16xf32>
      %parallel_loop3A_623 = arith.constant 2 : i32
      %parallel_loop3A_624 = arith.index_cast %parallel_loop3A_623 : i32 to index
      %parallel_loop3A_625 = arith.index_cast %parallel_loop3A_576 : i32 to index
      %parallel_loop3A_626 = arith.constant 32 : index
      %parallel_loop3A_627 = tpu.vector_load %arg10[%parallel_loop3A_624, %parallel_loop3A_625, %parallel_loop3A_626] {strides = array<i32>} : memref<4x64x128xf32, #tpu.memory_space<vmem>>, vector<1x1x16xf32>,
      %parallel_loop3A_628 = vector.shape_cast %parallel_loop3A_627 : vector<1x1x16xf32> to vector<16xf32>
      %parallel_loop3A_629 = arith.mulf %parallel_loop3A_622, %parallel_loop3A_628 : vector<16xf32>
      %parallel_loop3A_630 = arith.constant 2 : i32
      %parallel_loop3A_631 = arith.index_cast %parallel_loop3A_630 : i32 to index
      %parallel_loop3A_632 = arith.index_cast %parallel_loop3A_576 : i32 to index
      %parallel_loop3A_633 = arith.constant 32 : index
      %parallel_loop3A_634 = tpu.vector_load %arg11[%parallel_loop3A_631, %parallel_loop3A_632, %parallel_loop3A_633] {strides = array<i32>} : memref<4x64x128xf32, #tpu.memory_space<vmem>>, vector<1x1x16xf32>,
      %parallel_loop3A_635 = vector.shape_cast %parallel_loop3A_634 : vector<1x1x16xf32> to vector<16xf32>
      %parallel_loop3A_636 = vector.shape_cast %parallel_loop3A_629 : vector<16xf32> to vector<1x1x16xf32>
      tpu.vector_store %arg11[%parallel_loop3A_631, %parallel_loop3A_632, %parallel_loop3A_633], %parallel_loop3A_636 {strides = array<i32>} : memref<4x64x128xf32, #tpu.memory_space<vmem>>, vector<1x1x16xf32>,
      %parallel_loop3A_637 = arith.constant 2 : i32
      %parallel_loop3A_638 = arith.index_cast %parallel_loop3A_637 : i32 to index
      %parallel_loop3A_639 = arith.index_cast %parallel_loop3A_576 : i32 to index
      %parallel_loop3A_640 = arith.constant 48 : index
      %parallel_loop3A_641 = tpu.vector_load %arg9[%parallel_loop3A_638, %parallel_loop3A_639, %parallel_loop3A_640] {strides = array<i32>} : memref<4x64x128xf32, #tpu.memory_space<vmem>>, vector<1x1x16xf32>,
      %parallel_loop3A_642 = vector.shape_cast %parallel_loop3A_641 : vector<1x1x16xf32> to vector<16xf32>
      %parallel_loop3A_643 = arith.constant 2 : i32
      %parallel_loop3A_644 = arith.index_cast %parallel_loop3A_643 : i32 to index
      %parallel_loop3A_645 = arith.index_cast %parallel_loop3A_576 : i32 to index
      %parallel_loop3A_646 = arith.constant 48 : index
      %parallel_loop3A_647 = tpu.vector_load %arg10[%parallel_loop3A_644, %parallel_loop3A_645, %parallel_loop3A_646] {strides = array<i32>} : memref<4x64x128xf32, #tpu.memory_space<vmem>>, vector<1x1x16xf32>,
      %parallel_loop3A_648 = vector.shape_cast %parallel_loop3A_647 : vector<1x1x16xf32> to vector<16xf32>
      %parallel_loop3A_649 = arith.mulf %parallel_loop3A_642, %parallel_loop3A_648 : vector<16xf32>
      %parallel_loop3A_650 = arith.constant 2 : i32
      %parallel_loop3A_651 = arith.index_cast %parallel_loop3A_650 : i32 to index
      %parallel_loop3A_652 = arith.index_cast %parallel_loop3A_576 : i32 to index
      %parallel_loop3A_653 = arith.constant 48 : index
      %parallel_loop3A_654 = tpu.vector_load %arg11[%parallel_loop3A_651, %parallel_loop3A_652, %parallel_loop3A_653] {strides = array<i32>} : memref<4x64x128xf32, #tpu.memory_space<vmem>>, vector<1x1x16xf32>,
      %parallel_loop3A_655 = vector.shape_cast %parallel_loop3A_654 : vector<1x1x16xf32> to vector<16xf32>
      %parallel_loop3A_656 = vector.shape_cast %parallel_loop3A_649 : vector<16xf32> to vector<1x1x16xf32>
      tpu.vector_store %arg11[%parallel_loop3A_651, %parallel_loop3A_652, %parallel_loop3A_653], %parallel_loop3A_656 {strides = array<i32>} : memref<4x64x128xf32, #tpu.memory_space<vmem>>, vector<1x1x16xf32>,
      %parallel_loop3A_657 = arith.constant 2 : i32
      %parallel_loop3A_658 = arith.index_cast %parallel_loop3A_657 : i32 to index
      %parallel_loop3A_659 = arith.index_cast %parallel_loop3A_576 : i32 to index
      %parallel_loop3A_660 = arith.constant 64 : index
      %parallel_loop3A_661 = tpu.vector_load %arg9[%parallel_loop3A_658, %parallel_loop3A_659, %parallel_loop3A_660] {strides = array<i32>} : memref<4x64x128xf32, #tpu.memory_space<vmem>>, vector<1x1x16xf32>,
      %parallel_loop3A_662 = vector.shape_cast %parallel_loop3A_661 : vector<1x1x16xf32> to vector<16xf32>
      %parallel_loop3A_663 = arith.constant 2 : i32
      %parallel_loop3A_664 = arith.index_cast %parallel_loop3A_663 : i32 to index
      %parallel_loop3A_665 = arith.index_cast %parallel_loop3A_576 : i32 to index
      %parallel_loop3A_666 = arith.constant 64 : index
      %parallel_loop3A_667 = tpu.vector_load %arg10[%parallel_loop3A_664, %parallel_loop3A_665, %parallel_loop3A_666] {strides = array<i32>} : memref<4x64x128xf32, #tpu.memory_space<vmem>>, vector<1x1x16xf32>,
      %parallel_loop3A_668 = vector.shape_cast %parallel_loop3A_667 : vector<1x1x16xf32> to vector<16xf32>
      %parallel_loop3A_669 = arith.mulf %parallel_loop3A_662, %parallel_loop3A_668 : vector<16xf32>
      %parallel_loop3A_670 = arith.constant 2 : i32
      %parallel_loop3A_671 = arith.index_cast %parallel_loop3A_670 : i32 to index
      %parallel_loop3A_672 = arith.index_cast %parallel_loop3A_576 : i32 to index
      %parallel_loop3A_673 = arith.constant 64 : index
      %parallel_loop3A_674 = tpu.vector_load %arg11[%parallel_loop3A_671, %parallel_loop3A_672, %parallel_loop3A_673] {strides = array<i32>} : memref<4x64x128xf32, #tpu.memory_space<vmem>>, vector<1x1x16xf32>,
      %parallel_loop3A_675 = vector.shape_cast %parallel_loop3A_674 : vector<1x1x16xf32> to vector<16xf32>
      %parallel_loop3A_676 = vector.shape_cast %parallel_loop3A_669 : vector<16xf32> to vector<1x1x16xf32>
      tpu.vector_store %arg11[%parallel_loop3A_671, %parallel_loop3A_672, %parallel_loop3A_673], %parallel_loop3A_676 {strides = array<i32>} : memref<4x64x128xf32, #tpu.memory_space<vmem>>, vector<1x1x16xf32>,
      %parallel_loop3A_677 = arith.constant 2 : i32
      %parallel_loop3A_678 = arith.index_cast %parallel_loop3A_677 : i32 to index
      %parallel_loop3A_679 = arith.index_cast %parallel_loop3A_576 : i32 to index
      %parallel_loop3A_680 = arith.constant 80 : index
      %parallel_loop3A_681 = tpu.vector_load %arg9[%parallel_loop3A_678, %parallel_loop3A_679, %parallel_loop3A_680] {strides = array<i32>} : memref<4x64x128xf32, #tpu.memory_space<vmem>>, vector<1x1x16xf32>,
      %parallel_loop3A_682 = vector.shape_cast %parallel_loop3A_681 : vector<1x1x16xf32> to vector<16xf32>
      %parallel_loop3A_683 = arith.constant 2 : i32
      %parallel_loop3A_684 = arith.index_cast %parallel_loop3A_683 : i32 to index
      %parallel_loop3A_685 = arith.index_cast %parallel_loop3A_576 : i32 to index
      %parallel_loop3A_686 = arith.constant 80 : index
      %parallel_loop3A_687 = tpu.vector_load %arg10[%parallel_loop3A_684, %parallel_loop3A_685, %parallel_loop3A_686] {strides = array<i32>} : memref<4x64x128xf32, #tpu.memory_space<vmem>>, vector<1x1x16xf32>,
      %parallel_loop3A_688 = vector.shape_cast %parallel_loop3A_687 : vector<1x1x16xf32> to vector<16xf32>
      %parallel_loop3A_689 = arith.mulf %parallel_loop3A_682, %parallel_loop3A_688 : vector<16xf32>
      %parallel_loop3A_690 = arith.constant 2 : i32
      %parallel_loop3A_691 = arith.index_cast %parallel_loop3A_690 : i32 to index
      %parallel_loop3A_692 = arith.index_cast %parallel_loop3A_576 : i32 to index
      %parallel_loop3A_693 = arith.constant 80 : index
      %parallel_loop3A_694 = tpu.vector_load %arg11[%parallel_loop3A_691, %parallel_loop3A_692, %parallel_loop3A_693] {strides = array<i32>} : memref<4x64x128xf32, #tpu.memory_space<vmem>>, vector<1x1x16xf32>,
      %parallel_loop3A_695 = vector.shape_cast %parallel_loop3A_694 : vector<1x1x16xf32> to vector<16xf32>
      %parallel_loop3A_696 = vector.shape_cast %parallel_loop3A_689 : vector<16xf32> to vector<1x1x16xf32>
      tpu.vector_store %arg11[%parallel_loop3A_691, %parallel_loop3A_692, %parallel_loop3A_693], %parallel_loop3A_696 {strides = array<i32>} : memref<4x64x128xf32, #tpu.memory_space<vmem>>, vector<1x1x16xf32>,
      %parallel_loop3A_697 = arith.constant 2 : i32
      %parallel_loop3A_698 = arith.index_cast %parallel_loop3A_697 : i32 to index
      %parallel_loop3A_699 = arith.index_cast %parallel_loop3A_576 : i32 to index
      %parallel_loop3A_700 = arith.constant 96 : index
      %parallel_loop3A_701 = tpu.vector_load %arg9[%parallel_loop3A_698, %parallel_loop3A_699, %parallel_loop3A_700] {strides = array<i32>} : memref<4x64x128xf32, #tpu.memory_space<vmem>>, vector<1x1x16xf32>,
      %parallel_loop3A_702 = vector.shape_cast %parallel_loop3A_701 : vector<1x1x16xf32> to vector<16xf32>
      %parallel_loop3A_703 = arith.constant 2 : i32
      %parallel_loop3A_704 = arith.index_cast %parallel_loop3A_703 : i32 to index
      %parallel_loop3A_705 = arith.index_cast %parallel_loop3A_576 : i32 to index
      %parallel_loop3A_706 = arith.constant 96 : index
      %parallel_loop3A_707 = tpu.vector_load %arg10[%parallel_loop3A_704, %parallel_loop3A_705, %parallel_loop3A_706] {strides = array<i32>} : memref<4x64x128xf32, #tpu.memory_space<vmem>>, vector<1x1x16xf32>,
      %parallel_loop3A_708 = vector.shape_cast %parallel_loop3A_707 : vector<1x1x16xf32> to vector<16xf32>
      %parallel_loop3A_709 = arith.mulf %parallel_loop3A_702, %parallel_loop3A_708 : vector<16xf32>
      %parallel_loop3A_710 = arith.constant 2 : i32
      %parallel_loop3A_711 = arith.index_cast %parallel_loop3A_710 : i32 to index
      %parallel_loop3A_712 = arith.index_cast %parallel_loop3A_576 : i32 to index
      %parallel_loop3A_713 = arith.constant 96 : index
      %parallel_loop3A_714 = tpu.vector_load %arg11[%parallel_loop3A_711, %parallel_loop3A_712, %parallel_loop3A_713] {strides = array<i32>} : memref<4x64x128xf32, #tpu.memory_space<vmem>>, vector<1x1x16xf32>,
      %parallel_loop3A_715 = vector.shape_cast %parallel_loop3A_714 : vector<1x1x16xf32> to vector<16xf32>
      %parallel_loop3A_716 = vector.shape_cast %parallel_loop3A_709 : vector<16xf32> to vector<1x1x16xf32>
      tpu.vector_store %arg11[%parallel_loop3A_711, %parallel_loop3A_712, %parallel_loop3A_713], %parallel_loop3A_716 {strides = array<i32>} : memref<4x64x128xf32, #tpu.memory_space<vmem>>, vector<1x1x16xf32>,
      %parallel_loop3A_717 = arith.constant 2 : i32
      %parallel_loop3A_718 = arith.index_cast %parallel_loop3A_717 : i32 to index
      %parallel_loop3A_719 = arith.index_cast %parallel_loop3A_576 : i32 to index
      %parallel_loop3A_720 = arith.constant 112 : index
      %parallel_loop3A_721 = tpu.vector_load %arg9[%parallel_loop3A_718, %parallel_loop3A_719, %parallel_loop3A_720] {strides = array<i32>} : memref<4x64x128xf32, #tpu.memory_space<vmem>>, vector<1x1x16xf32>,
      %parallel_loop3A_722 = vector.shape_cast %parallel_loop3A_721 : vector<1x1x16xf32> to vector<16xf32>
      %parallel_loop3A_723 = arith.constant 2 : i32
      %parallel_loop3A_724 = arith.index_cast %parallel_loop3A_723 : i32 to index
      %parallel_loop3A_725 = arith.index_cast %parallel_loop3A_576 : i32 to index
      %parallel_loop3A_726 = arith.constant 112 : index
      %parallel_loop3A_727 = tpu.vector_load %arg10[%parallel_loop3A_724, %parallel_loop3A_725, %parallel_loop3A_726] {strides = array<i32>} : memref<4x64x128xf32, #tpu.memory_space<vmem>>, vector<1x1x16xf32>,
      %parallel_loop3A_728 = vector.shape_cast %parallel_loop3A_727 : vector<1x1x16xf32> to vector<16xf32>
      %parallel_loop3A_729 = arith.mulf %parallel_loop3A_722, %parallel_loop3A_728 : vector<16xf32>
      %parallel_loop3A_730 = arith.constant 2 : i32
      %parallel_loop3A_731 = arith.index_cast %parallel_loop3A_730 : i32 to index
      %parallel_loop3A_732 = arith.index_cast %parallel_loop3A_576 : i32 to index
      %parallel_loop3A_733 = arith.constant 112 : index
      %parallel_loop3A_734 = tpu.vector_load %arg11[%parallel_loop3A_731, %parallel_loop3A_732, %parallel_loop3A_733] {strides = array<i32>} : memref<4x64x128xf32, #tpu.memory_space<vmem>>, vector<1x1x16xf32>,
      %parallel_loop3A_735 = vector.shape_cast %parallel_loop3A_734 : vector<1x1x16xf32> to vector<16xf32>
      %parallel_loop3A_736 = vector.shape_cast %parallel_loop3A_729 : vector<16xf32> to vector<1x1x16xf32>
      tpu.vector_store %arg11[%parallel_loop3A_731, %parallel_loop3A_732, %parallel_loop3A_733], %parallel_loop3A_736 {strides = array<i32>} : memref<4x64x128xf32, #tpu.memory_space<vmem>>, vector<1x1x16xf32>,
    } {sc.loop_unroll_factor = 1 : i64, sc.parallel_access}
    %add3A_458 = arith.constant 384 : i32
    %add3A_459 = arith.addi %mul3A_2, %add3A_458 : i32
    %dma_start3A_460 = arith.constant 2 : i32
    %dma_start3A_461 = arith.constant 0 : i32
    %dma_start3A_462 = arith.constant 0 : i32
    %dma_start3A_463 = tpu.memref_slice %arg11[%dma_start3A_460, %dma_start3A_461, %dma_start3A_462] : memref<4x64x128xf32, #tpu.memory_space<vmem>> -> memref<1x64x128xf32, #tpu.memory_space<vmem>>
    %dma_start3A_464 = tpu.memref_squeeze %dma_start3A_463 : memref<1x64x128xf32, #tpu.memory_space<vmem>> -> memref<64x128xf32, #tpu.memory_space<vmem>>
    %dma_start3A_465 = arith.constant 0 : i32
    %dma_start3A_466 = tpu.memref_slice %arg6[%add3A_459, %dma_start3A_465] : memref<16384x128xf32, #tpu.memory_space<hbm>> -> memref<64x128xf32, #tpu.memory_space<hbm>>
    %dma_start3A_467 = arith.constant 0 : i32
    %dma_start3A_468 = tpu.memref_slice %arg6[%add3A_459, %dma_start3A_467] : memref<16384x128xf32, #tpu.memory_space<hbm>> -> memref<64x128xf32, #tpu.memory_space<hbm>>
    %dma_start3A_469 = arith.constant 0 : i32
    %dma_start3A_470 = arith.constant 0 : i32
    %dma_start3A_471 = tpu.memref_slice %arg11[%dma_start3A_460, %dma_start3A_469, %dma_start3A_470] : memref<4x64x128xf32, #tpu.memory_space<vmem>> -> memref<1x64x128xf32, #tpu.memory_space<vmem>>
    %dma_start3A_472 = tpu.memref_squeeze %dma_start3A_471 : memref<1x64x128xf32, #tpu.memory_space<vmem>> -> memref<64x128xf32, #tpu.memory_space<vmem>>
    tpu.enqueue_dma source(%dma_start3A_472 : memref<64x128xf32, #tpu.memory_space<vmem>>) target(%dma_start3A_468 : memref<64x128xf32, #tpu.memory_space<hbm>>) target_semaphore(%arg18 : memref<!tpu.dma_semaphore, #tpu.memory_space<semaphore_mem>>)
    %dma_wait3A_473 = arith.constant 3 : i32
    %dma_wait3A_474 = arith.constant 0 : i32
    %dma_wait3A_475 = arith.constant 0 : i32
    %dma_wait3A_476 = tpu.memref_slice %arg9[%dma_wait3A_473, %dma_wait3A_474, %dma_wait3A_475] : memref<4x64x128xf32, #tpu.memory_space<vmem>> -> memref<1x64x128xf32, #tpu.memory_space<vmem>>
    %dma_wait3A_477 = tpu.memref_squeeze %dma_wait3A_476 : memref<1x64x128xf32, #tpu.memory_space<vmem>> -> memref<64x128xf32, #tpu.memory_space<vmem>>
    %dma_wait3A_478 = arith.constant 448 : i32
    %dma_wait3A_479 = tpu.memref_slice %arg7[%dma_wait3A_478] : memref<512xi32, #tpu.memory_space<vmem>> -> memref<64xi32, #tpu.memory_space<vmem>>
    %dma_wait3A_480 = arith.constant 0 : i32
    %dma_wait3A_481 = arith.constant 0 : i32
    %dma_wait3A_482 = tpu.memref_slice %arg4[%dma_wait3A_480, %dma_wait3A_481] : memref<100000x128xf32, #tpu.memory_space<hbm>> -> memref<100000x128xf32, #tpu.memory_space<hbm>>
    tpu.wait_indirect_dma semaphore(%arg15 : memref<!tpu.dma_semaphore, #tpu.memory_space<semaphore_mem>>) src(%dma_wait3A_482 : memref<100000x128xf32, #tpu.memory_space<hbm>>) dst(%dma_wait3A_477 : memref<64x128xf32, #tpu.memory_space<vmem>>)
    %dma_wait3A_483 = arith.constant 3 : i32
    %dma_wait3A_484 = arith.constant 0 : i32
    %dma_wait3A_485 = arith.constant 0 : i32
    %dma_wait3A_486 = tpu.memref_slice %arg10[%dma_wait3A_483, %dma_wait3A_484, %dma_wait3A_485] : memref<4x64x128xf32, #tpu.memory_space<vmem>> -> memref<1x64x128xf32, #tpu.memory_space<vmem>>
    %dma_wait3A_487 = tpu.memref_squeeze %dma_wait3A_486 : memref<1x64x128xf32, #tpu.memory_space<vmem>> -> memref<64x128xf32, #tpu.memory_space<vmem>>
    %dma_wait3A_488 = arith.constant 448 : i32
    %dma_wait3A_489 = tpu.memref_slice %arg8[%dma_wait3A_488] : memref<512xi32, #tpu.memory_space<vmem>> -> memref<64xi32, #tpu.memory_space<vmem>>
    %dma_wait3A_490 = arith.constant 0 : i32
    %dma_wait3A_491 = arith.constant 0 : i32
    %dma_wait3A_492 = tpu.memref_slice %arg5[%dma_wait3A_490, %dma_wait3A_491] : memref<1000000x128xf32, #tpu.memory_space<hbm>> -> memref<1000000x128xf32, #tpu.memory_space<hbm>>
    tpu.wait_indirect_dma semaphore(%arg15 : memref<!tpu.dma_semaphore, #tpu.memory_space<semaphore_mem>>) src(%dma_wait3A_492 : memref<1000000x128xf32, #tpu.memory_space<hbm>>) dst(%dma_wait3A_487 : memref<64x128xf32, #tpu.memory_space<vmem>>)
    %dma_wait3A_493 = arith.constant 3 : i32
    %dma_wait3A_494 = arith.constant 0 : i32
    %dma_wait3A_495 = arith.constant 0 : i32
    %dma_wait3A_496 = tpu.memref_slice %arg11[%dma_wait3A_493, %dma_wait3A_494, %dma_wait3A_495] : memref<4x64x128xf32, #tpu.memory_space<vmem>> -> memref<1x64x128xf32, #tpu.memory_space<vmem>>
    %dma_wait3A_497 = tpu.memref_squeeze %dma_wait3A_496 : memref<1x64x128xf32, #tpu.memory_space<vmem>> -> memref<64x128xf32, #tpu.memory_space<vmem>>
    %dma_wait3A_498 = arith.constant 0 : i32
    %dma_wait3A_499 = tpu.memref_slice %arg6[%add3A_306, %dma_wait3A_498] : memref<16384x128xf32, #tpu.memory_space<hbm>> -> memref<64x128xf32, #tpu.memory_space<hbm>>
    %dma_wait3A_500 = arith.constant 0 : i32
    %dma_wait3A_501 = tpu.memref_slice %arg6[%add3A_306, %dma_wait3A_500] : memref<16384x128xf32, #tpu.memory_space<hbm>> -> memref<64x128xf32, #tpu.memory_space<hbm>>
    %dma_wait3A_502 = arith.constant 0 : i32
    %dma_wait3A_503 = arith.constant 0 : i32
    %dma_wait3A_504 = tpu.memref_slice %arg11[%dma_wait3A_493, %dma_wait3A_502, %dma_wait3A_503] : memref<4x64x128xf32, #tpu.memory_space<vmem>> -> memref<1x64x128xf32, #tpu.memory_space<vmem>>
    %dma_wait3A_505 = tpu.memref_squeeze %dma_wait3A_504 : memref<1x64x128xf32, #tpu.memory_space<vmem>> -> memref<64x128xf32, #tpu.memory_space<vmem>>
    tpu.wait_dma2 semaphore(%arg19 : memref<!tpu.dma_semaphore, #tpu.memory_space<semaphore_mem>>) src(%dma_wait3A_505 : memref<64x128xf32, #tpu.memory_space<vmem>>) dst(%dma_wait3A_501 : memref<64x128xf32, #tpu.memory_space<hbm>>)
    %parallel_loop3A_506 = arith.constant 0 : i32
    %parallel_loop3A_507 = arith.constant 64 : i32
    %parallel_loop3A_508 = arith.constant 1 : i32
    scf.for %parallel_loop3A_576 = %parallel_loop3A_506 to %parallel_loop3A_507 step %parallel_loop3A_508  : i32 {
      %parallel_loop3A_577 = arith.constant 3 : i32
      %parallel_loop3A_578 = arith.index_cast %parallel_loop3A_577 : i32 to index
      %parallel_loop3A_579 = arith.index_cast %parallel_loop3A_576 : i32 to index
      %parallel_loop3A_580 = arith.constant 0 : index
      %parallel_loop3A_581 = tpu.vector_load %arg9[%parallel_loop3A_578, %parallel_loop3A_579, %parallel_loop3A_580] {strides = array<i32>} : memref<4x64x128xf32, #tpu.memory_space<vmem>>, vector<1x1x16xf32>,
      %parallel_loop3A_582 = vector.shape_cast %parallel_loop3A_581 : vector<1x1x16xf32> to vector<16xf32>
      %parallel_loop3A_583 = arith.constant 3 : i32
      %parallel_loop3A_584 = arith.index_cast %parallel_loop3A_583 : i32 to index
      %parallel_loop3A_585 = arith.index_cast %parallel_loop3A_576 : i32 to index
      %parallel_loop3A_586 = arith.constant 0 : index
      %parallel_loop3A_587 = tpu.vector_load %arg10[%parallel_loop3A_584, %parallel_loop3A_585, %parallel_loop3A_586] {strides = array<i32>} : memref<4x64x128xf32, #tpu.memory_space<vmem>>, vector<1x1x16xf32>,
      %parallel_loop3A_588 = vector.shape_cast %parallel_loop3A_587 : vector<1x1x16xf32> to vector<16xf32>
      %parallel_loop3A_589 = arith.mulf %parallel_loop3A_582, %parallel_loop3A_588 : vector<16xf32>
      %parallel_loop3A_590 = arith.constant 3 : i32
      %parallel_loop3A_591 = arith.index_cast %parallel_loop3A_590 : i32 to index
      %parallel_loop3A_592 = arith.index_cast %parallel_loop3A_576 : i32 to index
      %parallel_loop3A_593 = arith.constant 0 : index
      %parallel_loop3A_594 = tpu.vector_load %arg11[%parallel_loop3A_591, %parallel_loop3A_592, %parallel_loop3A_593] {strides = array<i32>} : memref<4x64x128xf32, #tpu.memory_space<vmem>>, vector<1x1x16xf32>,
      %parallel_loop3A_595 = vector.shape_cast %parallel_loop3A_594 : vector<1x1x16xf32> to vector<16xf32>
      %parallel_loop3A_596 = vector.shape_cast %parallel_loop3A_589 : vector<16xf32> to vector<1x1x16xf32>
      tpu.vector_store %arg11[%parallel_loop3A_591, %parallel_loop3A_592, %parallel_loop3A_593], %parallel_loop3A_596 {strides = array<i32>} : memref<4x64x128xf32, #tpu.memory_space<vmem>>, vector<1x1x16xf32>,
      %parallel_loop3A_597 = arith.constant 3 : i32
      %parallel_loop3A_598 = arith.index_cast %parallel_loop3A_597 : i32 to index
      %parallel_loop3A_599 = arith.index_cast %parallel_loop3A_576 : i32 to index
      %parallel_loop3A_600 = arith.constant 16 : index
      %parallel_loop3A_601 = tpu.vector_load %arg9[%parallel_loop3A_598, %parallel_loop3A_599, %parallel_loop3A_600] {strides = array<i32>} : memref<4x64x128xf32, #tpu.memory_space<vmem>>, vector<1x1x16xf32>,
      %parallel_loop3A_602 = vector.shape_cast %parallel_loop3A_601 : vector<1x1x16xf32> to vector<16xf32>
      %parallel_loop3A_603 = arith.constant 3 : i32
      %parallel_loop3A_604 = arith.index_cast %parallel_loop3A_603 : i32 to index
      %parallel_loop3A_605 = arith.index_cast %parallel_loop3A_576 : i32 to index
      %parallel_loop3A_606 = arith.constant 16 : index
      %parallel_loop3A_607 = tpu.vector_load %arg10[%parallel_loop3A_604, %parallel_loop3A_605, %parallel_loop3A_606] {strides = array<i32>} : memref<4x64x128xf32, #tpu.memory_space<vmem>>, vector<1x1x16xf32>,
      %parallel_loop3A_608 = vector.shape_cast %parallel_loop3A_607 : vector<1x1x16xf32> to vector<16xf32>
      %parallel_loop3A_609 = arith.mulf %parallel_loop3A_602, %parallel_loop3A_608 : vector<16xf32>
      %parallel_loop3A_610 = arith.constant 3 : i32
      %parallel_loop3A_611 = arith.index_cast %parallel_loop3A_610 : i32 to index
      %parallel_loop3A_612 = arith.index_cast %parallel_loop3A_576 : i32 to index
      %parallel_loop3A_613 = arith.constant 16 : index
      %parallel_loop3A_614 = tpu.vector_load %arg11[%parallel_loop3A_611, %parallel_loop3A_612, %parallel_loop3A_613] {strides = array<i32>} : memref<4x64x128xf32, #tpu.memory_space<vmem>>, vector<1x1x16xf32>,
      %parallel_loop3A_615 = vector.shape_cast %parallel_loop3A_614 : vector<1x1x16xf32> to vector<16xf32>
      %parallel_loop3A_616 = vector.shape_cast %parallel_loop3A_609 : vector<16xf32> to vector<1x1x16xf32>
      tpu.vector_store %arg11[%parallel_loop3A_611, %parallel_loop3A_612, %parallel_loop3A_613], %parallel_loop3A_616 {strides = array<i32>} : memref<4x64x128xf32, #tpu.memory_space<vmem>>, vector<1x1x16xf32>,
      %parallel_loop3A_617 = arith.constant 3 : i32
      %parallel_loop3A_618 = arith.index_cast %parallel_loop3A_617 : i32 to index
      %parallel_loop3A_619 = arith.index_cast %parallel_loop3A_576 : i32 to index
      %parallel_loop3A_620 = arith.constant 32 : index
      %parallel_loop3A_621 = tpu.vector_load %arg9[%parallel_loop3A_618, %parallel_loop3A_619, %parallel_loop3A_620] {strides = array<i32>} : memref<4x64x128xf32, #tpu.memory_space<vmem>>, vector<1x1x16xf32>,
      %parallel_loop3A_622 = vector.shape_cast %parallel_loop3A_621 : vector<1x1x16xf32> to vector<16xf32>
      %parallel_loop3A_623 = arith.constant 3 : i32
      %parallel_loop3A_624 = arith.index_cast %parallel_loop3A_623 : i32 to index
      %parallel_loop3A_625 = arith.index_cast %parallel_loop3A_576 : i32 to index
      %parallel_loop3A_626 = arith.constant 32 : index
      %parallel_loop3A_627 = tpu.vector_load %arg10[%parallel_loop3A_624, %parallel_loop3A_625, %parallel_loop3A_626] {strides = array<i32>} : memref<4x64x128xf32, #tpu.memory_space<vmem>>, vector<1x1x16xf32>,
      %parallel_loop3A_628 = vector.shape_cast %parallel_loop3A_627 : vector<1x1x16xf32> to vector<16xf32>
      %parallel_loop3A_629 = arith.mulf %parallel_loop3A_622, %parallel_loop3A_628 : vector<16xf32>
      %parallel_loop3A_630 = arith.constant 3 : i32
      %parallel_loop3A_631 = arith.index_cast %parallel_loop3A_630 : i32 to index
      %parallel_loop3A_632 = arith.index_cast %parallel_loop3A_576 : i32 to index
      %parallel_loop3A_633 = arith.constant 32 : index
      %parallel_loop3A_634 = tpu.vector_load %arg11[%parallel_loop3A_631, %parallel_loop3A_632, %parallel_loop3A_633] {strides = array<i32>} : memref<4x64x128xf32, #tpu.memory_space<vmem>>, vector<1x1x16xf32>,
      %parallel_loop3A_635 = vector.shape_cast %parallel_loop3A_634 : vector<1x1x16xf32> to vector<16xf32>
      %parallel_loop3A_636 = vector.shape_cast %parallel_loop3A_629 : vector<16xf32> to vector<1x1x16xf32>
      tpu.vector_store %arg11[%parallel_loop3A_631, %parallel_loop3A_632, %parallel_loop3A_633], %parallel_loop3A_636 {strides = array<i32>} : memref<4x64x128xf32, #tpu.memory_space<vmem>>, vector<1x1x16xf32>,
      %parallel_loop3A_637 = arith.constant 3 : i32
      %parallel_loop3A_638 = arith.index_cast %parallel_loop3A_637 : i32 to index
      %parallel_loop3A_639 = arith.index_cast %parallel_loop3A_576 : i32 to index
      %parallel_loop3A_640 = arith.constant 48 : index
      %parallel_loop3A_641 = tpu.vector_load %arg9[%parallel_loop3A_638, %parallel_loop3A_639, %parallel_loop3A_640] {strides = array<i32>} : memref<4x64x128xf32, #tpu.memory_space<vmem>>, vector<1x1x16xf32>,
      %parallel_loop3A_642 = vector.shape_cast %parallel_loop3A_641 : vector<1x1x16xf32> to vector<16xf32>
      %parallel_loop3A_643 = arith.constant 3 : i32
      %parallel_loop3A_644 = arith.index_cast %parallel_loop3A_643 : i32 to index
      %parallel_loop3A_645 = arith.index_cast %parallel_loop3A_576 : i32 to index
      %parallel_loop3A_646 = arith.constant 48 : index
      %parallel_loop3A_647 = tpu.vector_load %arg10[%parallel_loop3A_644, %parallel_loop3A_645, %parallel_loop3A_646] {strides = array<i32>} : memref<4x64x128xf32, #tpu.memory_space<vmem>>, vector<1x1x16xf32>,
      %parallel_loop3A_648 = vector.shape_cast %parallel_loop3A_647 : vector<1x1x16xf32> to vector<16xf32>
      %parallel_loop3A_649 = arith.mulf %parallel_loop3A_642, %parallel_loop3A_648 : vector<16xf32>
      %parallel_loop3A_650 = arith.constant 3 : i32
      %parallel_loop3A_651 = arith.index_cast %parallel_loop3A_650 : i32 to index
      %parallel_loop3A_652 = arith.index_cast %parallel_loop3A_576 : i32 to index
      %parallel_loop3A_653 = arith.constant 48 : index
      %parallel_loop3A_654 = tpu.vector_load %arg11[%parallel_loop3A_651, %parallel_loop3A_652, %parallel_loop3A_653] {strides = array<i32>} : memref<4x64x128xf32, #tpu.memory_space<vmem>>, vector<1x1x16xf32>,
      %parallel_loop3A_655 = vector.shape_cast %parallel_loop3A_654 : vector<1x1x16xf32> to vector<16xf32>
      %parallel_loop3A_656 = vector.shape_cast %parallel_loop3A_649 : vector<16xf32> to vector<1x1x16xf32>
      tpu.vector_store %arg11[%parallel_loop3A_651, %parallel_loop3A_652, %parallel_loop3A_653], %parallel_loop3A_656 {strides = array<i32>} : memref<4x64x128xf32, #tpu.memory_space<vmem>>, vector<1x1x16xf32>,
      %parallel_loop3A_657 = arith.constant 3 : i32
      %parallel_loop3A_658 = arith.index_cast %parallel_loop3A_657 : i32 to index
      %parallel_loop3A_659 = arith.index_cast %parallel_loop3A_576 : i32 to index
      %parallel_loop3A_660 = arith.constant 64 : index
      %parallel_loop3A_661 = tpu.vector_load %arg9[%parallel_loop3A_658, %parallel_loop3A_659, %parallel_loop3A_660] {strides = array<i32>} : memref<4x64x128xf32, #tpu.memory_space<vmem>>, vector<1x1x16xf32>,
      %parallel_loop3A_662 = vector.shape_cast %parallel_loop3A_661 : vector<1x1x16xf32> to vector<16xf32>
      %parallel_loop3A_663 = arith.constant 3 : i32
      %parallel_loop3A_664 = arith.index_cast %parallel_loop3A_663 : i32 to index
      %parallel_loop3A_665 = arith.index_cast %parallel_loop3A_576 : i32 to index
      %parallel_loop3A_666 = arith.constant 64 : index
      %parallel_loop3A_667 = tpu.vector_load %arg10[%parallel_loop3A_664, %parallel_loop3A_665, %parallel_loop3A_666] {strides = array<i32>} : memref<4x64x128xf32, #tpu.memory_space<vmem>>, vector<1x1x16xf32>,
      %parallel_loop3A_668 = vector.shape_cast %parallel_loop3A_667 : vector<1x1x16xf32> to vector<16xf32>
      %parallel_loop3A_669 = arith.mulf %parallel_loop3A_662, %parallel_loop3A_668 : vector<16xf32>
      %parallel_loop3A_670 = arith.constant 3 : i32
      %parallel_loop3A_671 = arith.index_cast %parallel_loop3A_670 : i32 to index
      %parallel_loop3A_672 = arith.index_cast %parallel_loop3A_576 : i32 to index
      %parallel_loop3A_673 = arith.constant 64 : index
      %parallel_loop3A_674 = tpu.vector_load %arg11[%parallel_loop3A_671, %parallel_loop3A_672, %parallel_loop3A_673] {strides = array<i32>} : memref<4x64x128xf32, #tpu.memory_space<vmem>>, vector<1x1x16xf32>,
      %parallel_loop3A_675 = vector.shape_cast %parallel_loop3A_674 : vector<1x1x16xf32> to vector<16xf32>
      %parallel_loop3A_676 = vector.shape_cast %parallel_loop3A_669 : vector<16xf32> to vector<1x1x16xf32>
      tpu.vector_store %arg11[%parallel_loop3A_671, %parallel_loop3A_672, %parallel_loop3A_673], %parallel_loop3A_676 {strides = array<i32>} : memref<4x64x128xf32, #tpu.memory_space<vmem>>, vector<1x1x16xf32>,
      %parallel_loop3A_677 = arith.constant 3 : i32
      %parallel_loop3A_678 = arith.index_cast %parallel_loop3A_677 : i32 to index
      %parallel_loop3A_679 = arith.index_cast %parallel_loop3A_576 : i32 to index
      %parallel_loop3A_680 = arith.constant 80 : index
      %parallel_loop3A_681 = tpu.vector_load %arg9[%parallel_loop3A_678, %parallel_loop3A_679, %parallel_loop3A_680] {strides = array<i32>} : memref<4x64x128xf32, #tpu.memory_space<vmem>>, vector<1x1x16xf32>,
      %parallel_loop3A_682 = vector.shape_cast %parallel_loop3A_681 : vector<1x1x16xf32> to vector<16xf32>
      %parallel_loop3A_683 = arith.constant 3 : i32
      %parallel_loop3A_684 = arith.index_cast %parallel_loop3A_683 : i32 to index
      %parallel_loop3A_685 = arith.index_cast %parallel_loop3A_576 : i32 to index
      %parallel_loop3A_686 = arith.constant 80 : index
      %parallel_loop3A_687 = tpu.vector_load %arg10[%parallel_loop3A_684, %parallel_loop3A_685, %parallel_loop3A_686] {strides = array<i32>} : memref<4x64x128xf32, #tpu.memory_space<vmem>>, vector<1x1x16xf32>,
      %parallel_loop3A_688 = vector.shape_cast %parallel_loop3A_687 : vector<1x1x16xf32> to vector<16xf32>
      %parallel_loop3A_689 = arith.mulf %parallel_loop3A_682, %parallel_loop3A_688 : vector<16xf32>
      %parallel_loop3A_690 = arith.constant 3 : i32
      %parallel_loop3A_691 = arith.index_cast %parallel_loop3A_690 : i32 to index
      %parallel_loop3A_692 = arith.index_cast %parallel_loop3A_576 : i32 to index
      %parallel_loop3A_693 = arith.constant 80 : index
      %parallel_loop3A_694 = tpu.vector_load %arg11[%parallel_loop3A_691, %parallel_loop3A_692, %parallel_loop3A_693] {strides = array<i32>} : memref<4x64x128xf32, #tpu.memory_space<vmem>>, vector<1x1x16xf32>,
      %parallel_loop3A_695 = vector.shape_cast %parallel_loop3A_694 : vector<1x1x16xf32> to vector<16xf32>
      %parallel_loop3A_696 = vector.shape_cast %parallel_loop3A_689 : vector<16xf32> to vector<1x1x16xf32>
      tpu.vector_store %arg11[%parallel_loop3A_691, %parallel_loop3A_692, %parallel_loop3A_693], %parallel_loop3A_696 {strides = array<i32>} : memref<4x64x128xf32, #tpu.memory_space<vmem>>, vector<1x1x16xf32>,
      %parallel_loop3A_697 = arith.constant 3 : i32
      %parallel_loop3A_698 = arith.index_cast %parallel_loop3A_697 : i32 to index
      %parallel_loop3A_699 = arith.index_cast %parallel_loop3A_576 : i32 to index
      %parallel_loop3A_700 = arith.constant 96 : index
      %parallel_loop3A_701 = tpu.vector_load %arg9[%parallel_loop3A_698, %parallel_loop3A_699, %parallel_loop3A_700] {strides = array<i32>} : memref<4x64x128xf32, #tpu.memory_space<vmem>>, vector<1x1x16xf32>,
      %parallel_loop3A_702 = vector.shape_cast %parallel_loop3A_701 : vector<1x1x16xf32> to vector<16xf32>
      %parallel_loop3A_703 = arith.constant 3 : i32
      %parallel_loop3A_704 = arith.index_cast %parallel_loop3A_703 : i32 to index
      %parallel_loop3A_705 = arith.index_cast %parallel_loop3A_576 : i32 to index
      %parallel_loop3A_706 = arith.constant 96 : index
      %parallel_loop3A_707 = tpu.vector_load %arg10[%parallel_loop3A_704, %parallel_loop3A_705, %parallel_loop3A_706] {strides = array<i32>} : memref<4x64x128xf32, #tpu.memory_space<vmem>>, vector<1x1x16xf32>,
      %parallel_loop3A_708 = vector.shape_cast %parallel_loop3A_707 : vector<1x1x16xf32> to vector<16xf32>
      %parallel_loop3A_709 = arith.mulf %parallel_loop3A_702, %parallel_loop3A_708 : vector<16xf32>
      %parallel_loop3A_710 = arith.constant 3 : i32
      %parallel_loop3A_711 = arith.index_cast %parallel_loop3A_710 : i32 to index
      %parallel_loop3A_712 = arith.index_cast %parallel_loop3A_576 : i32 to index
      %parallel_loop3A_713 = arith.constant 96 : index
      %parallel_loop3A_714 = tpu.vector_load %arg11[%parallel_loop3A_711, %parallel_loop3A_712, %parallel_loop3A_713] {strides = array<i32>} : memref<4x64x128xf32, #tpu.memory_space<vmem>>, vector<1x1x16xf32>,
      %parallel_loop3A_715 = vector.shape_cast %parallel_loop3A_714 : vector<1x1x16xf32> to vector<16xf32>
      %parallel_loop3A_716 = vector.shape_cast %parallel_loop3A_709 : vector<16xf32> to vector<1x1x16xf32>
      tpu.vector_store %arg11[%parallel_loop3A_711, %parallel_loop3A_712, %parallel_loop3A_713], %parallel_loop3A_716 {strides = array<i32>} : memref<4x64x128xf32, #tpu.memory_space<vmem>>, vector<1x1x16xf32>,
      %parallel_loop3A_717 = arith.constant 3 : i32
      %parallel_loop3A_718 = arith.index_cast %parallel_loop3A_717 : i32 to index
      %parallel_loop3A_719 = arith.index_cast %parallel_loop3A_576 : i32 to index
      %parallel_loop3A_720 = arith.constant 112 : index
      %parallel_loop3A_721 = tpu.vector_load %arg9[%parallel_loop3A_718, %parallel_loop3A_719, %parallel_loop3A_720] {strides = array<i32>} : memref<4x64x128xf32, #tpu.memory_space<vmem>>, vector<1x1x16xf32>,
      %parallel_loop3A_722 = vector.shape_cast %parallel_loop3A_721 : vector<1x1x16xf32> to vector<16xf32>
      %parallel_loop3A_723 = arith.constant 3 : i32
      %parallel_loop3A_724 = arith.index_cast %parallel_loop3A_723 : i32 to index
      %parallel_loop3A_725 = arith.index_cast %parallel_loop3A_576 : i32 to index
      %parallel_loop3A_726 = arith.constant 112 : index
      %parallel_loop3A_727 = tpu.vector_load %arg10[%parallel_loop3A_724, %parallel_loop3A_725, %parallel_loop3A_726] {strides = array<i32>} : memref<4x64x128xf32, #tpu.memory_space<vmem>>, vector<1x1x16xf32>,
      %parallel_loop3A_728 = vector.shape_cast %parallel_loop3A_727 : vector<1x1x16xf32> to vector<16xf32>
      %parallel_loop3A_729 = arith.mulf %parallel_loop3A_722, %parallel_loop3A_728 : vector<16xf32>
      %parallel_loop3A_730 = arith.constant 3 : i32
      %parallel_loop3A_731 = arith.index_cast %parallel_loop3A_730 : i32 to index
      %parallel_loop3A_732 = arith.index_cast %parallel_loop3A_576 : i32 to index
      %parallel_loop3A_733 = arith.constant 112 : index
      %parallel_loop3A_734 = tpu.vector_load %arg11[%parallel_loop3A_731, %parallel_loop3A_732, %parallel_loop3A_733] {strides = array<i32>} : memref<4x64x128xf32, #tpu.memory_space<vmem>>, vector<1x1x16xf32>,
      %parallel_loop3A_735 = vector.shape_cast %parallel_loop3A_734 : vector<1x1x16xf32> to vector<16xf32>
      %parallel_loop3A_736 = vector.shape_cast %parallel_loop3A_729 : vector<16xf32> to vector<1x1x16xf32>
      tpu.vector_store %arg11[%parallel_loop3A_731, %parallel_loop3A_732, %parallel_loop3A_733], %parallel_loop3A_736 {strides = array<i32>} : memref<4x64x128xf32, #tpu.memory_space<vmem>>, vector<1x1x16xf32>,
    } {sc.loop_unroll_factor = 1 : i64, sc.parallel_access}
    %add3A_509 = arith.constant 448 : i32
    %add3A_510 = arith.addi %mul3A_2, %add3A_509 : i32
    %dma_start3A_511 = arith.constant 3 : i32
    %dma_start3A_512 = arith.constant 0 : i32
    %dma_start3A_513 = arith.constant 0 : i32
    %dma_start3A_514 = tpu.memref_slice %arg11[%dma_start3A_511, %dma_start3A_512, %dma_start3A_513] : memref<4x64x128xf32, #tpu.memory_space<vmem>> -> memref<1x64x128xf32, #tpu.memory_space<vmem>>
    %dma_start3A_515 = tpu.memref_squeeze %dma_start3A_514 : memref<1x64x128xf32, #tpu.memory_space<vmem>> -> memref<64x128xf32, #tpu.memory_space<vmem>>
    %dma_start3A_516 = arith.constant 0 : i32
    %dma_start3A_517 = tpu.memref_slice %arg6[%add3A_510, %dma_start3A_516] : memref<16384x128xf32, #tpu.memory_space<hbm>> -> memref<64x128xf32, #tpu.memory_space<hbm>>
    %dma_start3A_518 = arith.constant 0 : i32
    %dma_start3A_519 = tpu.memref_slice %arg6[%add3A_510, %dma_start3A_518] : memref<16384x128xf32, #tpu.memory_space<hbm>> -> memref<64x128xf32, #tpu.memory_space<hbm>>
    %dma_start3A_520 = arith.constant 0 : i32
    %dma_start3A_521 = arith.constant 0 : i32
    %dma_start3A_522 = tpu.memref_slice %arg11[%dma_start3A_511, %dma_start3A_520, %dma_start3A_521] : memref<4x64x128xf32, #tpu.memory_space<vmem>> -> memref<1x64x128xf32, #tpu.memory_space<vmem>>
    %dma_start3A_523 = tpu.memref_squeeze %dma_start3A_522 : memref<1x64x128xf32, #tpu.memory_space<vmem>> -> memref<64x128xf32, #tpu.memory_space<vmem>>
    tpu.enqueue_dma source(%dma_start3A_523 : memref<64x128xf32, #tpu.memory_space<vmem>>) target(%dma_start3A_519 : memref<64x128xf32, #tpu.memory_space<hbm>>) target_semaphore(%arg19 : memref<!tpu.dma_semaphore, #tpu.memory_space<semaphore_mem>>)
    %dma_wait3A_524 = arith.constant 0 : i32
    %dma_wait3A_525 = arith.constant 0 : i32
    %dma_wait3A_526 = arith.constant 0 : i32
    %dma_wait3A_527 = tpu.memref_slice %arg11[%dma_wait3A_524, %dma_wait3A_525, %dma_wait3A_526] : memref<4x64x128xf32, #tpu.memory_space<vmem>> -> memref<1x64x128xf32, #tpu.memory_space<vmem>>
    %dma_wait3A_528 = tpu.memref_squeeze %dma_wait3A_527 : memref<1x64x128xf32, #tpu.memory_space<vmem>> -> memref<64x128xf32, #tpu.memory_space<vmem>>
    %dma_wait3A_529 = arith.constant 0 : i32
    %dma_wait3A_530 = tpu.memref_slice %arg6[%add3A_357, %dma_wait3A_529] : memref<16384x128xf32, #tpu.memory_space<hbm>> -> memref<64x128xf32, #tpu.memory_space<hbm>>
    %dma_wait3A_531 = arith.constant 0 : i32
    %dma_wait3A_532 = tpu.memref_slice %arg6[%add3A_357, %dma_wait3A_531] : memref<16384x128xf32, #tpu.memory_space<hbm>> -> memref<64x128xf32, #tpu.memory_space<hbm>>
    %dma_wait3A_533 = arith.constant 0 : i32
    %dma_wait3A_534 = arith.constant 0 : i32
    %dma_wait3A_535 = tpu.memref_slice %arg11[%dma_wait3A_524, %dma_wait3A_533, %dma_wait3A_534] : memref<4x64x128xf32, #tpu.memory_space<vmem>> -> memref<1x64x128xf32, #tpu.memory_space<vmem>>
    %dma_wait3A_536 = tpu.memref_squeeze %dma_wait3A_535 : memref<1x64x128xf32, #tpu.memory_space<vmem>> -> memref<64x128xf32, #tpu.memory_space<vmem>>
    tpu.wait_dma2 semaphore(%arg16 : memref<!tpu.dma_semaphore, #tpu.memory_space<semaphore_mem>>) src(%dma_wait3A_536 : memref<64x128xf32, #tpu.memory_space<vmem>>) dst(%dma_wait3A_532 : memref<64x128xf32, #tpu.memory_space<hbm>>)
    %dma_wait3A_537 = arith.constant 1 : i32
    %dma_wait3A_538 = arith.constant 0 : i32
    %dma_wait3A_539 = arith.constant 0 : i32
    %dma_wait3A_540 = tpu.memref_slice %arg11[%dma_wait3A_537, %dma_wait3A_538, %dma_wait3A_539] : memref<4x64x128xf32, #tpu.memory_space<vmem>> -> memref<1x64x128xf32, #tpu.memory_space<vmem>>
    %dma_wait3A_541 = tpu.memref_squeeze %dma_wait3A_540 : memref<1x64x128xf32, #tpu.memory_space<vmem>> -> memref<64x128xf32, #tpu.memory_space<vmem>>
    %dma_wait3A_542 = arith.constant 0 : i32
    %dma_wait3A_543 = tpu.memref_slice %arg6[%add3A_408, %dma_wait3A_542] : memref<16384x128xf32, #tpu.memory_space<hbm>> -> memref<64x128xf32, #tpu.memory_space<hbm>>
    %dma_wait3A_544 = arith.constant 0 : i32
    %dma_wait3A_545 = tpu.memref_slice %arg6[%add3A_408, %dma_wait3A_544] : memref<16384x128xf32, #tpu.memory_space<hbm>> -> memref<64x128xf32, #tpu.memory_space<hbm>>
    %dma_wait3A_546 = arith.constant 0 : i32
    %dma_wait3A_547 = arith.constant 0 : i32
    %dma_wait3A_548 = tpu.memref_slice %arg11[%dma_wait3A_537, %dma_wait3A_546, %dma_wait3A_547] : memref<4x64x128xf32, #tpu.memory_space<vmem>> -> memref<1x64x128xf32, #tpu.memory_space<vmem>>
    %dma_wait3A_549 = tpu.memref_squeeze %dma_wait3A_548 : memref<1x64x128xf32, #tpu.memory_space<vmem>> -> memref<64x128xf32, #tpu.memory_space<vmem>>
    tpu.wait_dma2 semaphore(%arg17 : memref<!tpu.dma_semaphore, #tpu.memory_space<semaphore_mem>>) src(%dma_wait3A_549 : memref<64x128xf32, #tpu.memory_space<vmem>>) dst(%dma_wait3A_545 : memref<64x128xf32, #tpu.memory_space<hbm>>)
    %dma_wait3A_550 = arith.constant 2 : i32
    %dma_wait3A_551 = arith.constant 0 : i32
    %dma_wait3A_552 = arith.constant 0 : i32
    %dma_wait3A_553 = tpu.memref_slice %arg11[%dma_wait3A_550, %dma_wait3A_551, %dma_wait3A_552] : memref<4x64x128xf32, #tpu.memory_space<vmem>> -> memref<1x64x128xf32, #tpu.memory_space<vmem>>
    %dma_wait3A_554 = tpu.memref_squeeze %dma_wait3A_553 : memref<1x64x128xf32, #tpu.memory_space<vmem>> -> memref<64x128xf32, #tpu.memory_space<vmem>>
    %dma_wait3A_555 = arith.constant 0 : i32
    %dma_wait3A_556 = tpu.memref_slice %arg6[%add3A_459, %dma_wait3A_555] : memref<16384x128xf32, #tpu.memory_space<hbm>> -> memref<64x128xf32, #tpu.memory_space<hbm>>
    %dma_wait3A_557 = arith.constant 0 : i32
    %dma_wait3A_558 = tpu.memref_slice %arg6[%add3A_459, %dma_wait3A_557] : memref<16384x128xf32, #tpu.memory_space<hbm>> -> memref<64x128xf32, #tpu.memory_space<hbm>>
    %dma_wait3A_559 = arith.constant 0 : i32
    %dma_wait3A_560 = arith.constant 0 : i32
    %dma_wait3A_561 = tpu.memref_slice %arg11[%dma_wait3A_550, %dma_wait3A_559, %dma_wait3A_560] : memref<4x64x128xf32, #tpu.memory_space<vmem>> -> memref<1x64x128xf32, #tpu.memory_space<vmem>>
    %dma_wait3A_562 = tpu.memref_squeeze %dma_wait3A_561 : memref<1x64x128xf32, #tpu.memory_space<vmem>> -> memref<64x128xf32, #tpu.memory_space<vmem>>
    tpu.wait_dma2 semaphore(%arg18 : memref<!tpu.dma_semaphore, #tpu.memory_space<semaphore_mem>>) src(%dma_wait3A_562 : memref<64x128xf32, #tpu.memory_space<vmem>>) dst(%dma_wait3A_558 : memref<64x128xf32, #tpu.memory_space<hbm>>)
    %dma_wait3A_563 = arith.constant 3 : i32
    %dma_wait3A_564 = arith.constant 0 : i32
    %dma_wait3A_565 = arith.constant 0 : i32
    %dma_wait3A_566 = tpu.memref_slice %arg11[%dma_wait3A_563, %dma_wait3A_564, %dma_wait3A_565] : memref<4x64x128xf32, #tpu.memory_space<vmem>> -> memref<1x64x128xf32, #tpu.memory_space<vmem>>
    %dma_wait3A_567 = tpu.memref_squeeze %dma_wait3A_566 : memref<1x64x128xf32, #tpu.memory_space<vmem>> -> memref<64x128xf32, #tpu.memory_space<vmem>>
    %dma_wait3A_568 = arith.constant 0 : i32
    %dma_wait3A_569 = tpu.memref_slice %arg6[%add3A_510, %dma_wait3A_568] : memref<16384x128xf32, #tpu.memory_space<hbm>> -> memref<64x128xf32, #tpu.memory_space<hbm>>
    %dma_wait3A_570 = arith.constant 0 : i32
    %dma_wait3A_571 = tpu.memref_slice %arg6[%add3A_510, %dma_wait3A_570] : memref<16384x128xf32, #tpu.memory_space<hbm>> -> memref<64x128xf32, #tpu.memory_space<hbm>>
    %dma_wait3A_572 = arith.constant 0 : i32
    %dma_wait3A_573 = arith.constant 0 : i32
    %dma_wait3A_574 = tpu.memref_slice %arg11[%dma_wait3A_563, %dma_wait3A_572, %dma_wait3A_573] : memref<4x64x128xf32, #tpu.memory_space<vmem>> -> memref<1x64x128xf32, #tpu.memory_space<vmem>>
    %dma_wait3A_575 = tpu.memref_squeeze %dma_wait3A_574 : memref<1x64x128xf32, #tpu.memory_space<vmem>> -> memref<64x128xf32, #tpu.memory_space<vmem>>
    tpu.wait_dma2 semaphore(%arg19 : memref<!tpu.dma_semaphore, #tpu.memory_space<semaphore_mem>>) src(%dma_wait3A_575 : memref<64x128xf32, #tpu.memory_space<vmem>>) dst(%dma_wait3A_571 : memref<64x128xf32, #tpu.memory_space<hbm>>)
    return
  }
}

</mosaic_0001>

<sc_bundles>
// kernel: kernel.3.cloned.1.call-start
scs
__scs_entry_jumppad:
0x0: {  	(pc) =	sbr.rel $0x88, $3  }
0x1: {  	(tag) =	ssettag $0x0;
	lr =	simm.s32 $0x1  }
0x2: {  	[smem:$0x3F9D] =	sst lr;
	_ =	strace $0xD0000000  }
0x3: {  	_ = 	snop  }
0x4: {  	_ = 	snop  }
0x5: {  	_ = 	snop  }
0x6: {  	_ = 	snop  }
0x7: {  	_ = 	snop  }
__scs_overlays_trampoline_lowered:
0x8: {  	[smem:$0x3FAC] =	sst s0  }
0x9: {  	[smem:$0x3FAD] =	sst s1  }
0xa: {  	[smem:$0x3FAE] =	sst s2  }
0xb: {  	[smem:$0x3FAF] =	sst s3  }
0xc: {  	[smem:$0x3FB0] =	sst s4  }
0xd: {  	[smem:$0x3FB1] =	sst s5  }
0xe: {  	[smem:$0x3FB2] =	sst s6  }
0xf: {  	[smem:$0x3FB3] =	sst s7  }
0x10: {  	[smem:$0x3FB4] =	sst s8  }
0x11: {  	[smem:$0x3FB5] =	sst s9;
	s0 =	simm.s32 @!p0 $0x0  }
0x12: {  	s1 =	sld [smem:$0x3F9B];
	s0 =	simm.s32 @p0 $0x1  }
0x13: {  	[smem:$0x3FB6] =	sst s0;
	s0 =	simm.s32 @!p1 $0x0  }
0x14: {  	s2 =	sld [smem:$0x3F9A];
	s0 =	simm.s32 @p1 $0x1  }
0x15: {  	[smem:$0x3FB7] =	sst s0;
	s0 =	simm.s32 @!p2 $0x0  }
0x16: {  	s3 =	sld [smem:$0x3FDB];
	s0 =	simm.s32 @p2 $0x1  }
0x17: {  	s4 =	simm.s32 $0x1BF5;
	[smem:$0x3FB9] =	sst s0  }
0x18: {  	s0 =	sld [smem:$0x3F9C];
	_ =	swait.ge [sflag:s4], $0x0  }
0x19: {  	s7 =	sld [smem:$0x3F9D]  }
0x1a: {  	s8 =	sadd.s32 $0xFFFFE003, lr  }
0x1b: {  	s9 =	sadd.s32 $0xFFFFFEF7, lr;
	s5 =	simm.s32 $0xFFFFFFFF;
	p2 =	slt.u32 s8, $0xFFFFF086  }
0x1c: {  	p1 =	slt.u32 s9, $0xF7A;
	s5 =	simm.s32 @!p2 $0x0  }
0x1d: {  	s5 =	simm.s32 @p1 $0x1;
	p0 =	seq.s32 s7, s2  }
0x1e: {  	s7 =	smul.u32 @!p0 $0xF7A, s2;
	p2 =	seq.s32 @!p0 s5, $0x0  }
0x1f: {  	s9 =	smul.u32 $0xF7A, s1;
	s8 =	simm.s32 @!p0 $0x1BF5;
	p2 =	por !p2, p0  }
0x20: {  	[sflag:s8] =	ssyncset.s32 @!p0 $0xFFFFF086;
	s6 =	sadd.s32 @!p0 s3, s7;
	s7 =	simm.s32 @!p0 $0x108  }
0x21: {  	s3 =	sadd.s32 s3, s9;
	s6 =	sadd.s32 @!p0 $0x88, s6;
	s7 =	simm.s32 @p2 $0x1082  }
0x22: {  	[simem:s7], [sflag:s8] =	dma.local @!p0 [hbm:s6], $0xF7A  }
0x23: {  	s9 =	sor.u32 $0xD0000000, s2;
	s6 =	simm.s32 $0x108;
	_ =	swait.ge @!p0 [sflag:s8], $0x0  }
0x24: {  	s3 =	sadd.s32 $0x88, s3;
	s6 =	simm.s32 @!p1 $0x1082;
	[sflag:s4] =	ssyncset.s32 $0xFFFFF086  }
0x25: {  	[simem:s6], [sflag:s4] =	dma.local [hbm:s3], $0xF7A  }
0x26: {  	[smem:$0x3F9D] =	sst s1;
	(tag) =	ssettag s2;
	_ =	strace s9  }
0x27: {  	s1 =	sld [smem:$0x3FAD]  }
0x28: {  	s2 =	sld [smem:$0x3FAE]  }
0x29: {  	s4 =	sld [smem:$0x3FB0]  }
0x2a: {  	p0 =	seq.s32 s5, $0x0;
	s5 =	sld [smem:$0x3FB1]  }
0x2b: {  	s6 =	sld [smem:$0x3FB2]  }
0x2c: {  	s7 =	sld [smem:$0x3FB3]  }
0x2d: {  	s3 =	simm.s32 $0x108;
	s8 =	sld [smem:$0x3FB4]  }
0x2e: {  	s3 =	simm.s32 @!p0 $0x1082;
	s9 =	sld [smem:$0x3FB5]  }
0x2f: {  	lr =	sadd.s32 s0, s3;
	s0 =	sld [smem:$0x3FAC]  }
0x30: {  	s3 =	sld [smem:$0x3FAF]  }
0x31: {  	[smem:$0x3FB8] =	sst s10  }
0x32: {  	s10 =	sld [smem:$0x3FB6];
	_ =	sdelay $0x3  }
0x33: {  	p0 =	seq.s32 s10, $0x1;
	s10 =	sld [smem:$0x3FB8];
	_ =	sdelay $0x3  }
0x34: {  	[smem:$0x3FB8] =	sst s10  }
0x35: {  	s10 =	sld [smem:$0x3FB7];
	_ =	sdelay $0x3  }
0x36: {  	p1 =	seq.s32 s10, $0x1;
	s10 =	sld [smem:$0x3FB8];
	_ =	sdelay $0x3  }
0x37: {  	[smem:$0x3FB8] =	sst s10  }
0x38: {  	s10 =	sld [smem:$0x3FB9]  }
0x39: {  	_ = 	snop;
	(pc) =	sbr.ind lr, $3  }
0x3a: {  	_ = 	snop  }
0x3b: {  	_ = 	snop  }
0x3c: {  	p2 =	seq.s32 s10, $0x1;
	s10 =	sld [smem:$0x3FB8]  }
0x3d: {  	_ =	shalt  }
0x3e: {  	_ =	shalt  }
0x3f: {  	_ =	shalt  }
0x40: {  	_ =	shalt  }
0x41: {  	_ =	shalt  }
0x42: {  	_ =	shalt  }
0x43: {  	_ =	shalt  }
0x44: {  	_ =	shalt  }
0x45: {  	_ =	shalt  }
0x46: {  	_ =	shalt  }
0x47: {  	_ =	shalt  }
0x48: {  	_ =	shalt  }
0x49: {  	_ =	shalt  }
0x4a: {  	_ =	shalt  }
0x4b: {  	_ =	shalt  }
0x4c: {  	_ =	shalt  }
0x4d: {  	_ =	shalt  }
0x4e: {  	_ =	shalt  }
0x4f: {  	_ =	shalt  }
0x50: {  	_ =	shalt  }
0x51: {  	_ =	shalt  }
0x52: {  	_ =	shalt  }
0x53: {  	_ =	shalt  }
0x54: {  	_ =	shalt  }
0x55: {  	_ =	shalt  }
0x56: {  	_ =	shalt  }
0x57: {  	_ =	shalt  }
0x58: {  	_ =	shalt  }
0x59: {  	_ =	shalt  }
0x5a: {  	_ =	shalt  }
0x5b: {  	_ =	shalt  }
0x5c: {  	_ =	shalt  }
0x5d: {  	_ =	shalt  }
0x5e: {  	_ =	shalt  }
0x5f: {  	_ =	shalt  }
0x60: {  	_ =	shalt  }
0x61: {  	_ =	shalt  }
0x62: {  	_ =	shalt  }
0x63: {  	_ =	shalt  }
0x64: {  	_ =	shalt  }
0x65: {  	_ =	shalt  }
0x66: {  	_ =	shalt  }
0x67: {  	_ =	shalt  }
0x68: {  	_ =	shalt  }
0x69: {  	_ =	shalt  }
0x6a: {  	_ =	shalt  }
0x6b: {  	_ =	shalt  }
0x6c: {  	_ =	shalt  }
0x6d: {  	_ =	shalt  }
0x6e: {  	_ =	shalt  }
0x6f: {  	_ =	shalt  }
0x70: {  	_ =	shalt  }
0x71: {  	_ =	shalt  }
0x72: {  	_ =	shalt  }
0x73: {  	_ =	shalt  }
0x74: {  	_ =	shalt  }
0x75: {  	_ =	shalt  }
0x76: {  	_ =	shalt  }
0x77: {  	_ =	shalt  }
0x78: {  	_ =	shalt  }
0x79: {  	_ =	shalt  }
0x7a: {  	_ =	shalt  }
0x7b: {  	_ =	shalt  }
0x7c: {  	_ =	shalt  }
0x7d: {  	_ =	shalt  }
0x7e: {  	_ =	shalt  }
0x7f: {  	_ =	shalt  }
0x80: {  	_ =	shalt  }
0x81: {  	_ =	shalt  }
0x82: {  	_ =	shalt  }
0x83: {  	_ =	shalt  }
0x84: {  	_ =	shalt  }
0x85: {  	_ =	shalt  }
0x86: {  	_ =	shalt  }
0x87: {  	_ =	shalt  }
.Lfunc_end0:
.L_simem_size_0:
called_computation_lowered:
.L_overlay_start_0:
0x88: {  	s2 =	sld [smem:$0x3FD9]  }
0x89: {  	s3 =	sld [smem:$0x3FFE];
	_ =	sdelay $0x1  }
0x8a: {  	s1 =	srdreg.scid  }
0x8b: {  	s0 =	sand.u32 $0x1, s1  }
0x8c: {  	s18 =	sshll.u32 s0, $0xA;
	s2 =	sadd.s32 s3, s2  }
0x8d: {  	s2 =	sadd.s32 s2, s18  }
0x8e: {  	[smem:$0x3FC4] =	sst s2  }
0x8f: {  	_ = 	snop  }
0x90: {  	s2 =	sld [smem:$0x3FC9]  }
0x91: {  	s19 =	sld [smem:$0x3FC8]  }
0x92: {  	s4 =	sld [smem:$0x3FC7]  }
0x93: {  	s5 =	sld [smem:$0x3FC6]  }
0x94: {  	s6 =	sld [smem:$0x3FD0];
	(tm) =	ssettm $0x1  }
0x95: {  	s7 =	sld [smem:$0x3FFB];
	_ =	sdelay $0x3  }
0x96: {  	_ =	strace s7  }
0x97: {  	s7 =	sld [smem:$0x3FFC];
	_ =	sdelay $0x3  }
0x98: {  	_ =	strace s7  }
0x99: {  	s7 =	sld [smem:$0x3FFD];
	_ =	sdelay $0x3  }
0x9a: {  	_ =	strace s7  }
0x9b: {  	_ =	strace $0x8FFFFFFF  }
0x9c: {  	s20 =	sld [smem:$0x3FDB];
	_ =	sdelay $0x1  }
0x9d: {  	s8 =	simm.s32 $_scs_section_size  }
0x9e: {  	s9 =	simm.s32 $_size__tile_overlayer_lowered;
	s10 =	simm.s32 $_tile_overlayer_lowered  }
0x9f: {  	s23 =	simm.s32 $0x1BFF;
	s22 =	sshll.u32 s10, $0x1;
	s7 =	sadd.s32 s8, s20  }
0xa0: {  	s11 =	simm.s32 $0x0;
	s21 =	sshll.u32 s9, $0x1;
	s9 =	sadd.s32 s22, s7  }
0xa1: {  	[timem:s11], [sflag:s23] =	dma.local [hbm:s9], s21  }
0xa2: {  	_ =	swait.ge [sflag:s23], s21  }
0xa3: {  	s8 =	ssub.s32 $0x0, s21;
	[sflag:s23] =	ssyncset.done $0x0  }
0xa4: {  	[sflag:s23] =	ssyncadd.s32 s8;
	_ =	sdelay $0x1  }
0xa5: {  	s24 =	simm.s32 $0x1B8B  }
0xa6: {  	_ =	swait.ge [sflag:s24], $0x1  }
0xa7: {  	[sflag:s24] =	ssyncset.done $0x0  }
0xa8: {  	s25 =	simm.s32 $0x1B8E;
	[sflag:s24] =	ssyncadd.s32 $0xFFFFFFFF  }
0xa9: {  	s26 =	simm.s32 $execute0_lowered;
	[smem:$0x3FD2] =	sst s25  }
0xaa: {  	s8 =	sshll.u32 s26, $0x1;
	_ =	strace $0x80000046;
	[dreg:$0x1] =	wrdreg $0xFFFFFFFF  }
0xab: {  	s28 =	simm.s32 $_size_execute0_lowered;
	s7 =	sadd.s32 s7, s8;
	[dreg:$0x0] =	wrdreg $0x0  }
0xac: {  	s8 =	sshll.u32 s28, $0x1;
	[dreg:$0x2] =	wrdreg s7  }
0xad: {  	[dreg:$0x3] =	wrdreg s8  }
0xae: {  	[dreg:$0x4] =	wrdreg $0xC0  }
0xaf: {  	_ =	task [dreg:s11], $0x5FFFF  }
0xb0: {  	[dreg:$0x1] =	wrdreg $0xFFFFFFFF  }
0xb1: {  	[dreg:$0x0] =	wrdreg $0x60  }
0xb2: {  	[dreg:$0x2] =	wrdreg s2  }
0xb3: {  	[dreg:$0x3] =	wrdreg s19  }
0xb4: {  	[dreg:$0x4] =	wrdreg s4  }
0xb5: {  	[dreg:$0x5] =	wrdreg s5  }
0xb6: {  	[dreg:$0x6] =	wrdreg s6  }
0xb7: {  	[dreg:$0x7] =	wrdreg $0x9  }
0xb8: {  	_ =	task.clear_ibuf [dreg:s11], $0x8FFFF;
	_ =	strace $0x90000046  }
0xb9: {  	s29 =	simm.s32 $0x9;
	_ =	strace $0x80000048  }
0xba: {  	_ =	swait.ge [sflag:s29], $0x1  }
0xbb: {  	[sflag:s29] =	ssyncadd.s32 $0xFFFFFFFF  }
0xbc: {  	_ =	strace $0x90000048  }
0xbd: {  	_ =	sfence  }
0xbe: {  	s30 =	sld [smem:$0x0];
	_ =	sdelay $0x2  }
0xbf: {  	s31 =	sshll.u32 s1, $0xD;
	s1 =	sshrl.u32 s1, $0x2  }
0xc0: {  	s3 =	sand.u32 $0x4000, s31;
	s1 =	sadd.s32 s1, s30  }
0xc1: {  	s0 =	sor.u32 s3, s0;
	s1 =	sshll.u32 s1, $0x11  }
0xc2: {  	s0 =	sor.u32 s1, s0  }
0xc3: {  	s0 =	sadd.s32 $0x8F2B, s0  }
0xc4: {  	[sflag:s0] =	ssyncadd.remote.s32 $0x1  }
0xc5: {  	_ =	sfence.sel $0xFFFF  }
0xc6: {  	[dreg:$0x0] =	wrdreg $0xFFFFFFFF;
	(pc) =	sbr.abs _section_cstart, $3  }
0xc7: {  	[dreg:$0x1] =	wrdreg $0xFFFFFFFF  }
0xc8: {  	_ =	task.clear_ibuf [dreg:s11], $0x2FFFF;
	_ =	strace $0x9FFFFFFF  }
0xc9: {  	(tm) =	ssettm $0x7FFFFFFF  }
tec
execute0_lowered:
.L_overlay_start_1:
0x0: {  	(tag) =	ssettag $0x1  }
0x1: {  	s0 =	rddreg [dreg:$0x0]  }
0x2: {  	s3 =	rddreg [dreg:$0x1]  }
0x3: {  	s1 =	rddreg [dreg:$0x2]  }
0x4: {  	s2 =	rddreg [dreg:$0x3]  }
0x5: {  	s5 =	rddreg [dreg:$0x4];
	s4 =	simm.s32 $0x0;
	s6 =	srdreg.scid  }
0x6: {  	s8 =	stileid.u32;
	s17 =	simm.s32 $0x9;
	s18 =	simm.s32 $0x40  }
0x7: {  	s28 =	simm.s32 $0xC400;
	s30 =	simm.s32 $0x6400;
	s29 =	simm.s32 $0x2  }
0x8: {  	s31 =	simm.s32 $0x3;
	s16 =	simm.s32 $0x4;
	s19 =	simm.s32 $0x16400  }
0x9: {  	s20 =	simm.s32 $0x5;
	s21 =	simm.s32 $0x6;
	s6 =	sand.u32 $0x1, s6  }
0xa: {  	s8 =	sshll.u32 s8, $0xA;
	s7 =	ssub.s32 $0x2, s6;
	s6 =	sshll.u32 s6, $0x9  }
0xb: {  	[smem:$0x7FF] =	sst s4;
	s9 =	sshrl.u32 s7, $0x1;
	s6 =	sor.u32 s6, s8  }
0xc: {  	_ =	strace $0x80000047;
	s22 =	ssub.s32 s7, s9;
	s23 =	sshrl.u32 s6, $0x3  }
0xd: {  	s6 =	sshll.u32 s6, $0x4;
	s0 =	sadd.s32 s0, s23;
	s24 =	sadd.s32 s3, s23  }
0xe: {  	s7 =	sadd.s32 s5, s6;
	s15 =	smax.u32 s22, $0x1;
	s3 =	simm.s32 $0x1  }
0xf: {  	s22 =	simm.s32 $0x14400;
	s5 =	simm.s32 $0x7;
	[dreg:$0x6] =	wrdreg s0  }
0x10: {  	s23 =	simm.s32 $0x8;
	s6 =	simm.s32 $0x0;
	[dreg:$0x7] =	wrdreg s24  }
0x11: {  	s25 =	sadd.s32 $0x400, s7;
	s26 =	sadd.s32 $0x800, s7;
	s10 =	sadd.s32 $0xC00, s7  }
0x12: {  	s11 =	sadd.s32 $0x1000, s7;
	s12 =	sadd.s32 $0x1400, s7;
	s13 =	sadd.s32 $0x1800, s7  }
0x13: {  	s14 =	sadd.s32 $0x1C00, s7;
	s0 =	simm.s32 $0xE400;
	[dreg:$0x8] =	wrdreg s25  }
0x14: {  	s24 =	simm.s32 $0x12400;
	[dreg:$0x9] =	wrdreg s26;
	s26 =	simm.s32 $0x10400  }
.LBB2_1:
0x15: {  	s8 =	rddreg [dreg:$0x6]  }
0x16: {  	[tilespmem:s4], [sflag:$0x9] =	stream.linear.gather [hbm4b:s8+s4], $0x200, $0x38;
	[tilespmem:$0x18400] =	vst v63  }
0x17: {  	s25 =	rddreg [dreg:$0x7];
	s9 =	simm.s32 $0x200  }
0x18: {  	[tilespmem:s9], [sflag:$0x9] =	stream.linear.gather [hbm4b:s25+s4], $0x200, $0x38;
	[tilespmem:$0x18400] =	vst v63  }
0x19: {  	_ =	swait.ge [sflag:s17], $0x200  }
0x1a: {  	[sflag:s17] =	ssyncset.done $0x0  }
0x1b: {  	[sflag:s17] =	ssyncadd.s32 $0xFFFFFE00  }
0x1c: {  	_ =	swait.ge [sflag:s17], $0x200  }
0x1d: {  	[sflag:s17] =	ssyncset.done $0x0  }
0x1e: {  	s25 =	simm.s32 $0x400;
	[sflag:s17] =	ssyncadd.s32 $0xFFFFFE00  }
0x1f: {  	[tilespmem:s25], [sflag:$0x1] =	stream.indirect.gather [hbm4b:s1+s18], $0x80, s4, s18, $0xb8;
	[tilespmem:$0x18400] =	vst v63  }
0x20: {  	s25 =	simm.s32 $0x8400  }
0x21: {  	[tilespmem:s25], [sflag:$0x1] =	stream.indirect.gather [hbm4b:s2+s18], $0x80, s9, s18, $0xb8;
	[tilespmem:$0x18400] =	vst v63  }
0x22: {  	s25 =	simm.s32 $0x2400  }
0x23: {  	[tilespmem:s25], [sflag:$0x2] =	stream.indirect.gather [hbm4b:s1+s18], $0x80, s18, s18, $0xb8;
	[tilespmem:$0x18400] =	vst v63  }
0x24: {  	s9 =	simm.s32 $0x240;
	s25 =	simm.s32 $0xA400  }
0x25: {  	[tilespmem:s25], [sflag:$0x2] =	stream.indirect.gather [hbm4b:s2+s18], $0x80, s9, s18, $0xb8;
	[tilespmem:$0x18400] =	vst v63  }
0x26: {  	s9 =	simm.s32 $0x80;
	s25 =	simm.s32 $0x4400  }
0x27: {  	[tilespmem:s25], [sflag:$0x3] =	stream.indirect.gather [hbm4b:s1+s18], $0x80, s9, s18, $0xb8;
	[tilespmem:$0x18400] =	vst v63  }
0x28: {  	s25 =	simm.s32 $0x280  }
0x29: {  	[tilespmem:s28], [sflag:$0x3] =	stream.indirect.gather [hbm4b:s2+s18], $0x80, s25, s18, $0xb8;
	[tilespmem:$0x18400] =	vst v63  }
0x2a: {  	s9 =	simm.s32 $0xC0  }
0x2b: {  	[tilespmem:s30], [sflag:$0x4] =	stream.indirect.gather [hbm4b:s1+s18], $0x80, s9, s18, $0xb8;
	[tilespmem:$0x18400] =	vst v63  }
0x2c: {  	s25 =	simm.s32 $0x2C0  }
0x2d: {  	[tilespmem:s0], [sflag:$0x4] =	stream.indirect.gather [hbm4b:s2+s18], $0x80, s25, s18, $0xb8;
	[tilespmem:$0x18400] =	vst v63  }
0x2e: {  	_ =	swait.ge [sflag:s3], $0x2000  }
0x2f: {  	[sflag:s3] =	ssyncset.done $0x0  }
0x30: {  	[sflag:s3] =	ssyncadd.s32 $0xFFFFE000  }
0x31: {  	_ =	swait.ge [sflag:s3], $0x2000  }
0x32: {  	[sflag:s3] =	ssyncset.done $0x0  }
0x33: {  	s25 =	simm.s32 $0x0;
	[sflag:s3] =	ssyncadd.s32 $0xFFFFE000  }
0x34: {  	v0 =	vld [tilespmem:s25+$0x470]  }
0x35: {  	v1 =	vld [tilespmem:s25+$0x8470]  }
0x36: {  	v2 =	vld [tilespmem:s25+$0x400]  }
0x37: {  	v3 =	vld [tilespmem:s25+$0x8400]  }
0x38: {  	v4 =	vld [tilespmem:s25+$0x410]  }
0x39: {  	v5 =	vld [tilespmem:s25+$0x8410]  }
0x3a: {  	v6 =	vld [tilespmem:s25+$0x420]  }
0x3b: {  	v7 =	vld [tilespmem:s25+$0x430]  }
0x3c: {  	v0 =	vmul.f32 v1, v0;
	v1 =	vld [tilespmem:s25+$0x8420]  }
0x3d: {  	v2 =	vmul.f32 v3, v2;
	v3 =	vld [tilespmem:s25+$0x8430]  }
0x3e: {  	v8 =	vld [tilespmem:s25+$0x8440]  }
0x3f: {  	[tilespmem:s25+$0x10470] =	vst v0;
	v0 =	vmul.f32 v5, v4;
	v4 =	vld [tilespmem:s25+$0x440]  }
0x40: {  	[tilespmem:s25+$0x10400] =	vst v2;
	v2 =	vld [tilespmem:s25+$0x8450]  }
0x41: {  	[tilespmem:s25+$0x10410] =	vst v0;
	v0 =	vld [tilespmem:s25+$0x450];
	v1 =	vmul.f32 v1, v6  }
0x42: {  	v6 =	vmul.f32 v3, v7;
	v3 =	vld [tilespmem:s25+$0x8460]  }
0x43: {  	s8 =	simm.s32 $0x80;
	[tilespmem:s25+$0x10420] =	vst v1;
	v1 =	vld [tilespmem:s25+$0x460]  }
0x44: {  	s9 =	simm.s32 $0x400;
	v5 =	vld [tilespmem:s8+$0x470];
	[tilespmem:s25+$0x10430] =	vst v6;
	v4 =	vmul.f32 v8, v4  }
.LBB2_2:
0x45: {  	p0 =	sne.s32 s9, $0x7E00;
	v6 =	vld [tilespmem:s8+$0x8470]  }
0x46: {  	v7 =	vld [tilespmem:s8+$0x400];
	[tilespmem:s25+$0x10440] =	vst v4;
	v0 =	vmul.f32 v2, v0  }
0x47: {  	v2 =	vld [tilespmem:s8+$0x8400]  }
0x48: {  	v4 =	vld [tilespmem:s8+$0x410];
	[tilespmem:s25+$0x10450] =	vst v0;
	v0 =	vmul.f32 v3, v1  }
0x49: {  	v1 =	vld [tilespmem:s8+$0x8410]  }
0x4a: {  	v3 =	vld [tilespmem:s8+$0x420];
	v5 =	vmul.f32 v6, v5;
	[tilespmem:s25+$0x10460] =	vst v0;
	s25 =	smov.u32 s8  }
0x4b: {  	v0 =	vld [tilespmem:s25+$0x8420]  }
0x4c: {  	v2 =	vmul.f32 v2, v7;
	v6 =	vld [tilespmem:s25+$0x430];
	[tilespmem:s25+$0x10470] =	vst v5  }
0x4d: {  	v5 =	vld [tilespmem:s25+$0x8430]  }
0x4e: {  	[tilespmem:s25+$0x10400] =	vst v2;
	v1 =	vmul.f32 v1, v4;
	v4 =	vld [tilespmem:s25+$0x440]  }
0x4f: {  	v7 =	vld [tilespmem:s25+$0x8440]  }
.Ltmp0:
0x50: {  	[tilespmem:s25+$0x10410] =	vst v1;
	v1 =	vmul.f32 v0, v3;
	v0 =	vld [tilespmem:s25+$0x450];
	(pc) =	sbr.rel @p0 .LBB2_2-.Ltmp0, $4  }
0x51: {  	v2 =	vld [tilespmem:s25+$0x8450]  }
0x52: {  	[tilespmem:s25+$0x10420] =	vst v1;
	v6 =	vmul.f32 v5, v6;
	v1 =	vld [tilespmem:s25+$0x460]  }
0x53: {  	s8 =	sshra.s32 s9, $0x2;
	v3 =	vld [tilespmem:s25+$0x8460]  }
0x54: {  	s9 =	sadd.s32 $0x200, s9;
	v5 =	vld [tilespmem:s8+$0x470];
	[tilespmem:s25+$0x10430] =	vst v6;
	v4 =	vmul.f32 v7, v4  }
0x55: {  	v6 =	vld [tilespmem:s8+$0x8470]  }
0x56: {  	v7 =	vld [tilespmem:s8+$0x400]  }
0x57: {  	v8 =	vld [tilespmem:s8+$0x8400]  }
0x58: {  	v9 =	vld [tilespmem:s8+$0x410]  }
0x59: {  	v10 =	vld [tilespmem:s8+$0x8410]  }
0x5a: {  	v11 =	vld [tilespmem:s8+$0x420]  }
0x5b: {  	v12 =	vld [tilespmem:s8+$0x430]  }
0x5c: {  	v5 =	vmul.f32 v6, v5;
	v6 =	vld [tilespmem:s8+$0x8420]  }
0x5d: {  	v60 =	vld [tilespmem:s8+$0x440]  }
0x5e: {  	v61 =	vld [tilespmem:s8+$0x8440];
	v7 =	vmul.f32 v8, v7  }
0x5f: {  	v62 =	vld [tilespmem:s8+$0x8450];
	[tilespmem:s8+$0x10470] =	vst v5  }
0x60: {  	v5 =	vld [tilespmem:s8+$0x8430];
	[tilespmem:s8+$0x10400] =	vst v7;
	v7 =	vmul.f32 v10, v9  }
0x61: {  	v0 =	vmul.f32 v2, v0;
	v2 =	vld [tilespmem:s8+$0x8460];
	v6 =	vmul.f32 v6, v11  }
0x62: {  	[tilespmem:s8+$0x10410] =	vst v7;
	v7 =	vld [tilespmem:s8+$0x450]  }
0x63: {  	[tilespmem:s8+$0x10420] =	vst v6;
	v6 =	vld [tilespmem:s8+$0x460]  }
0x64: {  	[tilespmem:s25+$0x10440] =	vst v4;
	v1 =	vmul.f32 v3, v1  }
0x65: {  	[tilespmem:s25+$0x10450] =	vst v0;
	v0 =	vmul.f32 v5, v12  }
0x66: {  	[tilespmem:s25+$0x10460] =	vst v1;
	v1 =	vmul.f32 v61, v60  }
0x67: {  	[tilespmem:s8+$0x10430] =	vst v0;
	v0 =	vmul.f32 v62, v7  }
0x68: {  	[tilespmem:s8+$0x10440] =	vst v1;
	v1 =	vmul.f32 v2, v6  }
0x69: {  	[tilespmem:s8+$0x10450] =	vst v0  }
0x6a: {  	s9 =	simm.s32 $0x100;
	s25 =	simm.s32 $0x400;
	[tilespmem:s8+$0x10460] =	vst v1  }
0x6b: {  	[tilespmem:s25], [sflag:$0x1] =	stream.indirect.gather [hbm4b:s1+s18], $0x80, s9, s18, $0xb8;
	[tilespmem:$0x18400] =	vst v63  }
0x6c: {  	s9 =	simm.s32 $0x8400;
	s25 =	simm.s32 $0x300  }
0x6d: {  	[tilespmem:s9], [sflag:$0x1] =	stream.indirect.gather [hbm4b:s2+s18], $0x80, s25, s18, $0xb8;
	[tilespmem:$0x18400] =	vst v63  }
0x6e: {  	s25 =	simm.s32 $0x0  }
0x6f: {  	[hbm4b:s7+s25] =	stream.linear.scatter [tilespmem:s26], [sflag:$0x5], $0x2000, $0x38;
	[tilespmem:$0x18400] =	vst v63  }
0x70: {  	_ =	swait.ge [sflag:s29], $0x2000  }
0x71: {  	[sflag:s29] =	ssyncset.done $0x0  }
0x72: {  	[sflag:s29] =	ssyncadd.s32 $0xFFFFE000  }
0x73: {  	_ =	swait.ge [sflag:s29], $0x2000  }
0x74: {  	[sflag:s29] =	ssyncset.done $0x0  }
0x75: {  	s25 =	simm.s32 $0x0;
	[sflag:s29] =	ssyncadd.s32 $0xFFFFE000  }
0x76: {  	v0 =	vld [tilespmem:s25+$0x2470]  }
0x77: {  	v1 =	vld [tilespmem:s25+$0xA470]  }
0x78: {  	v2 =	vld [tilespmem:s25+$0x2400]  }
0x79: {  	v3 =	vld [tilespmem:s25+$0xA400]  }
0x7a: {  	v4 =	vld [tilespmem:s25+$0x2410]  }
0x7b: {  	v5 =	vld [tilespmem:s25+$0xA410]  }
0x7c: {  	v6 =	vld [tilespmem:s25+$0x2420]  }
0x7d: {  	v7 =	vld [tilespmem:s25+$0x2430]  }
0x7e: {  	v0 =	vmul.f32 v1, v0;
	v1 =	vld [tilespmem:s25+$0xA420]  }
0x7f: {  	v2 =	vmul.f32 v3, v2;
	v3 =	vld [tilespmem:s25+$0xA430]  }
0x80: {  	v63 =	vld [tilespmem:s25+$0xA440]  }
0x81: {  	[tilespmem:s25+$0x12470] =	vst v0;
	v0 =	vmul.f32 v5, v4;
	v4 =	vld [tilespmem:s25+$0x2440]  }
0x82: {  	[tilespmem:s25+$0x12400] =	vst v2;
	v2 =	vld [tilespmem:s25+$0xA450]  }
0x83: {  	[tilespmem:s25+$0x12410] =	vst v0;
	v0 =	vld [tilespmem:s25+$0x2450];
	v1 =	vmul.f32 v1, v6  }
0x84: {  	v6 =	vmul.f32 v3, v7;
	v3 =	vld [tilespmem:s25+$0xA460]  }
0x85: {  	s8 =	simm.s32 $0x80;
	[tilespmem:s25+$0x12420] =	vst v1;
	v1 =	vld [tilespmem:s25+$0x2460]  }
0x86: {  	s9 =	simm.s32 $0x400;
	v5 =	vld [tilespmem:s8+$0x2470];
	[tilespmem:s25+$0x12430] =	vst v6;
	v4 =	vmul.f32 v63, v4  }
.LBB2_4:
0x87: {  	p0 =	sne.s32 s9, $0x7E00;
	v6 =	vld [tilespmem:s8+$0xA470]  }
0x88: {  	v7 =	vld [tilespmem:s8+$0x2400];
	[tilespmem:s25+$0x12440] =	vst v4;
	v0 =	vmul.f32 v2, v0  }
0x89: {  	v2 =	vld [tilespmem:s8+$0xA400]  }
0x8a: {  	v4 =	vld [tilespmem:s8+$0x2410];
	[tilespmem:s25+$0x12450] =	vst v0;
	v0 =	vmul.f32 v3, v1  }
0x8b: {  	v1 =	vld [tilespmem:s8+$0xA410]  }
0x8c: {  	v3 =	vld [tilespmem:s8+$0x2420];
	v5 =	vmul.f32 v6, v5;
	[tilespmem:s25+$0x12460] =	vst v0;
	s25 =	smov.u32 s8  }
0x8d: {  	v0 =	vld [tilespmem:s25+$0xA420]  }
0x8e: {  	v2 =	vmul.f32 v2, v7;
	v6 =	vld [tilespmem:s25+$0x2430];
	[tilespmem:s25+$0x12470] =	vst v5  }
0x8f: {  	v5 =	vld [tilespmem:s25+$0xA430]  }
0x90: {  	[tilespmem:s25+$0x12400] =	vst v2;
	v1 =	vmul.f32 v1, v4;
	v4 =	vld [tilespmem:s25+$0x2440]  }
0x91: {  	v7 =	vld [tilespmem:s25+$0xA440]  }
.Ltmp1:
0x92: {  	[tilespmem:s25+$0x12410] =	vst v1;
	v1 =	vmul.f32 v0, v3;
	v0 =	vld [tilespmem:s25+$0x2450];
	(pc) =	sbr.rel @p0 .LBB2_4-.Ltmp1, $4  }
0x93: {  	v2 =	vld [tilespmem:s25+$0xA450]  }
0x94: {  	[tilespmem:s25+$0x12420] =	vst v1;
	v6 =	vmul.f32 v5, v6;
	v1 =	vld [tilespmem:s25+$0x2460]  }
0x95: {  	s8 =	sshra.s32 s9, $0x2;
	v3 =	vld [tilespmem:s25+$0xA460]  }
0x96: {  	s9 =	sadd.s32 $0x200, s9;
	v5 =	vld [tilespmem:s8+$0x2470];
	[tilespmem:s25+$0x12430] =	vst v6;
	v4 =	vmul.f32 v7, v4  }
0x97: {  	v6 =	vld [tilespmem:s8+$0xA470]  }
0x98: {  	v7 =	vld [tilespmem:s8+$0x2400]  }
0x99: {  	v8 =	vld [tilespmem:s8+$0xA400]  }
0x9a: {  	v9 =	vld [tilespmem:s8+$0x2410]  }
0x9b: {  	v10 =	vld [tilespmem:s8+$0xA410]  }
0x9c: {  	v11 =	vld [tilespmem:s8+$0x2420]  }
0x9d: {  	v12 =	vld [tilespmem:s8+$0x2430]  }
0x9e: {  	v5 =	vmul.f32 v6, v5;
	v6 =	vld [tilespmem:s8+$0xA420]  }
0x9f: {  	v60 =	vld [tilespmem:s8+$0x2440]  }
0xa0: {  	v61 =	vld [tilespmem:s8+$0xA440];
	v7 =	vmul.f32 v8, v7  }
0xa1: {  	v62 =	vld [tilespmem:s8+$0xA450];
	[tilespmem:s8+$0x12470] =	vst v5  }
0xa2: {  	v5 =	vld [tilespmem:s8+$0xA430];
	[tilespmem:s8+$0x12400] =	vst v7;
	v7 =	vmul.f32 v10, v9  }
0xa3: {  	v0 =	vmul.f32 v2, v0;
	v2 =	vld [tilespmem:s8+$0xA460];
	v6 =	vmul.f32 v6, v11  }
0xa4: {  	[tilespmem:s8+$0x12410] =	vst v7;
	v7 =	vld [tilespmem:s8+$0x2450]  }
0xa5: {  	[tilespmem:s8+$0x12420] =	vst v6;
	v6 =	vld [tilespmem:s8+$0x2460]  }
0xa6: {  	[tilespmem:s25+$0x12440] =	vst v4;
	v1 =	vmul.f32 v3, v1  }
0xa7: {  	[tilespmem:s25+$0x12450] =	vst v0;
	v0 =	vmul.f32 v5, v12  }
0xa8: {  	[tilespmem:s25+$0x12460] =	vst v1;
	v1 =	vmul.f32 v61, v60  }
0xa9: {  	[tilespmem:s8+$0x12430] =	vst v0;
	v0 =	vmul.f32 v62, v7  }
0xaa: {  	[tilespmem:s8+$0x12440] =	vst v1;
	v1 =	vmul.f32 v2, v6  }
0xab: {  	[tilespmem:s8+$0x12450] =	vst v0  }
0xac: {  	s9 =	simm.s32 $0x140;
	s25 =	simm.s32 $0x2400;
	[tilespmem:s8+$0x12460] =	vst v1  }
0xad: {  	[tilespmem:s25], [sflag:$0x2] =	stream.indirect.gather [hbm4b:s1+s18], $0x80, s9, s18, $0xb8;
	[tilespmem:$0x18400] =	vst v63  }
0xae: {  	s9 =	simm.s32 $0xA400;
	s25 =	simm.s32 $0x340  }
0xaf: {  	[tilespmem:s9], [sflag:$0x2] =	stream.indirect.gather [hbm4b:s2+s18], $0x80, s25, s18, $0xb8;
	[tilespmem:$0x18400] =	vst v63  }
0xb0: {  	s9 =	simm.s32 $0x0;
	s25 =	rddreg [dreg:$0x8]  }
0xb1: {  	[hbm4b:s25+s9] =	stream.linear.scatter [tilespmem:s24], [sflag:$0x6], $0x2000, $0x38;
	[tilespmem:$0x18400] =	vst v63  }
0xb2: {  	_ =	swait.ge [sflag:s31], $0x2000  }
0xb3: {  	[sflag:s31] =	ssyncset.done $0x0  }
0xb4: {  	[sflag:s31] =	ssyncadd.s32 $0xFFFFE000  }
0xb5: {  	_ =	swait.ge [sflag:s31], $0x2000  }
0xb6: {  	[sflag:s31] =	ssyncset.done $0x0  }
0xb7: {  	s25 =	simm.s32 $0x0;
	[sflag:s31] =	ssyncadd.s32 $0xFFFFE000  }
0xb8: {  	v0 =	vld [tilespmem:s25+$0x4470]  }
0xb9: {  	v1 =	vld [tilespmem:s25+$0xC470]  }
0xba: {  	v2 =	vld [tilespmem:s25+$0x4400]  }
0xbb: {  	v3 =	vld [tilespmem:s25+$0xC400]  }
0xbc: {  	v4 =	vld [tilespmem:s25+$0x4410]  }
0xbd: {  	v5 =	vld [tilespmem:s25+$0xC410]  }
0xbe: {  	v6 =	vld [tilespmem:s25+$0x4420]  }
0xbf: {  	v7 =	vld [tilespmem:s25+$0x4430]  }
0xc0: {  	v0 =	vmul.f32 v1, v0;
	v1 =	vld [tilespmem:s25+$0xC420]  }
0xc1: {  	v2 =	vmul.f32 v3, v2;
	v3 =	vld [tilespmem:s25+$0xC430]  }
0xc2: {  	v63 =	vld [tilespmem:s25+$0xC440]  }
0xc3: {  	[tilespmem:s25+$0x14470] =	vst v0;
	v0 =	vmul.f32 v5, v4;
	v4 =	vld [tilespmem:s25+$0x4440]  }
0xc4: {  	[tilespmem:s25+$0x14400] =	vst v2;
	v2 =	vld [tilespmem:s25+$0xC450]  }
0xc5: {  	[tilespmem:s25+$0x14410] =	vst v0;
	v0 =	vld [tilespmem:s25+$0x4450];
	v1 =	vmul.f32 v1, v6  }
0xc6: {  	v6 =	vmul.f32 v3, v7;
	v3 =	vld [tilespmem:s25+$0xC460]  }
0xc7: {  	s8 =	simm.s32 $0x80;
	[tilespmem:s25+$0x14420] =	vst v1;
	v1 =	vld [tilespmem:s25+$0x4460]  }
0xc8: {  	s9 =	simm.s32 $0x400;
	v5 =	vld [tilespmem:s8+$0x4470];
	[tilespmem:s25+$0x14430] =	vst v6;
	v4 =	vmul.f32 v63, v4  }
.LBB2_6:
0xc9: {  	p0 =	sne.s32 s9, $0x7E00;
	v6 =	vld [tilespmem:s8+$0xC470]  }
0xca: {  	v7 =	vld [tilespmem:s8+$0x4400];
	[tilespmem:s25+$0x14440] =	vst v4;
	v0 =	vmul.f32 v2, v0  }
0xcb: {  	v2 =	vld [tilespmem:s8+$0xC400]  }
0xcc: {  	v4 =	vld [tilespmem:s8+$0x4410];
	[tilespmem:s25+$0x14450] =	vst v0;
	v0 =	vmul.f32 v3, v1  }
0xcd: {  	v1 =	vld [tilespmem:s8+$0xC410]  }
0xce: {  	v3 =	vld [tilespmem:s8+$0x4420];
	v5 =	vmul.f32 v6, v5;
	[tilespmem:s25+$0x14460] =	vst v0;
	s25 =	smov.u32 s8  }
0xcf: {  	v0 =	vld [tilespmem:s25+$0xC420]  }
0xd0: {  	v2 =	vmul.f32 v2, v7;
	v6 =	vld [tilespmem:s25+$0x4430];
	[tilespmem:s25+$0x14470] =	vst v5  }
0xd1: {  	v5 =	vld [tilespmem:s25+$0xC430]  }
0xd2: {  	[tilespmem:s25+$0x14400] =	vst v2;
	v1 =	vmul.f32 v1, v4;
	v4 =	vld [tilespmem:s25+$0x4440]  }
0xd3: {  	v7 =	vld [tilespmem:s25+$0xC440]  }
.Ltmp2:
0xd4: {  	[tilespmem:s25+$0x14410] =	vst v1;
	v1 =	vmul.f32 v0, v3;
	v0 =	vld [tilespmem:s25+$0x4450];
	(pc) =	sbr.rel @p0 .LBB2_6-.Ltmp2, $4  }
0xd5: {  	v2 =	vld [tilespmem:s25+$0xC450]  }
0xd6: {  	[tilespmem:s25+$0x14420] =	vst v1;
	v6 =	vmul.f32 v5, v6;
	v1 =	vld [tilespmem:s25+$0x4460]  }
0xd7: {  	s8 =	sshra.s32 s9, $0x2;
	v3 =	vld [tilespmem:s25+$0xC460]  }
0xd8: {  	s9 =	sadd.s32 $0x200, s9;
	v5 =	vld [tilespmem:s8+$0x4470];
	[tilespmem:s25+$0x14430] =	vst v6;
	v4 =	vmul.f32 v7, v4  }
0xd9: {  	v6 =	vld [tilespmem:s8+$0xC470]  }
0xda: {  	v7 =	vld [tilespmem:s8+$0x4400]  }
0xdb: {  	v8 =	vld [tilespmem:s8+$0xC400]  }
0xdc: {  	v9 =	vld [tilespmem:s8+$0x4410]  }
0xdd: {  	v10 =	vld [tilespmem:s8+$0xC410]  }
0xde: {  	v11 =	vld [tilespmem:s8+$0x4420]  }
0xdf: {  	v12 =	vld [tilespmem:s8+$0x4430]  }
0xe0: {  	v5 =	vmul.f32 v6, v5;
	v6 =	vld [tilespmem:s8+$0xC420]  }
0xe1: {  	v60 =	vld [tilespmem:s8+$0x4440]  }
0xe2: {  	v61 =	vld [tilespmem:s8+$0xC440];
	v7 =	vmul.f32 v8, v7  }
0xe3: {  	v62 =	vld [tilespmem:s8+$0xC450];
	[tilespmem:s8+$0x14470] =	vst v5  }
0xe4: {  	v5 =	vld [tilespmem:s8+$0xC430];
	[tilespmem:s8+$0x14400] =	vst v7;
	v7 =	vmul.f32 v10, v9  }
0xe5: {  	v0 =	vmul.f32 v2, v0;
	v2 =	vld [tilespmem:s8+$0xC460];
	v6 =	vmul.f32 v6, v11  }
0xe6: {  	[tilespmem:s8+$0x14410] =	vst v7;
	v7 =	vld [tilespmem:s8+$0x4450]  }
0xe7: {  	[tilespmem:s8+$0x14420] =	vst v6;
	v6 =	vld [tilespmem:s8+$0x4460]  }
0xe8: {  	[tilespmem:s25+$0x14440] =	vst v4;
	v1 =	vmul.f32 v3, v1  }
0xe9: {  	[tilespmem:s25+$0x14450] =	vst v0;
	v0 =	vmul.f32 v5, v12  }
0xea: {  	[tilespmem:s25+$0x14460] =	vst v1;
	v1 =	vmul.f32 v61, v60  }
0xeb: {  	[tilespmem:s8+$0x14430] =	vst v0;
	v0 =	vmul.f32 v62, v7  }
0xec: {  	[tilespmem:s8+$0x14440] =	vst v1;
	v1 =	vmul.f32 v2, v6  }
0xed: {  	[tilespmem:s8+$0x14450] =	vst v0  }
0xee: {  	s9 =	simm.s32 $0x180;
	s25 =	simm.s32 $0x4400;
	[tilespmem:s8+$0x14460] =	vst v1  }
0xef: {  	[tilespmem:s25], [sflag:$0x3] =	stream.indirect.gather [hbm4b:s1+s18], $0x80, s9, s18, $0xb8;
	[tilespmem:$0x18400] =	vst v63  }
0xf0: {  	s25 =	simm.s32 $0x380  }
0xf1: {  	[tilespmem:s28], [sflag:$0x3] =	stream.indirect.gather [hbm4b:s2+s18], $0x80, s25, s18, $0xb8;
	[tilespmem:$0x18400] =	vst v63  }
0xf2: {  	s9 =	simm.s32 $0x0;
	s25 =	rddreg [dreg:$0x9]  }
0xf3: {  	[hbm4b:s25+s9] =	stream.linear.scatter [tilespmem:s22], [sflag:$0x7], $0x2000, $0x38;
	[tilespmem:$0x18400] =	vst v63  }
0xf4: {  	_ =	swait.ge [sflag:s16], $0x2000  }
0xf5: {  	[sflag:s16] =	ssyncset.done $0x0  }
0xf6: {  	[sflag:s16] =	ssyncadd.s32 $0xFFFFE000  }
0xf7: {  	_ =	swait.ge [sflag:s16], $0x2000  }
0xf8: {  	[sflag:s16] =	ssyncset.done $0x0  }
0xf9: {  	s25 =	simm.s32 $0x0;
	[sflag:s16] =	ssyncadd.s32 $0xFFFFE000  }
0xfa: {  	v0 =	vld [tilespmem:s25+$0x6470]  }
0xfb: {  	v1 =	vld [tilespmem:s25+$0xE470]  }
0xfc: {  	v2 =	vld [tilespmem:s25+$0x6400]  }
0xfd: {  	v3 =	vld [tilespmem:s25+$0xE400]  }
0xfe: {  	v4 =	vld [tilespmem:s25+$0x6410]  }
0xff: {  	v5 =	vld [tilespmem:s25+$0xE410]  }
0x100: {  	v6 =	vld [tilespmem:s25+$0x6420]  }
0x101: {  	v7 =	vld [tilespmem:s25+$0x6430]  }
0x102: {  	v0 =	vmul.f32 v1, v0;
	v1 =	vld [tilespmem:s25+$0xE420]  }
0x103: {  	v2 =	vmul.f32 v3, v2;
	v3 =	vld [tilespmem:s25+$0xE430]  }
0x104: {  	v63 =	vld [tilespmem:s25+$0xE440]  }
0x105: {  	[tilespmem:s25+$0x16470] =	vst v0;
	v0 =	vmul.f32 v5, v4;
	v4 =	vld [tilespmem:s25+$0x6440]  }
0x106: {  	[tilespmem:s25+$0x16400] =	vst v2;
	v2 =	vld [tilespmem:s25+$0xE450]  }
0x107: {  	[tilespmem:s25+$0x16410] =	vst v0;
	v0 =	vld [tilespmem:s25+$0x6450];
	v1 =	vmul.f32 v1, v6  }
0x108: {  	v6 =	vmul.f32 v3, v7;
	v3 =	vld [tilespmem:s25+$0xE460]  }
0x109: {  	s8 =	simm.s32 $0x80;
	[tilespmem:s25+$0x16420] =	vst v1;
	v1 =	vld [tilespmem:s25+$0x6460]  }
0x10a: {  	s9 =	simm.s32 $0x400;
	v5 =	vld [tilespmem:s8+$0x6470];
	[tilespmem:s25+$0x16430] =	vst v6;
	v4 =	vmul.f32 v63, v4  }
.LBB2_8:
0x10b: {  	p0 =	sne.s32 s9, $0x7E00;
	v6 =	vld [tilespmem:s8+$0xE470]  }
0x10c: {  	v7 =	vld [tilespmem:s8+$0x6400];
	[tilespmem:s25+$0x16440] =	vst v4;
	v0 =	vmul.f32 v2, v0  }
0x10d: {  	v2 =	vld [tilespmem:s8+$0xE400]  }
0x10e: {  	v4 =	vld [tilespmem:s8+$0x6410];
	[tilespmem:s25+$0x16450] =	vst v0;
	v0 =	vmul.f32 v3, v1  }
0x10f: {  	v1 =	vld [tilespmem:s8+$0xE410]  }
0x110: {  	v3 =	vld [tilespmem:s8+$0x6420];
	v5 =	vmul.f32 v6, v5;
	[tilespmem:s25+$0x16460] =	vst v0;
	s25 =	smov.u32 s8  }
0x111: {  	v0 =	vld [tilespmem:s25+$0xE420]  }
0x112: {  	v2 =	vmul.f32 v2, v7;
	v6 =	vld [tilespmem:s25+$0x6430];
	[tilespmem:s25+$0x16470] =	vst v5  }
0x113: {  	v5 =	vld [tilespmem:s25+$0xE430]  }
0x114: {  	[tilespmem:s25+$0x16400] =	vst v2;
	v1 =	vmul.f32 v1, v4;
	v4 =	vld [tilespmem:s25+$0x6440]  }
0x115: {  	v7 =	vld [tilespmem:s25+$0xE440]  }
.Ltmp3:
0x116: {  	[tilespmem:s25+$0x16410] =	vst v1;
	v1 =	vmul.f32 v0, v3;
	v0 =	vld [tilespmem:s25+$0x6450];
	(pc) =	sbr.rel @p0 .LBB2_8-.Ltmp3, $4  }
0x117: {  	v2 =	vld [tilespmem:s25+$0xE450]  }
0x118: {  	[tilespmem:s25+$0x16420] =	vst v1;
	v6 =	vmul.f32 v5, v6;
	v1 =	vld [tilespmem:s25+$0x6460]  }
0x119: {  	s8 =	sshra.s32 s9, $0x2;
	v3 =	vld [tilespmem:s25+$0xE460]  }
0x11a: {  	s9 =	sadd.s32 $0x200, s9;
	v5 =	vld [tilespmem:s8+$0x6470];
	[tilespmem:s25+$0x16430] =	vst v6;
	v4 =	vmul.f32 v7, v4  }
0x11b: {  	v6 =	vld [tilespmem:s8+$0xE470]  }
0x11c: {  	v7 =	vld [tilespmem:s8+$0x6400]  }
0x11d: {  	v8 =	vld [tilespmem:s8+$0xE400]  }
0x11e: {  	v9 =	vld [tilespmem:s8+$0x6410]  }
0x11f: {  	v10 =	vld [tilespmem:s8+$0xE410]  }
0x120: {  	v11 =	vld [tilespmem:s8+$0x6420]  }
0x121: {  	v12 =	vld [tilespmem:s8+$0x6430]  }
0x122: {  	v5 =	vmul.f32 v6, v5;
	v6 =	vld [tilespmem:s8+$0xE420]  }
0x123: {  	v60 =	vld [tilespmem:s8+$0x6440]  }
0x124: {  	v61 =	vld [tilespmem:s8+$0xE440];
	v7 =	vmul.f32 v8, v7  }
0x125: {  	v62 =	vld [tilespmem:s8+$0xE450];
	[tilespmem:s8+$0x16470] =	vst v5  }
0x126: {  	v5 =	vld [tilespmem:s8+$0xE430];
	[tilespmem:s8+$0x16400] =	vst v7;
	v7 =	vmul.f32 v10, v9  }
0x127: {  	v0 =	vmul.f32 v2, v0;
	v2 =	vld [tilespmem:s8+$0xE460];
	v6 =	vmul.f32 v6, v11  }
0x128: {  	[tilespmem:s8+$0x16410] =	vst v7;
	v7 =	vld [tilespmem:s8+$0x6450]  }
0x129: {  	[tilespmem:s8+$0x16420] =	vst v6;
	v6 =	vld [tilespmem:s8+$0x6460]  }
0x12a: {  	[tilespmem:s25+$0x16440] =	vst v4;
	v1 =	vmul.f32 v3, v1  }
0x12b: {  	[tilespmem:s25+$0x16450] =	vst v0;
	v0 =	vmul.f32 v5, v12  }
0x12c: {  	[tilespmem:s25+$0x16460] =	vst v1;
	v1 =	vmul.f32 v61, v60  }
0x12d: {  	[tilespmem:s8+$0x16430] =	vst v0;
	v0 =	vmul.f32 v62, v7  }
0x12e: {  	[tilespmem:s8+$0x16440] =	vst v1;
	v1 =	vmul.f32 v2, v6  }
0x12f: {  	[tilespmem:s8+$0x16450] =	vst v0  }
0x130: {  	s25 =	simm.s32 $0x1C0;
	[tilespmem:s8+$0x16460] =	vst v1  }
0x131: {  	[tilespmem:s30], [sflag:$0x4] =	stream.indirect.gather [hbm4b:s1+s18], $0x80, s25, s18, $0xb8;
	[tilespmem:$0x18400] =	vst v63  }
0x132: {  	s9 =	simm.s32 $0x3C0  }
0x133: {  	[tilespmem:s0], [sflag:$0x4] =	stream.indirect.gather [hbm4b:s2+s18], $0x80, s9, s18, $0xb8;
	[tilespmem:$0x18400] =	vst v63  }
0x134: {  	s25 =	simm.s32 $0x0  }
0x135: {  	[hbm4b:s10+s25] =	stream.linear.scatter [tilespmem:s19], [sflag:$0x8], $0x2000, $0x38;
	[tilespmem:$0x18400] =	vst v63  }
0x136: {  	_ =	swait.ge [sflag:s3], $0x2000  }
0x137: {  	[sflag:s3] =	ssyncset.done $0x0  }
0x138: {  	[sflag:s3] =	ssyncadd.s32 $0xFFFFE000  }
0x139: {  	_ =	swait.ge [sflag:s3], $0x2000  }
0x13a: {  	[sflag:s3] =	ssyncset.done $0x0  }
0x13b: {  	[sflag:s3] =	ssyncadd.s32 $0xFFFFE000  }
0x13c: {  	_ =	swait.ge [sflag:s20], $0x2000  }
0x13d: {  	[sflag:s20] =	ssyncset.done $0x0  }
0x13e: {  	s25 =	simm.s32 $0x0;
	[sflag:s20] =	ssyncadd.s32 $0xFFFFE000  }
0x13f: {  	v0 =	vld [tilespmem:s25+$0x470]  }
0x140: {  	v1 =	vld [tilespmem:s25+$0x8470]  }
0x141: {  	v2 =	vld [tilespmem:s25+$0x400]  }
0x142: {  	v3 =	vld [tilespmem:s25+$0x8400]  }
0x143: {  	v4 =	vld [tilespmem:s25+$0x410]  }
0x144: {  	v5 =	vld [tilespmem:s25+$0x8410]  }
0x145: {  	v6 =	vld [tilespmem:s25+$0x420]  }
0x146: {  	v7 =	vld [tilespmem:s25+$0x430]  }
0x147: {  	v0 =	vmul.f32 v1, v0;
	v1 =	vld [tilespmem:s25+$0x8420]  }
0x148: {  	v2 =	vmul.f32 v3, v2;
	v3 =	vld [tilespmem:s25+$0x8430]  }
0x149: {  	v63 =	vld [tilespmem:s25+$0x8440]  }
0x14a: {  	[tilespmem:s25+$0x10470] =	vst v0;
	v0 =	vmul.f32 v5, v4;
	v4 =	vld [tilespmem:s25+$0x440]  }
0x14b: {  	[tilespmem:s25+$0x10400] =	vst v2;
	v2 =	vld [tilespmem:s25+$0x8450]  }
0x14c: {  	[tilespmem:s25+$0x10410] =	vst v0;
	v0 =	vld [tilespmem:s25+$0x450];
	v1 =	vmul.f32 v1, v6  }
0x14d: {  	v6 =	vmul.f32 v3, v7;
	v3 =	vld [tilespmem:s25+$0x8460]  }
0x14e: {  	s8 =	simm.s32 $0x80;
	[tilespmem:s25+$0x10420] =	vst v1;
	v1 =	vld [tilespmem:s25+$0x460]  }
0x14f: {  	s9 =	simm.s32 $0x400;
	v5 =	vld [tilespmem:s8+$0x470];
	[tilespmem:s25+$0x10430] =	vst v6;
	v4 =	vmul.f32 v63, v4  }
.LBB2_10:
0x150: {  	p0 =	sne.s32 s9, $0x7E00;
	v6 =	vld [tilespmem:s8+$0x8470]  }
0x151: {  	v7 =	vld [tilespmem:s8+$0x400];
	[tilespmem:s25+$0x10440] =	vst v4;
	v0 =	vmul.f32 v2, v0  }
0x152: {  	v2 =	vld [tilespmem:s8+$0x8400]  }
0x153: {  	v4 =	vld [tilespmem:s8+$0x410];
	[tilespmem:s25+$0x10450] =	vst v0;
	v0 =	vmul.f32 v3, v1  }
0x154: {  	v1 =	vld [tilespmem:s8+$0x8410]  }
0x155: {  	v3 =	vld [tilespmem:s8+$0x420];
	v5 =	vmul.f32 v6, v5;
	[tilespmem:s25+$0x10460] =	vst v0;
	s25 =	smov.u32 s8  }
0x156: {  	v0 =	vld [tilespmem:s25+$0x8420]  }
0x157: {  	v2 =	vmul.f32 v2, v7;
	v6 =	vld [tilespmem:s25+$0x430];
	[tilespmem:s25+$0x10470] =	vst v5  }
0x158: {  	v5 =	vld [tilespmem:s25+$0x8430]  }
0x159: {  	[tilespmem:s25+$0x10400] =	vst v2;
	v1 =	vmul.f32 v1, v4;
	v4 =	vld [tilespmem:s25+$0x440]  }
0x15a: {  	v7 =	vld [tilespmem:s25+$0x8440]  }
.Ltmp4:
0x15b: {  	[tilespmem:s25+$0x10410] =	vst v1;
	v1 =	vmul.f32 v0, v3;
	v0 =	vld [tilespmem:s25+$0x450];
	(pc) =	sbr.rel @p0 .LBB2_10-.Ltmp4, $4  }
0x15c: {  	v2 =	vld [tilespmem:s25+$0x8450]  }
0x15d: {  	[tilespmem:s25+$0x10420] =	vst v1;
	v6 =	vmul.f32 v5, v6;
	v1 =	vld [tilespmem:s25+$0x460]  }
0x15e: {  	s8 =	sshra.s32 s9, $0x2;
	v3 =	vld [tilespmem:s25+$0x8460]  }
0x15f: {  	s9 =	sadd.s32 $0x200, s9;
	v5 =	vld [tilespmem:s8+$0x470];
	[tilespmem:s25+$0x10430] =	vst v6;
	v4 =	vmul.f32 v7, v4  }
0x160: {  	v6 =	vld [tilespmem:s8+$0x8470]  }
0x161: {  	v7 =	vld [tilespmem:s8+$0x400]  }
0x162: {  	v8 =	vld [tilespmem:s8+$0x8400]  }
0x163: {  	v9 =	vld [tilespmem:s8+$0x410]  }
0x164: {  	v10 =	vld [tilespmem:s8+$0x8410]  }
0x165: {  	v11 =	vld [tilespmem:s8+$0x420]  }
0x166: {  	v12 =	vld [tilespmem:s8+$0x430]  }
0x167: {  	v5 =	vmul.f32 v6, v5;
	v6 =	vld [tilespmem:s8+$0x8420]  }
0x168: {  	v60 =	vld [tilespmem:s8+$0x440]  }
0x169: {  	v61 =	vld [tilespmem:s8+$0x8440];
	v7 =	vmul.f32 v8, v7  }
0x16a: {  	v62 =	vld [tilespmem:s8+$0x8450];
	[tilespmem:s8+$0x10470] =	vst v5  }
0x16b: {  	v5 =	vld [tilespmem:s8+$0x8430];
	[tilespmem:s8+$0x10400] =	vst v7;
	v7 =	vmul.f32 v10, v9  }
0x16c: {  	v0 =	vmul.f32 v2, v0;
	v2 =	vld [tilespmem:s8+$0x8460];
	v6 =	vmul.f32 v6, v11  }
0x16d: {  	[tilespmem:s8+$0x10410] =	vst v7;
	v7 =	vld [tilespmem:s8+$0x450]  }
0x16e: {  	[tilespmem:s8+$0x10420] =	vst v6;
	v6 =	vld [tilespmem:s8+$0x460]  }
0x16f: {  	[tilespmem:s25+$0x10440] =	vst v4;
	v1 =	vmul.f32 v3, v1  }
0x170: {  	[tilespmem:s25+$0x10450] =	vst v0;
	v0 =	vmul.f32 v5, v12  }
0x171: {  	[tilespmem:s25+$0x10460] =	vst v1;
	v1 =	vmul.f32 v61, v60  }
0x172: {  	[tilespmem:s8+$0x10430] =	vst v0;
	v0 =	vmul.f32 v62, v7  }
0x173: {  	[tilespmem:s8+$0x10440] =	vst v1;
	v1 =	vmul.f32 v2, v6  }
0x174: {  	[tilespmem:s8+$0x10450] =	vst v0  }
0x175: {  	s25 =	simm.s32 $0x0;
	[tilespmem:s8+$0x10460] =	vst v1  }
0x176: {  	[hbm4b:s11+s25] =	stream.linear.scatter [tilespmem:s26], [sflag:$0x5], $0x2000, $0x38;
	[tilespmem:$0x18400] =	vst v63  }
0x177: {  	_ =	swait.ge [sflag:s29], $0x2000  }
0x178: {  	[sflag:s29] =	ssyncset.done $0x0  }
0x179: {  	[sflag:s29] =	ssyncadd.s32 $0xFFFFE000  }
0x17a: {  	_ =	swait.ge [sflag:s29], $0x2000  }
0x17b: {  	[sflag:s29] =	ssyncset.done $0x0  }
0x17c: {  	[sflag:s29] =	ssyncadd.s32 $0xFFFFE000  }
0x17d: {  	_ =	swait.ge [sflag:s21], $0x2000  }
0x17e: {  	[sflag:s21] =	ssyncset.done $0x0  }
0x17f: {  	s25 =	simm.s32 $0x0;
	[sflag:s21] =	ssyncadd.s32 $0xFFFFE000  }
0x180: {  	v0 =	vld [tilespmem:s25+$0x2470]  }
0x181: {  	v1 =	vld [tilespmem:s25+$0xA470]  }
0x182: {  	v2 =	vld [tilespmem:s25+$0x2400]  }
0x183: {  	v3 =	vld [tilespmem:s25+$0xA400]  }
0x184: {  	v4 =	vld [tilespmem:s25+$0x2410]  }
0x185: {  	v5 =	vld [tilespmem:s25+$0xA410]  }
0x186: {  	v6 =	vld [tilespmem:s25+$0x2420]  }
0x187: {  	v7 =	vld [tilespmem:s25+$0x2430]  }
0x188: {  	v0 =	vmul.f32 v1, v0;
	v1 =	vld [tilespmem:s25+$0xA420]  }
0x189: {  	v2 =	vmul.f32 v3, v2;
	v3 =	vld [tilespmem:s25+$0xA430]  }
0x18a: {  	v63 =	vld [tilespmem:s25+$0xA440]  }
0x18b: {  	[tilespmem:s25+$0x12470] =	vst v0;
	v0 =	vmul.f32 v5, v4;
	v4 =	vld [tilespmem:s25+$0x2440]  }
0x18c: {  	[tilespmem:s25+$0x12400] =	vst v2;
	v2 =	vld [tilespmem:s25+$0xA450]  }
0x18d: {  	[tilespmem:s25+$0x12410] =	vst v0;
	v0 =	vld [tilespmem:s25+$0x2450];
	v1 =	vmul.f32 v1, v6  }
0x18e: {  	v6 =	vmul.f32 v3, v7;
	v3 =	vld [tilespmem:s25+$0xA460]  }
0x18f: {  	s8 =	simm.s32 $0x80;
	[tilespmem:s25+$0x12420] =	vst v1;
	v1 =	vld [tilespmem:s25+$0x2460]  }
0x190: {  	s9 =	simm.s32 $0x400;
	v5 =	vld [tilespmem:s8+$0x2470];
	[tilespmem:s25+$0x12430] =	vst v6;
	v4 =	vmul.f32 v63, v4  }
.LBB2_12:
0x191: {  	p0 =	sne.s32 s9, $0x7E00;
	v6 =	vld [tilespmem:s8+$0xA470]  }
0x192: {  	v7 =	vld [tilespmem:s8+$0x2400];
	[tilespmem:s25+$0x12440] =	vst v4;
	v0 =	vmul.f32 v2, v0  }
0x193: {  	v2 =	vld [tilespmem:s8+$0xA400]  }
0x194: {  	v4 =	vld [tilespmem:s8+$0x2410];
	[tilespmem:s25+$0x12450] =	vst v0;
	v0 =	vmul.f32 v3, v1  }
0x195: {  	v1 =	vld [tilespmem:s8+$0xA410]  }
0x196: {  	v3 =	vld [tilespmem:s8+$0x2420];
	v5 =	vmul.f32 v6, v5;
	[tilespmem:s25+$0x12460] =	vst v0;
	s25 =	smov.u32 s8  }
0x197: {  	v0 =	vld [tilespmem:s25+$0xA420]  }
0x198: {  	v2 =	vmul.f32 v2, v7;
	v6 =	vld [tilespmem:s25+$0x2430];
	[tilespmem:s25+$0x12470] =	vst v5  }
0x199: {  	v5 =	vld [tilespmem:s25+$0xA430]  }
0x19a: {  	[tilespmem:s25+$0x12400] =	vst v2;
	v1 =	vmul.f32 v1, v4;
	v4 =	vld [tilespmem:s25+$0x2440]  }
0x19b: {  	v7 =	vld [tilespmem:s25+$0xA440]  }
.Ltmp5:
0x19c: {  	[tilespmem:s25+$0x12410] =	vst v1;
	v1 =	vmul.f32 v0, v3;
	v0 =	vld [tilespmem:s25+$0x2450];
	(pc) =	sbr.rel @p0 .LBB2_12-.Ltmp5, $4  }
0x19d: {  	v2 =	vld [tilespmem:s25+$0xA450]  }
0x19e: {  	[tilespmem:s25+$0x12420] =	vst v1;
	v6 =	vmul.f32 v5, v6;
	v1 =	vld [tilespmem:s25+$0x2460]  }
0x19f: {  	s8 =	sshra.s32 s9, $0x2;
	v3 =	vld [tilespmem:s25+$0xA460]  }
0x1a0: {  	s9 =	sadd.s32 $0x200, s9;
	v5 =	vld [tilespmem:s8+$0x2470];
	[tilespmem:s25+$0x12430] =	vst v6;
	v4 =	vmul.f32 v7, v4  }
0x1a1: {  	v6 =	vld [tilespmem:s8+$0xA470]  }
0x1a2: {  	v7 =	vld [tilespmem:s8+$0x2400]  }
0x1a3: {  	v8 =	vld [tilespmem:s8+$0xA400]  }
0x1a4: {  	v9 =	vld [tilespmem:s8+$0x2410]  }
0x1a5: {  	v10 =	vld [tilespmem:s8+$0xA410]  }
0x1a6: {  	v11 =	vld [tilespmem:s8+$0x2420]  }
0x1a7: {  	v12 =	vld [tilespmem:s8+$0x2430]  }
0x1a8: {  	v5 =	vmul.f32 v6, v5;
	v6 =	vld [tilespmem:s8+$0xA420]  }
0x1a9: {  	v60 =	vld [tilespmem:s8+$0x2440]  }
0x1aa: {  	v61 =	vld [tilespmem:s8+$0xA440];
	v7 =	vmul.f32 v8, v7  }
0x1ab: {  	v62 =	vld [tilespmem:s8+$0xA450];
	[tilespmem:s8+$0x12470] =	vst v5  }
0x1ac: {  	v5 =	vld [tilespmem:s8+$0xA430];
	[tilespmem:s8+$0x12400] =	vst v7;
	v7 =	vmul.f32 v10, v9  }
0x1ad: {  	v0 =	vmul.f32 v2, v0;
	v2 =	vld [tilespmem:s8+$0xA460];
	v6 =	vmul.f32 v6, v11  }
0x1ae: {  	[tilespmem:s8+$0x12410] =	vst v7;
	v7 =	vld [tilespmem:s8+$0x2450]  }
0x1af: {  	[tilespmem:s8+$0x12420] =	vst v6;
	v6 =	vld [tilespmem:s8+$0x2460]  }
0x1b0: {  	[tilespmem:s25+$0x12440] =	vst v4;
	v1 =	vmul.f32 v3, v1  }
0x1b1: {  	[tilespmem:s25+$0x12450] =	vst v0;
	v0 =	vmul.f32 v5, v12  }
0x1b2: {  	[tilespmem:s25+$0x12460] =	vst v1;
	v1 =	vmul.f32 v61, v60  }
0x1b3: {  	[tilespmem:s8+$0x12430] =	vst v0;
	v0 =	vmul.f32 v62, v7  }
0x1b4: {  	[tilespmem:s8+$0x12440] =	vst v1;
	v1 =	vmul.f32 v2, v6  }
0x1b5: {  	[tilespmem:s8+$0x12450] =	vst v0  }
0x1b6: {  	s25 =	simm.s32 $0x0;
	[tilespmem:s8+$0x12460] =	vst v1  }
0x1b7: {  	[hbm4b:s12+s25] =	stream.linear.scatter [tilespmem:s24], [sflag:$0x6], $0x2000, $0x38;
	[tilespmem:$0x18400] =	vst v63  }
0x1b8: {  	_ =	swait.ge [sflag:s31], $0x2000  }
0x1b9: {  	[sflag:s31] =	ssyncset.done $0x0  }
0x1ba: {  	[sflag:s31] =	ssyncadd.s32 $0xFFFFE000  }
0x1bb: {  	_ =	swait.ge [sflag:s31], $0x2000  }
0x1bc: {  	[sflag:s31] =	ssyncset.done $0x0  }
0x1bd: {  	[sflag:s31] =	ssyncadd.s32 $0xFFFFE000  }
0x1be: {  	_ =	swait.ge [sflag:s5], $0x2000  }
0x1bf: {  	[sflag:s5] =	ssyncset.done $0x0  }
0x1c0: {  	s25 =	simm.s32 $0x0;
	[sflag:s5] =	ssyncadd.s32 $0xFFFFE000  }
0x1c1: {  	v0 =	vld [tilespmem:s25+$0x4470]  }
0x1c2: {  	v1 =	vld [tilespmem:s25+$0xC470]  }
0x1c3: {  	v2 =	vld [tilespmem:s25+$0x4400]  }
0x1c4: {  	v3 =	vld [tilespmem:s25+$0xC400]  }
0x1c5: {  	v4 =	vld [tilespmem:s25+$0x4410]  }
0x1c6: {  	v5 =	vld [tilespmem:s25+$0xC410]  }
0x1c7: {  	v6 =	vld [tilespmem:s25+$0x4420]  }
0x1c8: {  	v7 =	vld [tilespmem:s25+$0x4430]  }
0x1c9: {  	v0 =	vmul.f32 v1, v0;
	v1 =	vld [tilespmem:s25+$0xC420]  }
0x1ca: {  	v2 =	vmul.f32 v3, v2;
	v3 =	vld [tilespmem:s25+$0xC430]  }
0x1cb: {  	v63 =	vld [tilespmem:s25+$0xC440]  }
0x1cc: {  	[tilespmem:s25+$0x14470] =	vst v0;
	v0 =	vmul.f32 v5, v4;
	v4 =	vld [tilespmem:s25+$0x4440]  }
0x1cd: {  	[tilespmem:s25+$0x14400] =	vst v2;
	v2 =	vld [tilespmem:s25+$0xC450]  }
0x1ce: {  	[tilespmem:s25+$0x14410] =	vst v0;
	v0 =	vld [tilespmem:s25+$0x4450];
	v1 =	vmul.f32 v1, v6  }
0x1cf: {  	v6 =	vmul.f32 v3, v7;
	v3 =	vld [tilespmem:s25+$0xC460]  }
0x1d0: {  	s8 =	simm.s32 $0x80;
	[tilespmem:s25+$0x14420] =	vst v1;
	v1 =	vld [tilespmem:s25+$0x4460]  }
0x1d1: {  	s9 =	simm.s32 $0x400;
	v5 =	vld [tilespmem:s8+$0x4470];
	[tilespmem:s25+$0x14430] =	vst v6;
	v4 =	vmul.f32 v63, v4  }
.LBB2_14:
0x1d2: {  	p0 =	sne.s32 s9, $0x7E00;
	v6 =	vld [tilespmem:s8+$0xC470]  }
0x1d3: {  	v7 =	vld [tilespmem:s8+$0x4400];
	[tilespmem:s25+$0x14440] =	vst v4;
	v0 =	vmul.f32 v2, v0  }
0x1d4: {  	v2 =	vld [tilespmem:s8+$0xC400]  }
0x1d5: {  	v4 =	vld [tilespmem:s8+$0x4410];
	[tilespmem:s25+$0x14450] =	vst v0;
	v0 =	vmul.f32 v3, v1  }
0x1d6: {  	v1 =	vld [tilespmem:s8+$0xC410]  }
0x1d7: {  	v3 =	vld [tilespmem:s8+$0x4420];
	v5 =	vmul.f32 v6, v5;
	[tilespmem:s25+$0x14460] =	vst v0;
	s25 =	smov.u32 s8  }
0x1d8: {  	v0 =	vld [tilespmem:s25+$0xC420]  }
0x1d9: {  	v2 =	vmul.f32 v2, v7;
	v6 =	vld [tilespmem:s25+$0x4430];
	[tilespmem:s25+$0x14470] =	vst v5  }
0x1da: {  	v5 =	vld [tilespmem:s25+$0xC430]  }
0x1db: {  	[tilespmem:s25+$0x14400] =	vst v2;
	v1 =	vmul.f32 v1, v4;
	v4 =	vld [tilespmem:s25+$0x4440]  }
0x1dc: {  	v7 =	vld [tilespmem:s25+$0xC440]  }
.Ltmp6:
0x1dd: {  	[tilespmem:s25+$0x14410] =	vst v1;
	v1 =	vmul.f32 v0, v3;
	v0 =	vld [tilespmem:s25+$0x4450];
	(pc) =	sbr.rel @p0 .LBB2_14-.Ltmp6, $4  }
0x1de: {  	v2 =	vld [tilespmem:s25+$0xC450]  }
0x1df: {  	[tilespmem:s25+$0x14420] =	vst v1;
	v6 =	vmul.f32 v5, v6;
	v1 =	vld [tilespmem:s25+$0x4460]  }
0x1e0: {  	s8 =	sshra.s32 s9, $0x2;
	v3 =	vld [tilespmem:s25+$0xC460]  }
0x1e1: {  	s9 =	sadd.s32 $0x200, s9;
	v5 =	vld [tilespmem:s8+$0x4470];
	[tilespmem:s25+$0x14430] =	vst v6;
	v4 =	vmul.f32 v7, v4  }
0x1e2: {  	v6 =	vld [tilespmem:s8+$0xC470]  }
0x1e3: {  	v7 =	vld [tilespmem:s8+$0x4400]  }
0x1e4: {  	v8 =	vld [tilespmem:s8+$0xC400]  }
0x1e5: {  	v9 =	vld [tilespmem:s8+$0x4410]  }
0x1e6: {  	v10 =	vld [tilespmem:s8+$0xC410]  }
0x1e7: {  	v11 =	vld [tilespmem:s8+$0x4420]  }
0x1e8: {  	v12 =	vld [tilespmem:s8+$0x4430]  }
0x1e9: {  	v5 =	vmul.f32 v6, v5;
	v6 =	vld [tilespmem:s8+$0xC420]  }
0x1ea: {  	v60 =	vld [tilespmem:s8+$0x4440]  }
0x1eb: {  	v61 =	vld [tilespmem:s8+$0xC440];
	v7 =	vmul.f32 v8, v7  }
0x1ec: {  	v62 =	vld [tilespmem:s8+$0xC450];
	[tilespmem:s8+$0x14470] =	vst v5  }
0x1ed: {  	v5 =	vld [tilespmem:s8+$0xC430];
	[tilespmem:s8+$0x14400] =	vst v7;
	v7 =	vmul.f32 v10, v9  }
0x1ee: {  	v0 =	vmul.f32 v2, v0;
	v2 =	vld [tilespmem:s8+$0xC460];
	v6 =	vmul.f32 v6, v11  }
0x1ef: {  	[tilespmem:s8+$0x14410] =	vst v7;
	v7 =	vld [tilespmem:s8+$0x4450]  }
0x1f0: {  	[tilespmem:s8+$0x14420] =	vst v6;
	v6 =	vld [tilespmem:s8+$0x4460]  }
0x1f1: {  	[tilespmem:s25+$0x14440] =	vst v4;
	v1 =	vmul.f32 v3, v1  }
0x1f2: {  	[tilespmem:s25+$0x14450] =	vst v0;
	v0 =	vmul.f32 v5, v12  }
0x1f3: {  	[tilespmem:s25+$0x14460] =	vst v1;
	v1 =	vmul.f32 v61, v60  }
0x1f4: {  	[tilespmem:s8+$0x14430] =	vst v0;
	v0 =	vmul.f32 v62, v7  }
0x1f5: {  	[tilespmem:s8+$0x14440] =	vst v1;
	v1 =	vmul.f32 v2, v6  }
0x1f6: {  	[tilespmem:s8+$0x14450] =	vst v0  }
0x1f7: {  	s25 =	simm.s32 $0x0;
	[tilespmem:s8+$0x14460] =	vst v1  }
0x1f8: {  	[hbm4b:s13+s25] =	stream.linear.scatter [tilespmem:s22], [sflag:$0x7], $0x2000, $0x38;
	[tilespmem:$0x18400] =	vst v63  }
0x1f9: {  	_ =	swait.ge [sflag:s16], $0x2000  }
0x1fa: {  	[sflag:s16] =	ssyncset.done $0x0  }
0x1fb: {  	[sflag:s16] =	ssyncadd.s32 $0xFFFFE000  }
0x1fc: {  	_ =	swait.ge [sflag:s16], $0x2000  }
0x1fd: {  	[sflag:s16] =	ssyncset.done $0x0  }
0x1fe: {  	[sflag:s16] =	ssyncadd.s32 $0xFFFFE000  }
0x1ff: {  	_ =	swait.ge [sflag:s23], $0x2000  }
0x200: {  	[sflag:s23] =	ssyncset.done $0x0  }
0x201: {  	s25 =	simm.s32 $0x0;
	[sflag:s23] =	ssyncadd.s32 $0xFFFFE000  }
0x202: {  	v0 =	vld [tilespmem:s25+$0x6470]  }
0x203: {  	v1 =	vld [tilespmem:s25+$0xE470]  }
0x204: {  	v2 =	vld [tilespmem:s25+$0x6400]  }
0x205: {  	v3 =	vld [tilespmem:s25+$0xE400]  }
0x206: {  	v4 =	vld [tilespmem:s25+$0x6410]  }
0x207: {  	v5 =	vld [tilespmem:s25+$0xE410]  }
0x208: {  	v6 =	vld [tilespmem:s25+$0x6420]  }
0x209: {  	v7 =	vld [tilespmem:s25+$0x6430]  }
0x20a: {  	v0 =	vmul.f32 v1, v0;
	v1 =	vld [tilespmem:s25+$0xE420]  }
0x20b: {  	v2 =	vmul.f32 v3, v2;
	v3 =	vld [tilespmem:s25+$0xE430]  }
0x20c: {  	v63 =	vld [tilespmem:s25+$0xE440]  }
0x20d: {  	[tilespmem:s25+$0x16470] =	vst v0;
	v0 =	vmul.f32 v5, v4;
	v4 =	vld [tilespmem:s25+$0x6440]  }
0x20e: {  	[tilespmem:s25+$0x16400] =	vst v2;
	v2 =	vld [tilespmem:s25+$0xE450]  }
0x20f: {  	[tilespmem:s25+$0x16410] =	vst v0;
	v0 =	vld [tilespmem:s25+$0x6450];
	v1 =	vmul.f32 v1, v6  }
0x210: {  	v6 =	vmul.f32 v3, v7;
	v3 =	vld [tilespmem:s25+$0xE460]  }
0x211: {  	s8 =	simm.s32 $0x80;
	[tilespmem:s25+$0x16420] =	vst v1;
	v1 =	vld [tilespmem:s25+$0x6460]  }
0x212: {  	s9 =	simm.s32 $0x400;
	v5 =	vld [tilespmem:s8+$0x6470];
	[tilespmem:s25+$0x16430] =	vst v6;
	v4 =	vmul.f32 v63, v4  }
.LBB2_16:
0x213: {  	p0 =	sne.s32 s9, $0x7E00;
	v6 =	vld [tilespmem:s8+$0xE470]  }
0x214: {  	v7 =	vld [tilespmem:s8+$0x6400];
	[tilespmem:s25+$0x16440] =	vst v4;
	v0 =	vmul.f32 v2, v0  }
0x215: {  	v2 =	vld [tilespmem:s8+$0xE400]  }
0x216: {  	v4 =	vld [tilespmem:s8+$0x6410];
	[tilespmem:s25+$0x16450] =	vst v0;
	v0 =	vmul.f32 v3, v1  }
0x217: {  	v1 =	vld [tilespmem:s8+$0xE410]  }
0x218: {  	v3 =	vld [tilespmem:s8+$0x6420];
	v5 =	vmul.f32 v6, v5;
	[tilespmem:s25+$0x16460] =	vst v0;
	s25 =	smov.u32 s8  }
0x219: {  	v0 =	vld [tilespmem:s25+$0xE420]  }
0x21a: {  	v2 =	vmul.f32 v2, v7;
	v6 =	vld [tilespmem:s25+$0x6430];
	[tilespmem:s25+$0x16470] =	vst v5  }
0x21b: {  	v5 =	vld [tilespmem:s25+$0xE430]  }
0x21c: {  	[tilespmem:s25+$0x16400] =	vst v2;
	v1 =	vmul.f32 v1, v4;
	v4 =	vld [tilespmem:s25+$0x6440]  }
0x21d: {  	v7 =	vld [tilespmem:s25+$0xE440]  }
.Ltmp7:
0x21e: {  	[tilespmem:s25+$0x16410] =	vst v1;
	v1 =	vmul.f32 v0, v3;
	v0 =	vld [tilespmem:s25+$0x6450];
	(pc) =	sbr.rel @p0 .LBB2_16-.Ltmp7, $4  }
0x21f: {  	v2 =	vld [tilespmem:s25+$0xE450]  }
0x220: {  	[tilespmem:s25+$0x16420] =	vst v1;
	v6 =	vmul.f32 v5, v6;
	v1 =	vld [tilespmem:s25+$0x6460]  }
0x221: {  	s8 =	sshra.s32 s9, $0x2;
	v3 =	vld [tilespmem:s25+$0xE460]  }
0x222: {  	s9 =	sadd.s32 $0x200, s9;
	v5 =	vld [tilespmem:s8+$0x6470];
	[tilespmem:s25+$0x16430] =	vst v6;
	v4 =	vmul.f32 v7, v4  }
0x223: {  	v6 =	vld [tilespmem:s8+$0xE470]  }
0x224: {  	v7 =	vld [tilespmem:s8+$0x6400]  }
0x225: {  	v8 =	vld [tilespmem:s8+$0xE400]  }
0x226: {  	v9 =	vld [tilespmem:s8+$0x6410]  }
0x227: {  	v10 =	vld [tilespmem:s8+$0xE410]  }
0x228: {  	v11 =	vld [tilespmem:s8+$0x6420]  }
0x229: {  	v51 =	vld [tilespmem:s8+$0xE420]  }
0x22a: {  	v12 =	vld [tilespmem:s8+$0x6430]  }
0x22b: {  	v52 =	vld [tilespmem:s8+$0xE430]  }
0x22c: {  	v54 =	vld [tilespmem:s8+$0x6440]  }
0x22d: {  	v55 =	vld [tilespmem:s8+$0xE440];
	v0 =	vmul.f32 v2, v0  }
0x22e: {  	v56 =	vld [tilespmem:s8+$0x6450];
	[tilespmem:s25+$0x16440] =	vst v4;
	v1 =	vmul.f32 v3, v1  }
0x22f: {  	v57 =	vld [tilespmem:s8+$0xE450];
	[tilespmem:s25+$0x16450] =	vst v0;
	v5 =	vmul.f32 v6, v5  }
0x230: {  	v58 =	vld [tilespmem:s8+$0x6460];
	v7 =	vmul.f32 v8, v7;
	[tilespmem:s25+$0x16460] =	vst v1  }
0x231: {  	v59 =	vld [tilespmem:s8+$0xE460];
	v53 =	vmul.f32 v10, v9;
	[tilespmem:s8+$0x16470] =	vst v5  }
0x232: {  	v6 =	vmul.f32 v51, v11;
	[tilespmem:s8+$0x16400] =	vst v7  }
0x233: {  	v60 =	vmul.f32 v52, v12;
	[tilespmem:s8+$0x16410] =	vst v53  }
0x234: {  	v61 =	vmul.f32 v55, v54;
	[tilespmem:s8+$0x16420] =	vst v6  }
0x235: {  	v62 =	vmul.f32 v57, v56;
	[tilespmem:s8+$0x16430] =	vst v60  }
0x236: {  	v63 =	vmul.f32 v59, v58;
	[tilespmem:s8+$0x16440] =	vst v61  }
0x237: {  	[tilespmem:s8+$0x16450] =	vst v62  }
0x238: {  	[tilespmem:s8+$0x16460] =	vst v63  }
0x239: {  	[hbm4b:s14+s4] =	stream.linear.scatter [tilespmem:s19], [sflag:$0x8], $0x2000, $0x38;
	[tilespmem:$0x18400] =	vst v63  }
0x23a: {  	_ =	swait.ge [sflag:s20], $0x2000  }
0x23b: {  	[sflag:s20] =	ssyncset.done $0x0  }
0x23c: {  	[sflag:s20] =	ssyncadd.s32 $0xFFFFE000  }
0x23d: {  	_ =	swait.ge [sflag:s21], $0x2000  }
0x23e: {  	[sflag:s21] =	ssyncset.done $0x0  }
0x23f: {  	s6 =	sadd.s32 $0x1, s6;
	[sflag:s21] =	ssyncadd.s32 $0xFFFFE000  }
0x240: {  	p0 =	sne.s32 s6, s15;
	_ =	swait.ge [sflag:s5], $0x2000  }
.Ltmp8:
0x241: {  	[sflag:s5] =	ssyncset.done $0x0;
	(pc) =	sbr.rel @p0 .LBB2_1-.Ltmp8, $4  }
0x242: {  	[sflag:s5] =	ssyncadd.s32 $0xFFFFE000  }
0x243: {  	_ =	swait.ge [sflag:s23], $0x2000  }
0x244: {  	[sflag:s23] =	ssyncset.done $0x0  }
0x245: {  	[sflag:s23] =	ssyncadd.s32 $0xFFFFE000  }
0x246: {  	_ =	sfence.sel $0x180000  }
0x247: {  	[bflag:$0x0] =	sbarrier.arrive $0xFFFF  }
0x248: {  	_ =	strace $0x90000047  }
0x249: {  	s0 =	stileid.u32;
	[bflag:$0x2] =	sbarrier.arrive $0xFFFF  }
0x24a: {  	p0 =	sne.s32 s0, $0x0;
	s0 =	rddreg [dreg:$0x5]  }
0x24b: {  	s0 =	sadd.s32 @!p0 $0x100000, s0  }
0x24c: {  	[sflag:s0] =	ssyncadd.tile.s32 @!p0 $0x1;
	_ =	shalt  }
.Lfunc_end2:
_tile_overlayer_lowered:
.L_overlay_start_2:
0x24d: {  	(tag) =	ssettag $0x2  }
0x24e: {  	s0 =	rddreg [dreg:$0x0];
	s2 =	stileid.u32  }
0x24f: {  	s1 =	rddreg [dreg:$0x1];
	p0 =	sne.s32 s2, $0x0  }
0x250: {  	s3 =	rddreg [dreg:$0x2];
	[bflag:$0x3] =	sbarrier.arrive $0xFFFF;
	s2 =	simm.s32 @!p0 $0x1C0A  }
0x251: {  	[timem:s3], [sflag:s2] =	dma.local @!p0 [hbm:s0], s1  }
0x252: {  	s0 =	simm.s32 @!p0 $0xA  }
0x253: {  	_ =	swait.ge @!p0 [sflag:s0], s1  }
0x254: {  	s1 =	ssub.s32 @!p0 $0x0, s1;
	[sflag:s0] =	ssyncset.done @!p0 $0x0  }
0x255: {  	[sflag:s0] =	ssyncadd.s32 @!p0 s1  }
0x256: {  	[bflag:$0x3] =	sbarrier.arrive $0xFFFF  }
0x257: {  	_ =	shalt  }

</sc_bundles>
